<compile_context>
chip_gen: v7x
topology: tpu7x:2x2x1
jax: 0.10.2.dev20260603
libtpu: 0.0.44.dev20260713+nightly
codegen_flags: <defaults>
</compile_context>

<pallas_src>
import jax
import jax.numpy as jnp
from jax import lax
from jax.experimental import pallas as pl
from jax.experimental.pallas import tpu as pltpu
from jax.experimental.pallas import tpu_sc as plsc

T, B = 200, 16384
VOCAB, DIM = 115, 6
N = T * B
NC, NS, L = 2, 16, 16
NW = NC * NS
TR, BC = T // 8, B // 128
NTILES = N // 128
NUNITS = TR * BC
UPW = NUNITS // NW
GROUPS = 64


def _sc_kernel(table_hbm, idx_hbm, out_hbm,
               table_v, idx0, idx1, out0, out1,
               sem_i0, sem_i1, sem_o0, sem_o1):
    wid = lax.axis_index("s") * NC + lax.axis_index("c")
    ubase = wid * UPW

    pltpu.sync_copy(table_hbm, table_v)

    def start_idx(c, buf, sem):
        u = ubase + c
        pltpu.async_copy(idx_hbm.at[pl.ds(u, 1)], buf, sem)

    def wait_idx(c, buf, sem):
        u = ubase + c
        pltpu.make_async_copy(idx_hbm.at[pl.ds(u, 1)], buf, sem).wait()

    def out_tile0(c):
        u = ubase + c
        tr = u // BC
        bc = u % BC
        return (8 * tr) * BC + bc

    def start_out(c, buf, sem):
        t0 = out_tile0(c)
        for r in range(8):
            pltpu.async_copy(
                buf.at[pl.ds(r, 1)], out_hbm.at[pl.ds(t0 + r * BC, 1)], sem)

    def wait_out(c, buf, sem):
        t0 = out_tile0(c)
        for r in range(8):
            pltpu.make_async_copy(
                buf.at[pl.ds(r, 1)], out_hbm.at[pl.ds(t0 + r * BC, 1)],
                sem).wait()

    def compute(ibuf, obuf):
        @plsc.parallel_loop(0, GROUPS, unroll=8)
        def _(j):
            tv = ibuf[0, j // 8, pl.ds((j % 8) * L, L)]
            for d in range(DIM):
                vals = plsc.load_gather(
                    table_v.at[pl.ds(d * 128, 128)], [tv])
                obuf[j // 8, d, pl.ds((j % 8) * L, L)] = vals

    start_idx(0, idx0, sem_i0)

    def pair_body(p, _):
        c0 = p * 2
        c1 = c0 + 1
        start_idx(c1, idx1, sem_i1)
        wait_idx(c0, idx0, sem_i0)

        @pl.when(p > 0)
        def _():
            wait_out(c0 - 2, out0, sem_o0)
        compute(idx0, out0)
        start_out(c0, out0, sem_o0)

        @pl.when(p < UPW // 2 - 1)
        def _():
            start_idx(c0 + 2, idx0, sem_i0)
        wait_idx(c1, idx1, sem_i1)

        @pl.when(p > 0)
        def _():
            wait_out(c1 - 2, out1, sem_o1)
        compute(idx1, out1)
        start_out(c1, out1, sem_o1)
        return 0

    lax.fori_loop(0, UPW // 2, pair_body, 0)
    wait_out(UPW - 2, out0, sem_o0)
    wait_out(UPW - 1, out1, sem_o1)


@jax.jit
def kernel(inputs, W):
    idx_tiles = (inputs.astype(jnp.int32)
                 .reshape(TR, 8, BC, 128)
                 .transpose(0, 2, 1, 3)
                 .reshape(NUNITS, 8, 128))
    table_planar = jnp.zeros((8, 128), jnp.float32).at[:DIM, :VOCAB].set(W.T)

    mesh = plsc.VectorSubcoreMesh(core_axis_name="c", subcore_axis_name="s")
    out_tiles = pl.kernel(
        _sc_kernel,
        out_type=jax.ShapeDtypeStruct((NTILES, 8, 128), jnp.float32),
        mesh=mesh,
        compiler_params=pltpu.CompilerParams(
            needs_layout_passes=False,
            use_tc_tiling_on_sc=False,
        ),
        scratch_types=[
            pltpu.VMEM((8 * 128,), jnp.float32),
            pltpu.VMEM((1, 8, 128), jnp.int32),
            pltpu.VMEM((1, 8, 128), jnp.int32),
            pltpu.VMEM((8, 8, 128), jnp.float32),
            pltpu.VMEM((8, 8, 128), jnp.float32),
            pltpu.SemaphoreType.DMA,
            pltpu.SemaphoreType.DMA,
            pltpu.SemaphoreType.DMA,
            pltpu.SemaphoreType.DMA,
        ],
    )(table_planar.reshape(-1), idx_tiles)
    st = out_tiles.transpose(0, 2, 1).reshape(N, 8)[:, :DIM]
    return st

# --- scband reference (transcript-rebuilt; emitter-appended) ---
"""Pipeline reference for scband-action-encoder-83399674954216 (READ-ONLY COPY).

The authoritative reference and input builder live on the scoring server;
editing this copy changes nothing except your own understanding.
"""

import jax, jax.numpy as jnp
import numpy as np

T, B = 200, 16384
VOCAB, DIM = 115, 6

def setup_inputs(seed: int = 0) -> dict:
    key = jax.random.key(seed)
    k1, k2 = jax.random.split(key)
    inputs = jax.random.randint(k1, (T, B), 0, VOCAB, dtype=jnp.int64 if jax.config.jax_enable_x64 else jnp.int32)
    W = jax.random.normal(k2, (VOCAB, DIM), dtype=jnp.float32)
    return {"inputs": inputs, "W": W}

def reference(inputs, W):
    # select(): index_select on flattened indices, then reshape back
    flat = inputs.reshape(-1)
    emb = jnp.take(W, flat, axis=0)              # [(T*B), DIM]
    action_emb = emb.reshape(inputs.shape + (DIM,))  # [T, B, DIM]
    # torch.cat of single tensor along -1 is identity
    # rearrange 'T B H -> (T B) H'
    st = action_emb.reshape(-1, DIM)
    return st

if __name__ == "__main__":
    import jax
    _d = setup_inputs()
    print(jax.jit(kernel)(*tuple(_d.values())))

</pallas_src>

<mosaic_0001>
#map = affine_map<(d0, d1) -> (0)>
#map1 = affine_map<(d0, d1) -> (0, 0, 0)>
module attributes {stable_mosaic.version = 14 : i64} {
  func.func @_sc_kernel(%arg0: i32, %arg1: i32, %arg2: memref<1024xf32, #tpu.memory_space<hbm>>, %arg3: memref<3200x8x128xi32, #tpu.memory_space<hbm>>, %arg4: memref<25600x8x128xf32, #tpu.memory_space<hbm>>, %arg5: memref<1024xf32, #tpu.memory_space<vmem>>, %arg6: memref<1x8x128xi32, #tpu.memory_space<vmem>>, %arg7: memref<1x8x128xi32, #tpu.memory_space<vmem>>, %arg8: memref<8x8x128xf32, #tpu.memory_space<vmem>>, %arg9: memref<8x8x128xf32, #tpu.memory_space<vmem>>, %arg10: memref<!tpu.dma_semaphore, #tpu.memory_space<semaphore_mem>>, %arg11: memref<!tpu.dma_semaphore, #tpu.memory_space<semaphore_mem>>, %arg12: memref<!tpu.dma_semaphore, #tpu.memory_space<semaphore_mem>>, %arg13: memref<!tpu.dma_semaphore, #tpu.memory_space<semaphore_mem>>) attributes {dimension_semantics = [#tpu.dimension_semantics<core_parallel>, #tpu.dimension_semantics<subcore_parallel>], iteration_bounds = array<i64: 2, 16>, scalar_prefetch = 0 : i64, scratch_operands = 9 : i64, tpu.core_type = #tpu.core_type<sc_vector_subcore>, window_params = [{transform_indices = #map}, {transform_indices = #map1}, {transform_indices = #map1}]} {
    %mul3A = arith.constant 2 : i32
    %mul3A_0 = arith.muli %arg1, %mul3A : i32
    %add3A = arith.addi %mul3A_0, %arg0 : i32
    %mul3A_1 = arith.constant 100 : i32
    %mul3A_2 = arith.muli %add3A, %mul3A_1 : i32
    "tpu.region"() ({
      %run_scoped3A = tpu.sem_alloc : memref<!tpu.dma_semaphore, #tpu.memory_space<semaphore_mem>>
      tpu.enqueue_dma source(%arg2 : memref<1024xf32, #tpu.memory_space<hbm>>) target(%arg5 : memref<1024xf32, #tpu.memory_space<vmem>>) target_semaphore(%run_scoped3A : memref<!tpu.dma_semaphore, #tpu.memory_space<semaphore_mem>>)
      tpu.wait_dma2 semaphore(%run_scoped3A : memref<!tpu.dma_semaphore, #tpu.memory_space<semaphore_mem>>) src(%arg2 : memref<1024xf32, #tpu.memory_space<hbm>>) dst(%arg5 : memref<1024xf32, #tpu.memory_space<vmem>>)
      tpu.yield
    }) : () -> ()
    %add3A_3 = arith.constant 0 : i32
    %add3A_4 = arith.addi %mul3A_2, %add3A_3 : i32
    %dma_start3A = arith.constant 0 : i32
    %dma_start3A_5 = arith.constant 0 : i32
    %dma_start3A_6 = tpu.memref_slice %arg3[%add3A_4, %dma_start3A, %dma_start3A_5] : memref<3200x8x128xi32, #tpu.memory_space<hbm>> -> memref<1x8x128xi32, #tpu.memory_space<hbm>>
    %dma_start3A_7 = arith.constant 0 : i32
    %dma_start3A_8 = arith.constant 0 : i32
    %dma_start3A_9 = tpu.memref_slice %arg3[%add3A_4, %dma_start3A_7, %dma_start3A_8] : memref<3200x8x128xi32, #tpu.memory_space<hbm>> -> memref<1x8x128xi32, #tpu.memory_space<hbm>>
    tpu.enqueue_dma source(%dma_start3A_9 : memref<1x8x128xi32, #tpu.memory_space<hbm>>) target(%arg6 : memref<1x8x128xi32, #tpu.memory_space<vmem>>) target_semaphore(%arg10 : memref<!tpu.dma_semaphore, #tpu.memory_space<semaphore_mem>>)
    %scan3A = arith.constant 0 : i32
    %scan3A_10 = arith.constant 0 : i32
    %scan3A_11 = arith.constant 50 : i32
    %scan3A_12 = arith.addi %scan3A_10, %scan3A_11 : i32
    %scan3A_13 = arith.constant 1 : i32
    %scan3A_14 = scf.for %scan3A_355 = %scan3A_10 to %scan3A_12 step %scan3A_13 iter_args(%scan3A_356 = %scan3A) -> (i32)  : i32 {
      %mul3A_357 = arith.constant 2 : i32
      %mul3A_358 = arith.muli %scan3A_355, %mul3A_357 : i32
      %add3A_359 = arith.constant 1 : i32
      %add3A_360 = arith.addi %mul3A_358, %add3A_359 : i32
      %add3A_361 = arith.addi %mul3A_2, %add3A_360 : i32
      %dma_start3A_362 = arith.constant 0 : i32
      %dma_start3A_363 = arith.constant 0 : i32
      %dma_start3A_364 = tpu.memref_slice %arg3[%add3A_361, %dma_start3A_362, %dma_start3A_363] : memref<3200x8x128xi32, #tpu.memory_space<hbm>> -> memref<1x8x128xi32, #tpu.memory_space<hbm>>
      %dma_start3A_365 = arith.constant 0 : i32
      %dma_start3A_366 = arith.constant 0 : i32
      %dma_start3A_367 = tpu.memref_slice %arg3[%add3A_361, %dma_start3A_365, %dma_start3A_366] : memref<3200x8x128xi32, #tpu.memory_space<hbm>> -> memref<1x8x128xi32, #tpu.memory_space<hbm>>
      tpu.enqueue_dma source(%dma_start3A_367 : memref<1x8x128xi32, #tpu.memory_space<hbm>>) target(%arg7 : memref<1x8x128xi32, #tpu.memory_space<vmem>>) target_semaphore(%arg11 : memref<!tpu.dma_semaphore, #tpu.memory_space<semaphore_mem>>)
      %add3A_368 = arith.addi %mul3A_2, %mul3A_358 : i32
      %dma_wait3A_369 = arith.constant 0 : i32
      %dma_wait3A_370 = arith.constant 0 : i32
      %dma_wait3A_371 = tpu.memref_slice %arg3[%add3A_368, %dma_wait3A_369, %dma_wait3A_370] : memref<3200x8x128xi32, #tpu.memory_space<hbm>> -> memref<1x8x128xi32, #tpu.memory_space<hbm>>
      %dma_wait3A_372 = arith.constant 0 : i32
      %dma_wait3A_373 = arith.constant 0 : i32
      %dma_wait3A_374 = tpu.memref_slice %arg3[%add3A_368, %dma_wait3A_372, %dma_wait3A_373] : memref<3200x8x128xi32, #tpu.memory_space<hbm>> -> memref<1x8x128xi32, #tpu.memory_space<hbm>>
      tpu.wait_dma2 semaphore(%arg10 : memref<!tpu.dma_semaphore, #tpu.memory_space<semaphore_mem>>) src(%dma_wait3A_374 : memref<1x8x128xi32, #tpu.memory_space<hbm>>) dst(%arg6 : memref<1x8x128xi32, #tpu.memory_space<vmem>>)
      %gt3A = arith.constant 0 : i32
      %gt3A_375 = arith.cmpi sgt, %scan3A_355, %gt3A : i32
      %convert_element_type3A = arith.extui %gt3A_375 : i1 to i32
      %cond3A = arith.constant 0 : i32
      %cond3A_376 = arith.cmpi ne, %convert_element_type3A, %cond3A : i32
      scf.if %cond3A_376 {
        %sub3A_748 = arith.constant 2 : i32
        %sub3A_749 = arith.subi %mul3A_358, %sub3A_748 : i32
        %add3A_750 = arith.addi %mul3A_2, %sub3A_749 : i32
        %jit3A_751 = arith.constant 128 : i32
        %div3A_752 = arith.divsi %add3A_750, %jit3A_751 : i32
        %sign3A_753 = arith.constant 0 : i32
        %sign3A_754 = arith.cmpi sgt, %add3A_750, %sign3A_753 : i32
        %sign3A_755 = arith.extui %sign3A_754 : i1 to i32
        %sign3A_756 = arith.constant 0 : i32
        %sign3A_757 = arith.cmpi slt, %add3A_750, %sign3A_756 : i32
        %sign3A_758 = arith.extui %sign3A_757 : i1 to i32
        %sign3A_759 = arith.subi %sign3A_755, %sign3A_758 : i32
        %sign3A_760 = arith.constant 0 : i32
        %sign3A_761 = arith.cmpi sgt, %jit3A_751, %sign3A_760 : i32
        %sign3A_762 = arith.extui %sign3A_761 : i1 to i32
        %sign3A_763 = arith.constant 0 : i32
        %sign3A_764 = arith.cmpi slt, %jit3A_751, %sign3A_763 : i32
        %sign3A_765 = arith.extui %sign3A_764 : i1 to i32
        %sign3A_766 = arith.subi %sign3A_762, %sign3A_765 : i32
        %ne3A_767 = arith.cmpi ne, %sign3A_759, %sign3A_766 : i32
        %rem3A_768 = arith.remsi %add3A_750, %jit3A_751 : i32
        %ne3A_769 = arith.constant 0 : i32
        %ne3A_770 = arith.cmpi ne, %rem3A_768, %ne3A_769 : i32
        %and3A_771 = arith.andi %ne3A_767, %ne3A_770 : i1
        %sub3A_772 = arith.constant 1 : i32
        %sub3A_773 = arith.subi %div3A_752, %sub3A_772 : i32
        %select_n3A_774 = arith.select %and3A_771, %sub3A_773, %div3A_752 : i32
        %jit3A_775 = arith.constant 128 : i32
        %eq3A_776 = arith.constant 0 : i32
        %eq3A_777 = arith.cmpi eq, %jit3A_775, %eq3A_776 : i32
        %jit3A_778 = arith.constant 1 : i32
        %select_n3A_779 = arith.select %eq3A_777, %jit3A_778, %jit3A_775 : i32
        %rem3A_780 = arith.remsi %add3A_750, %select_n3A_779 : i32
        %ne3A_781 = arith.constant 0 : i32
        %ne3A_782 = arith.cmpi ne, %rem3A_780, %ne3A_781 : i32
        %lt3A_783 = arith.constant 0 : i32
        %lt3A_784 = arith.cmpi slt, %rem3A_780, %lt3A_783 : i32
        %lt3A_785 = arith.constant 0 : i32
        %lt3A_786 = arith.cmpi slt, %select_n3A_779, %lt3A_785 : i32
        %ne3A_787 = arith.xori %lt3A_784, %lt3A_786 : i1
        %and3A_788 = arith.andi %ne3A_787, %ne3A_782 : i1
        %add3A_789 = arith.addi %rem3A_780, %select_n3A_779 : i32
        %select_n3A_790 = arith.select %and3A_788, %add3A_789, %rem3A_780 : i32
        %mul3A_791 = arith.constant 8 : i32
        %mul3A_792 = arith.muli %mul3A_791, %select_n3A_774 : i32
        %mul3A_793 = arith.constant 128 : i32
        %mul3A_794 = arith.muli %mul3A_792, %mul3A_793 : i32
        %add3A_795 = arith.addi %mul3A_794, %select_n3A_790 : i32
        %add3A_796 = arith.constant 0 : i32
        %add3A_797 = arith.addi %add3A_795, %add3A_796 : i32
        %dma_wait3A_798 = arith.constant 0 : i32
        %dma_wait3A_799 = arith.constant 0 : i32
        %dma_wait3A_800 = arith.constant 0 : i32
        %dma_wait3A_801 = tpu.memref_slice %arg8[%dma_wait3A_798, %dma_wait3A_799, %dma_wait3A_800] : memref<8x8x128xf32, #tpu.memory_space<vmem>> -> memref<1x8x128xf32, #tpu.memory_space<vmem>>
        %dma_wait3A_802 = arith.constant 0 : i32
        %dma_wait3A_803 = arith.constant 0 : i32
        %dma_wait3A_804 = tpu.memref_slice %arg4[%add3A_797, %dma_wait3A_802, %dma_wait3A_803] : memref<25600x8x128xf32, #tpu.memory_space<hbm>> -> memref<1x8x128xf32, #tpu.memory_space<hbm>>
        %dma_wait3A_805 = arith.constant 0 : i32
        %dma_wait3A_806 = arith.constant 0 : i32
        %dma_wait3A_807 = tpu.memref_slice %arg4[%add3A_797, %dma_wait3A_805, %dma_wait3A_806] : memref<25600x8x128xf32, #tpu.memory_space<hbm>> -> memref<1x8x128xf32, #tpu.memory_space<hbm>>
        %dma_wait3A_808 = arith.constant 0 : i32
        %dma_wait3A_809 = arith.constant 0 : i32
        %dma_wait3A_810 = arith.constant 0 : i32
        %dma_wait3A_811 = tpu.memref_slice %arg8[%dma_wait3A_808, %dma_wait3A_809, %dma_wait3A_810] : memref<8x8x128xf32, #tpu.memory_space<vmem>> -> memref<1x8x128xf32, #tpu.memory_space<vmem>>
        tpu.wait_dma2 semaphore(%arg12 : memref<!tpu.dma_semaphore, #tpu.memory_space<semaphore_mem>>) src(%dma_wait3A_811 : memref<1x8x128xf32, #tpu.memory_space<vmem>>) dst(%dma_wait3A_807 : memref<1x8x128xf32, #tpu.memory_space<hbm>>)
        %add3A_812 = arith.constant 128 : i32
        %add3A_813 = arith.addi %add3A_795, %add3A_812 : i32
        %dma_wait3A_814 = arith.constant 1 : i32
        %dma_wait3A_815 = arith.constant 0 : i32
        %dma_wait3A_816 = arith.constant 0 : i32
        %dma_wait3A_817 = tpu.memref_slice %arg8[%dma_wait3A_814, %dma_wait3A_815, %dma_wait3A_816] : memref<8x8x128xf32, #tpu.memory_space<vmem>> -> memref<1x8x128xf32, #tpu.memory_space<vmem>>
        %dma_wait3A_818 = arith.constant 0 : i32
        %dma_wait3A_819 = arith.constant 0 : i32
        %dma_wait3A_820 = tpu.memref_slice %arg4[%add3A_813, %dma_wait3A_818, %dma_wait3A_819] : memref<25600x8x128xf32, #tpu.memory_space<hbm>> -> memref<1x8x128xf32, #tpu.memory_space<hbm>>
        %dma_wait3A_821 = arith.constant 0 : i32
        %dma_wait3A_822 = arith.constant 0 : i32
        %dma_wait3A_823 = tpu.memref_slice %arg4[%add3A_813, %dma_wait3A_821, %dma_wait3A_822] : memref<25600x8x128xf32, #tpu.memory_space<hbm>> -> memref<1x8x128xf32, #tpu.memory_space<hbm>>
        %dma_wait3A_824 = arith.constant 1 : i32
        %dma_wait3A_825 = arith.constant 0 : i32
        %dma_wait3A_826 = arith.constant 0 : i32
        %dma_wait3A_827 = tpu.memref_slice %arg8[%dma_wait3A_824, %dma_wait3A_825, %dma_wait3A_826] : memref<8x8x128xf32, #tpu.memory_space<vmem>> -> memref<1x8x128xf32, #tpu.memory_space<vmem>>
        tpu.wait_dma2 semaphore(%arg12 : memref<!tpu.dma_semaphore, #tpu.memory_space<semaphore_mem>>) src(%dma_wait3A_827 : memref<1x8x128xf32, #tpu.memory_space<vmem>>) dst(%dma_wait3A_823 : memref<1x8x128xf32, #tpu.memory_space<hbm>>)
        %add3A_828 = arith.constant 256 : i32
        %add3A_829 = arith.addi %add3A_795, %add3A_828 : i32
        %dma_wait3A_830 = arith.constant 2 : i32
        %dma_wait3A_831 = arith.constant 0 : i32
        %dma_wait3A_832 = arith.constant 0 : i32
        %dma_wait3A_833 = tpu.memref_slice %arg8[%dma_wait3A_830, %dma_wait3A_831, %dma_wait3A_832] : memref<8x8x128xf32, #tpu.memory_space<vmem>> -> memref<1x8x128xf32, #tpu.memory_space<vmem>>
        %dma_wait3A_834 = arith.constant 0 : i32
        %dma_wait3A_835 = arith.constant 0 : i32
        %dma_wait3A_836 = tpu.memref_slice %arg4[%add3A_829, %dma_wait3A_834, %dma_wait3A_835] : memref<25600x8x128xf32, #tpu.memory_space<hbm>> -> memref<1x8x128xf32, #tpu.memory_space<hbm>>
        %dma_wait3A_837 = arith.constant 0 : i32
        %dma_wait3A_838 = arith.constant 0 : i32
        %dma_wait3A_839 = tpu.memref_slice %arg4[%add3A_829, %dma_wait3A_837, %dma_wait3A_838] : memref<25600x8x128xf32, #tpu.memory_space<hbm>> -> memref<1x8x128xf32, #tpu.memory_space<hbm>>
        %dma_wait3A_840 = arith.constant 2 : i32
        %dma_wait3A_841 = arith.constant 0 : i32
        %dma_wait3A_842 = arith.constant 0 : i32
        %dma_wait3A_843 = tpu.memref_slice %arg8[%dma_wait3A_840, %dma_wait3A_841, %dma_wait3A_842] : memref<8x8x128xf32, #tpu.memory_space<vmem>> -> memref<1x8x128xf32, #tpu.memory_space<vmem>>
        tpu.wait_dma2 semaphore(%arg12 : memref<!tpu.dma_semaphore, #tpu.memory_space<semaphore_mem>>) src(%dma_wait3A_843 : memref<1x8x128xf32, #tpu.memory_space<vmem>>) dst(%dma_wait3A_839 : memref<1x8x128xf32, #tpu.memory_space<hbm>>)
        %add3A_844 = arith.constant 384 : i32
        %add3A_845 = arith.addi %add3A_795, %add3A_844 : i32
        %dma_wait3A_846 = arith.constant 3 : i32
        %dma_wait3A_847 = arith.constant 0 : i32
        %dma_wait3A_848 = arith.constant 0 : i32
        %dma_wait3A_849 = tpu.memref_slice %arg8[%dma_wait3A_846, %dma_wait3A_847, %dma_wait3A_848] : memref<8x8x128xf32, #tpu.memory_space<vmem>> -> memref<1x8x128xf32, #tpu.memory_space<vmem>>
        %dma_wait3A_850 = arith.constant 0 : i32
        %dma_wait3A_851 = arith.constant 0 : i32
        %dma_wait3A_852 = tpu.memref_slice %arg4[%add3A_845, %dma_wait3A_850, %dma_wait3A_851] : memref<25600x8x128xf32, #tpu.memory_space<hbm>> -> memref<1x8x128xf32, #tpu.memory_space<hbm>>
        %dma_wait3A_853 = arith.constant 0 : i32
        %dma_wait3A_854 = arith.constant 0 : i32
        %dma_wait3A_855 = tpu.memref_slice %arg4[%add3A_845, %dma_wait3A_853, %dma_wait3A_854] : memref<25600x8x128xf32, #tpu.memory_space<hbm>> -> memref<1x8x128xf32, #tpu.memory_space<hbm>>
        %dma_wait3A_856 = arith.constant 3 : i32
        %dma_wait3A_857 = arith.constant 0 : i32
        %dma_wait3A_858 = arith.constant 0 : i32
        %dma_wait3A_859 = tpu.memref_slice %arg8[%dma_wait3A_856, %dma_wait3A_857, %dma_wait3A_858] : memref<8x8x128xf32, #tpu.memory_space<vmem>> -> memref<1x8x128xf32, #tpu.memory_space<vmem>>
        tpu.wait_dma2 semaphore(%arg12 : memref<!tpu.dma_semaphore, #tpu.memory_space<semaphore_mem>>) src(%dma_wait3A_859 : memref<1x8x128xf32, #tpu.memory_space<vmem>>) dst(%dma_wait3A_855 : memref<1x8x128xf32, #tpu.memory_space<hbm>>)
        %add3A_860 = arith.constant 512 : i32
        %add3A_861 = arith.addi %add3A_795, %add3A_860 : i32
        %dma_wait3A_862 = arith.constant 4 : i32
        %dma_wait3A_863 = arith.constant 0 : i32
        %dma_wait3A_864 = arith.constant 0 : i32
        %dma_wait3A_865 = tpu.memref_slice %arg8[%dma_wait3A_862, %dma_wait3A_863, %dma_wait3A_864] : memref<8x8x128xf32, #tpu.memory_space<vmem>> -> memref<1x8x128xf32, #tpu.memory_space<vmem>>
        %dma_wait3A_866 = arith.constant 0 : i32
        %dma_wait3A_867 = arith.constant 0 : i32
        %dma_wait3A_868 = tpu.memref_slice %arg4[%add3A_861, %dma_wait3A_866, %dma_wait3A_867] : memref<25600x8x128xf32, #tpu.memory_space<hbm>> -> memref<1x8x128xf32, #tpu.memory_space<hbm>>
        %dma_wait3A_869 = arith.constant 0 : i32
        %dma_wait3A_870 = arith.constant 0 : i32
        %dma_wait3A_871 = tpu.memref_slice %arg4[%add3A_861, %dma_wait3A_869, %dma_wait3A_870] : memref<25600x8x128xf32, #tpu.memory_space<hbm>> -> memref<1x8x128xf32, #tpu.memory_space<hbm>>
        %dma_wait3A_872 = arith.constant 4 : i32
        %dma_wait3A_873 = arith.constant 0 : i32
        %dma_wait3A_874 = arith.constant 0 : i32
        %dma_wait3A_875 = tpu.memref_slice %arg8[%dma_wait3A_872, %dma_wait3A_873, %dma_wait3A_874] : memref<8x8x128xf32, #tpu.memory_space<vmem>> -> memref<1x8x128xf32, #tpu.memory_space<vmem>>
        tpu.wait_dma2 semaphore(%arg12 : memref<!tpu.dma_semaphore, #tpu.memory_space<semaphore_mem>>) src(%dma_wait3A_875 : memref<1x8x128xf32, #tpu.memory_space<vmem>>) dst(%dma_wait3A_871 : memref<1x8x128xf32, #tpu.memory_space<hbm>>)
        %add3A_876 = arith.constant 640 : i32
        %add3A_877 = arith.addi %add3A_795, %add3A_876 : i32
        %dma_wait3A_878 = arith.constant 5 : i32
        %dma_wait3A_879 = arith.constant 0 : i32
        %dma_wait3A_880 = arith.constant 0 : i32
        %dma_wait3A_881 = tpu.memref_slice %arg8[%dma_wait3A_878, %dma_wait3A_879, %dma_wait3A_880] : memref<8x8x128xf32, #tpu.memory_space<vmem>> -> memref<1x8x128xf32, #tpu.memory_space<vmem>>
        %dma_wait3A_882 = arith.constant 0 : i32
        %dma_wait3A_883 = arith.constant 0 : i32
        %dma_wait3A_884 = tpu.memref_slice %arg4[%add3A_877, %dma_wait3A_882, %dma_wait3A_883] : memref<25600x8x128xf32, #tpu.memory_space<hbm>> -> memref<1x8x128xf32, #tpu.memory_space<hbm>>
        %dma_wait3A_885 = arith.constant 0 : i32
        %dma_wait3A_886 = arith.constant 0 : i32
        %dma_wait3A_887 = tpu.memref_slice %arg4[%add3A_877, %dma_wait3A_885, %dma_wait3A_886] : memref<25600x8x128xf32, #tpu.memory_space<hbm>> -> memref<1x8x128xf32, #tpu.memory_space<hbm>>
        %dma_wait3A_888 = arith.constant 5 : i32
        %dma_wait3A_889 = arith.constant 0 : i32
        %dma_wait3A_890 = arith.constant 0 : i32
        %dma_wait3A_891 = tpu.memref_slice %arg8[%dma_wait3A_888, %dma_wait3A_889, %dma_wait3A_890] : memref<8x8x128xf32, #tpu.memory_space<vmem>> -> memref<1x8x128xf32, #tpu.memory_space<vmem>>
        tpu.wait_dma2 semaphore(%arg12 : memref<!tpu.dma_semaphore, #tpu.memory_space<semaphore_mem>>) src(%dma_wait3A_891 : memref<1x8x128xf32, #tpu.memory_space<vmem>>) dst(%dma_wait3A_887 : memref<1x8x128xf32, #tpu.memory_space<hbm>>)
        %add3A_892 = arith.constant 768 : i32
        %add3A_893 = arith.addi %add3A_795, %add3A_892 : i32
        %dma_wait3A_894 = arith.constant 6 : i32
        %dma_wait3A_895 = arith.constant 0 : i32
        %dma_wait3A_896 = arith.constant 0 : i32
        %dma_wait3A_897 = tpu.memref_slice %arg8[%dma_wait3A_894, %dma_wait3A_895, %dma_wait3A_896] : memref<8x8x128xf32, #tpu.memory_space<vmem>> -> memref<1x8x128xf32, #tpu.memory_space<vmem>>
        %dma_wait3A_898 = arith.constant 0 : i32
        %dma_wait3A_899 = arith.constant 0 : i32
        %dma_wait3A_900 = tpu.memref_slice %arg4[%add3A_893, %dma_wait3A_898, %dma_wait3A_899] : memref<25600x8x128xf32, #tpu.memory_space<hbm>> -> memref<1x8x128xf32, #tpu.memory_space<hbm>>
        %dma_wait3A_901 = arith.constant 0 : i32
        %dma_wait3A_902 = arith.constant 0 : i32
        %dma_wait3A_903 = tpu.memref_slice %arg4[%add3A_893, %dma_wait3A_901, %dma_wait3A_902] : memref<25600x8x128xf32, #tpu.memory_space<hbm>> -> memref<1x8x128xf32, #tpu.memory_space<hbm>>
        %dma_wait3A_904 = arith.constant 6 : i32
        %dma_wait3A_905 = arith.constant 0 : i32
        %dma_wait3A_906 = arith.constant 0 : i32
        %dma_wait3A_907 = tpu.memref_slice %arg8[%dma_wait3A_904, %dma_wait3A_905, %dma_wait3A_906] : memref<8x8x128xf32, #tpu.memory_space<vmem>> -> memref<1x8x128xf32, #tpu.memory_space<vmem>>
        tpu.wait_dma2 semaphore(%arg12 : memref<!tpu.dma_semaphore, #tpu.memory_space<semaphore_mem>>) src(%dma_wait3A_907 : memref<1x8x128xf32, #tpu.memory_space<vmem>>) dst(%dma_wait3A_903 : memref<1x8x128xf32, #tpu.memory_space<hbm>>)
        %add3A_908 = arith.constant 896 : i32
        %add3A_909 = arith.addi %add3A_795, %add3A_908 : i32
        %dma_wait3A_910 = arith.constant 7 : i32
        %dma_wait3A_911 = arith.constant 0 : i32
        %dma_wait3A_912 = arith.constant 0 : i32
        %dma_wait3A_913 = tpu.memref_slice %arg8[%dma_wait3A_910, %dma_wait3A_911, %dma_wait3A_912] : memref<8x8x128xf32, #tpu.memory_space<vmem>> -> memref<1x8x128xf32, #tpu.memory_space<vmem>>
        %dma_wait3A_914 = arith.constant 0 : i32
        %dma_wait3A_915 = arith.constant 0 : i32
        %dma_wait3A_916 = tpu.memref_slice %arg4[%add3A_909, %dma_wait3A_914, %dma_wait3A_915] : memref<25600x8x128xf32, #tpu.memory_space<hbm>> -> memref<1x8x128xf32, #tpu.memory_space<hbm>>
        %dma_wait3A_917 = arith.constant 0 : i32
        %dma_wait3A_918 = arith.constant 0 : i32
        %dma_wait3A_919 = tpu.memref_slice %arg4[%add3A_909, %dma_wait3A_917, %dma_wait3A_918] : memref<25600x8x128xf32, #tpu.memory_space<hbm>> -> memref<1x8x128xf32, #tpu.memory_space<hbm>>
        %dma_wait3A_920 = arith.constant 7 : i32
        %dma_wait3A_921 = arith.constant 0 : i32
        %dma_wait3A_922 = arith.constant 0 : i32
        %dma_wait3A_923 = tpu.memref_slice %arg8[%dma_wait3A_920, %dma_wait3A_921, %dma_wait3A_922] : memref<8x8x128xf32, #tpu.memory_space<vmem>> -> memref<1x8x128xf32, #tpu.memory_space<vmem>>
        tpu.wait_dma2 semaphore(%arg12 : memref<!tpu.dma_semaphore, #tpu.memory_space<semaphore_mem>>) src(%dma_wait3A_923 : memref<1x8x128xf32, #tpu.memory_space<vmem>>) dst(%dma_wait3A_919 : memref<1x8x128xf32, #tpu.memory_space<hbm>>)
      } else {
      }
      %parallel_loop3A = arith.constant 0 : i32
      %parallel_loop3A_377 = arith.constant 64 : i32
      %parallel_loop3A_378 = arith.constant 1 : i32
      scf.for %parallel_loop3A_748 = %parallel_loop3A to %parallel_loop3A_377 step %parallel_loop3A_378  : i32 {
        %parallel_loop3A_749 = arith.constant 8 : i32
        %parallel_loop3A_750 = arith.divsi %parallel_loop3A_748, %parallel_loop3A_749 : i32
        %parallel_loop3A_751 = arith.constant 0 : i32
        %parallel_loop3A_752 = arith.cmpi sgt, %parallel_loop3A_748, %parallel_loop3A_751 : i32
        %parallel_loop3A_753 = arith.extui %parallel_loop3A_752 : i1 to i32
        %parallel_loop3A_754 = arith.constant 0 : i32
        %parallel_loop3A_755 = arith.cmpi slt, %parallel_loop3A_748, %parallel_loop3A_754 : i32
        %parallel_loop3A_756 = arith.extui %parallel_loop3A_755 : i1 to i32
        %parallel_loop3A_757 = arith.subi %parallel_loop3A_753, %parallel_loop3A_756 : i32
        %parallel_loop3A_758 = arith.constant 0 : i32
        %parallel_loop3A_759 = arith.cmpi sgt, %parallel_loop3A_749, %parallel_loop3A_758 : i32
        %parallel_loop3A_760 = arith.extui %parallel_loop3A_759 : i1 to i32
        %parallel_loop3A_761 = arith.constant 0 : i32
        %parallel_loop3A_762 = arith.cmpi slt, %parallel_loop3A_749, %parallel_loop3A_761 : i32
        %parallel_loop3A_763 = arith.extui %parallel_loop3A_762 : i1 to i32
        %parallel_loop3A_764 = arith.subi %parallel_loop3A_760, %parallel_loop3A_763 : i32
        %parallel_loop3A_765 = arith.cmpi ne, %parallel_loop3A_757, %parallel_loop3A_764 : i32
        %parallel_loop3A_766 = arith.remsi %parallel_loop3A_748, %parallel_loop3A_749 : i32
        %parallel_loop3A_767 = arith.constant 0 : i32
        %parallel_loop3A_768 = arith.cmpi ne, %parallel_loop3A_766, %parallel_loop3A_767 : i32
        %parallel_loop3A_769 = arith.andi %parallel_loop3A_765, %parallel_loop3A_768 : i1
        %parallel_loop3A_770 = arith.constant 1 : i32
        %parallel_loop3A_771 = arith.subi %parallel_loop3A_750, %parallel_loop3A_770 : i32
        %parallel_loop3A_772 = arith.select %parallel_loop3A_769, %parallel_loop3A_771, %parallel_loop3A_750 : i32
        %parallel_loop3A_773 = arith.constant 8 : i32
        %parallel_loop3A_774 = arith.constant 0 : i32
        %parallel_loop3A_775 = arith.cmpi eq, %parallel_loop3A_773, %parallel_loop3A_774 : i32
        %parallel_loop3A_776 = arith.constant 1 : i32
        %parallel_loop3A_777 = arith.select %parallel_loop3A_775, %parallel_loop3A_776, %parallel_loop3A_773 : i32
        %parallel_loop3A_778 = arith.remsi %parallel_loop3A_748, %parallel_loop3A_777 : i32
        %parallel_loop3A_779 = arith.constant 0 : i32
        %parallel_loop3A_780 = arith.cmpi ne, %parallel_loop3A_778, %parallel_loop3A_779 : i32
        %parallel_loop3A_781 = arith.constant 0 : i32
        %parallel_loop3A_782 = arith.cmpi slt, %parallel_loop3A_778, %parallel_loop3A_781 : i32
        %parallel_loop3A_783 = arith.constant 0 : i32
        %parallel_loop3A_784 = arith.cmpi slt, %parallel_loop3A_777, %parallel_loop3A_783 : i32
        %parallel_loop3A_785 = arith.xori %parallel_loop3A_782, %parallel_loop3A_784 : i1
        %parallel_loop3A_786 = arith.andi %parallel_loop3A_785, %parallel_loop3A_780 : i1
        %parallel_loop3A_787 = arith.addi %parallel_loop3A_778, %parallel_loop3A_777 : i32
        %parallel_loop3A_788 = arith.select %parallel_loop3A_786, %parallel_loop3A_787, %parallel_loop3A_778 : i32
        %parallel_loop3A_789 = arith.constant 16 : i32
        %parallel_loop3A_790 = arith.muli %parallel_loop3A_788, %parallel_loop3A_789 : i32
        %parallel_loop3A_791 = arith.constant 0 : i32
        %parallel_loop3A_792 = arith.index_cast %parallel_loop3A_791 : i32 to index
        %parallel_loop3A_793 = arith.index_cast %parallel_loop3A_772 : i32 to index
        %parallel_loop3A_794 = arith.index_cast %parallel_loop3A_790 : i32 to index
        %parallel_loop3A_795 = tpu.vector_load %arg6[%parallel_loop3A_792, %parallel_loop3A_793, %parallel_loop3A_794] {strides = array<i32>} : memref<1x8x128xi32, #tpu.memory_space<vmem>>, vector<16xi32>,
        %parallel_loop3A_796 = arith.constant 0 : i32
        %parallel_loop3A_797 = tpu.memref_slice %arg5[%parallel_loop3A_796] : memref<1024xf32, #tpu.memory_space<vmem>> -> memref<128xf32, #tpu.memory_space<vmem>>
        %parallel_loop3A_798 = tpu.vector_load_idx %parallel_loop3A_797[%parallel_loop3A_795] : memref<128xf32, #tpu.memory_space<vmem>>[vector<16xi32>], vector<16xf32>,
        %parallel_loop3A_799 = arith.constant 8 : i32
        %parallel_loop3A_800 = arith.divsi %parallel_loop3A_748, %parallel_loop3A_799 : i32
        %parallel_loop3A_801 = arith.constant 0 : i32
        %parallel_loop3A_802 = arith.cmpi sgt, %parallel_loop3A_748, %parallel_loop3A_801 : i32
        %parallel_loop3A_803 = arith.extui %parallel_loop3A_802 : i1 to i32
        %parallel_loop3A_804 = arith.constant 0 : i32
        %parallel_loop3A_805 = arith.cmpi slt, %parallel_loop3A_748, %parallel_loop3A_804 : i32
        %parallel_loop3A_806 = arith.extui %parallel_loop3A_805 : i1 to i32
        %parallel_loop3A_807 = arith.subi %parallel_loop3A_803, %parallel_loop3A_806 : i32
        %parallel_loop3A_808 = arith.constant 0 : i32
        %parallel_loop3A_809 = arith.cmpi sgt, %parallel_loop3A_799, %parallel_loop3A_808 : i32
        %parallel_loop3A_810 = arith.extui %parallel_loop3A_809 : i1 to i32
        %parallel_loop3A_811 = arith.constant 0 : i32
        %parallel_loop3A_812 = arith.cmpi slt, %parallel_loop3A_799, %parallel_loop3A_811 : i32
        %parallel_loop3A_813 = arith.extui %parallel_loop3A_812 : i1 to i32
        %parallel_loop3A_814 = arith.subi %parallel_loop3A_810, %parallel_loop3A_813 : i32
        %parallel_loop3A_815 = arith.cmpi ne, %parallel_loop3A_807, %parallel_loop3A_814 : i32
        %parallel_loop3A_816 = arith.remsi %parallel_loop3A_748, %parallel_loop3A_799 : i32
        %parallel_loop3A_817 = arith.constant 0 : i32
        %parallel_loop3A_818 = arith.cmpi ne, %parallel_loop3A_816, %parallel_loop3A_817 : i32
        %parallel_loop3A_819 = arith.andi %parallel_loop3A_815, %parallel_loop3A_818 : i1
        %parallel_loop3A_820 = arith.constant 1 : i32
        %parallel_loop3A_821 = arith.subi %parallel_loop3A_800, %parallel_loop3A_820 : i32
        %parallel_loop3A_822 = arith.select %parallel_loop3A_819, %parallel_loop3A_821, %parallel_loop3A_800 : i32
        %parallel_loop3A_823 = arith.constant 8 : i32
        %parallel_loop3A_824 = arith.constant 0 : i32
        %parallel_loop3A_825 = arith.cmpi eq, %parallel_loop3A_823, %parallel_loop3A_824 : i32
        %parallel_loop3A_826 = arith.constant 1 : i32
        %parallel_loop3A_827 = arith.select %parallel_loop3A_825, %parallel_loop3A_826, %parallel_loop3A_823 : i32
        %parallel_loop3A_828 = arith.remsi %parallel_loop3A_748, %parallel_loop3A_827 : i32
        %parallel_loop3A_829 = arith.constant 0 : i32
        %parallel_loop3A_830 = arith.cmpi ne, %parallel_loop3A_828, %parallel_loop3A_829 : i32
        %parallel_loop3A_831 = arith.constant 0 : i32
        %parallel_loop3A_832 = arith.cmpi slt, %parallel_loop3A_828, %parallel_loop3A_831 : i32
        %parallel_loop3A_833 = arith.constant 0 : i32
        %parallel_loop3A_834 = arith.cmpi slt, %parallel_loop3A_827, %parallel_loop3A_833 : i32
        %parallel_loop3A_835 = arith.xori %parallel_loop3A_832, %parallel_loop3A_834 : i1
        %parallel_loop3A_836 = arith.andi %parallel_loop3A_835, %parallel_loop3A_830 : i1
        %parallel_loop3A_837 = arith.addi %parallel_loop3A_828, %parallel_loop3A_827 : i32
        %parallel_loop3A_838 = arith.select %parallel_loop3A_836, %parallel_loop3A_837, %parallel_loop3A_828 : i32
        %parallel_loop3A_839 = arith.constant 16 : i32
        %parallel_loop3A_840 = arith.muli %parallel_loop3A_838, %parallel_loop3A_839 : i32
        %parallel_loop3A_841 = arith.constant 0 : i32
        %parallel_loop3A_842 = arith.index_cast %parallel_loop3A_822 : i32 to index
        %parallel_loop3A_843 = arith.index_cast %parallel_loop3A_841 : i32 to index
        %parallel_loop3A_844 = arith.index_cast %parallel_loop3A_840 : i32 to index
        %parallel_loop3A_845 = tpu.vector_load %arg8[%parallel_loop3A_842, %parallel_loop3A_843, %parallel_loop3A_844] {strides = array<i32>} : memref<8x8x128xf32, #tpu.memory_space<vmem>>, vector<16xf32>,
        tpu.vector_store %arg8[%parallel_loop3A_842, %parallel_loop3A_843, %parallel_loop3A_844], %parallel_loop3A_798 {strides = array<i32>} : memref<8x8x128xf32, #tpu.memory_space<vmem>>, vector<16xf32>,
        %parallel_loop3A_846 = arith.constant 128 : i32
        %parallel_loop3A_847 = tpu.memref_slice %arg5[%parallel_loop3A_846] : memref<1024xf32, #tpu.memory_space<vmem>> -> memref<128xf32, #tpu.memory_space<vmem>>
        %parallel_loop3A_848 = tpu.vector_load_idx %parallel_loop3A_847[%parallel_loop3A_795] : memref<128xf32, #tpu.memory_space<vmem>>[vector<16xi32>], vector<16xf32>,
        %parallel_loop3A_849 = arith.constant 8 : i32
        %parallel_loop3A_850 = arith.divsi %parallel_loop3A_748, %parallel_loop3A_849 : i32
        %parallel_loop3A_851 = arith.constant 0 : i32
        %parallel_loop3A_852 = arith.cmpi sgt, %parallel_loop3A_748, %parallel_loop3A_851 : i32
        %parallel_loop3A_853 = arith.extui %parallel_loop3A_852 : i1 to i32
        %parallel_loop3A_854 = arith.constant 0 : i32
        %parallel_loop3A_855 = arith.cmpi slt, %parallel_loop3A_748, %parallel_loop3A_854 : i32
        %parallel_loop3A_856 = arith.extui %parallel_loop3A_855 : i1 to i32
        %parallel_loop3A_857 = arith.subi %parallel_loop3A_853, %parallel_loop3A_856 : i32
        %parallel_loop3A_858 = arith.constant 0 : i32
        %parallel_loop3A_859 = arith.cmpi sgt, %parallel_loop3A_849, %parallel_loop3A_858 : i32
        %parallel_loop3A_860 = arith.extui %parallel_loop3A_859 : i1 to i32
        %parallel_loop3A_861 = arith.constant 0 : i32
        %parallel_loop3A_862 = arith.cmpi slt, %parallel_loop3A_849, %parallel_loop3A_861 : i32
        %parallel_loop3A_863 = arith.extui %parallel_loop3A_862 : i1 to i32
        %parallel_loop3A_864 = arith.subi %parallel_loop3A_860, %parallel_loop3A_863 : i32
        %parallel_loop3A_865 = arith.cmpi ne, %parallel_loop3A_857, %parallel_loop3A_864 : i32
        %parallel_loop3A_866 = arith.remsi %parallel_loop3A_748, %parallel_loop3A_849 : i32
        %parallel_loop3A_867 = arith.constant 0 : i32
        %parallel_loop3A_868 = arith.cmpi ne, %parallel_loop3A_866, %parallel_loop3A_867 : i32
        %parallel_loop3A_869 = arith.andi %parallel_loop3A_865, %parallel_loop3A_868 : i1
        %parallel_loop3A_870 = arith.constant 1 : i32
        %parallel_loop3A_871 = arith.subi %parallel_loop3A_850, %parallel_loop3A_870 : i32
        %parallel_loop3A_872 = arith.select %parallel_loop3A_869, %parallel_loop3A_871, %parallel_loop3A_850 : i32
        %parallel_loop3A_873 = arith.constant 8 : i32
        %parallel_loop3A_874 = arith.constant 0 : i32
        %parallel_loop3A_875 = arith.cmpi eq, %parallel_loop3A_873, %parallel_loop3A_874 : i32
        %parallel_loop3A_876 = arith.constant 1 : i32
        %parallel_loop3A_877 = arith.select %parallel_loop3A_875, %parallel_loop3A_876, %parallel_loop3A_873 : i32
        %parallel_loop3A_878 = arith.remsi %parallel_loop3A_748, %parallel_loop3A_877 : i32
        %parallel_loop3A_879 = arith.constant 0 : i32
        %parallel_loop3A_880 = arith.cmpi ne, %parallel_loop3A_878, %parallel_loop3A_879 : i32
        %parallel_loop3A_881 = arith.constant 0 : i32
        %parallel_loop3A_882 = arith.cmpi slt, %parallel_loop3A_878, %parallel_loop3A_881 : i32
        %parallel_loop3A_883 = arith.constant 0 : i32
        %parallel_loop3A_884 = arith.cmpi slt, %parallel_loop3A_877, %parallel_loop3A_883 : i32
        %parallel_loop3A_885 = arith.xori %parallel_loop3A_882, %parallel_loop3A_884 : i1
        %parallel_loop3A_886 = arith.andi %parallel_loop3A_885, %parallel_loop3A_880 : i1
        %parallel_loop3A_887 = arith.addi %parallel_loop3A_878, %parallel_loop3A_877 : i32
        %parallel_loop3A_888 = arith.select %parallel_loop3A_886, %parallel_loop3A_887, %parallel_loop3A_878 : i32
        %parallel_loop3A_889 = arith.constant 16 : i32
        %parallel_loop3A_890 = arith.muli %parallel_loop3A_888, %parallel_loop3A_889 : i32
        %parallel_loop3A_891 = arith.constant 1 : i32
        %parallel_loop3A_892 = arith.index_cast %parallel_loop3A_872 : i32 to index
        %parallel_loop3A_893 = arith.index_cast %parallel_loop3A_891 : i32 to index
        %parallel_loop3A_894 = arith.index_cast %parallel_loop3A_890 : i32 to index
        %parallel_loop3A_895 = tpu.vector_load %arg8[%parallel_loop3A_892, %parallel_loop3A_893, %parallel_loop3A_894] {strides = array<i32>} : memref<8x8x128xf32, #tpu.memory_space<vmem>>, vector<16xf32>,
        tpu.vector_store %arg8[%parallel_loop3A_892, %parallel_loop3A_893, %parallel_loop3A_894], %parallel_loop3A_848 {strides = array<i32>} : memref<8x8x128xf32, #tpu.memory_space<vmem>>, vector<16xf32>,
        %parallel_loop3A_896 = arith.constant 256 : i32
        %parallel_loop3A_897 = tpu.memref_slice %arg5[%parallel_loop3A_896] : memref<1024xf32, #tpu.memory_space<vmem>> -> memref<128xf32, #tpu.memory_space<vmem>>
        %parallel_loop3A_898 = tpu.vector_load_idx %parallel_loop3A_897[%parallel_loop3A_795] : memref<128xf32, #tpu.memory_space<vmem>>[vector<16xi32>], vector<16xf32>,
        %parallel_loop3A_899 = arith.constant 8 : i32
        %parallel_loop3A_900 = arith.divsi %parallel_loop3A_748, %parallel_loop3A_899 : i32
        %parallel_loop3A_901 = arith.constant 0 : i32
        %parallel_loop3A_902 = arith.cmpi sgt, %parallel_loop3A_748, %parallel_loop3A_901 : i32
        %parallel_loop3A_903 = arith.extui %parallel_loop3A_902 : i1 to i32
        %parallel_loop3A_904 = arith.constant 0 : i32
        %parallel_loop3A_905 = arith.cmpi slt, %parallel_loop3A_748, %parallel_loop3A_904 : i32
        %parallel_loop3A_906 = arith.extui %parallel_loop3A_905 : i1 to i32
        %parallel_loop3A_907 = arith.subi %parallel_loop3A_903, %parallel_loop3A_906 : i32
        %parallel_loop3A_908 = arith.constant 0 : i32
        %parallel_loop3A_909 = arith.cmpi sgt, %parallel_loop3A_899, %parallel_loop3A_908 : i32
        %parallel_loop3A_910 = arith.extui %parallel_loop3A_909 : i1 to i32
        %parallel_loop3A_911 = arith.constant 0 : i32
        %parallel_loop3A_912 = arith.cmpi slt, %parallel_loop3A_899, %parallel_loop3A_911 : i32
        %parallel_loop3A_913 = arith.extui %parallel_loop3A_912 : i1 to i32
        %parallel_loop3A_914 = arith.subi %parallel_loop3A_910, %parallel_loop3A_913 : i32
        %parallel_loop3A_915 = arith.cmpi ne, %parallel_loop3A_907, %parallel_loop3A_914 : i32
        %parallel_loop3A_916 = arith.remsi %parallel_loop3A_748, %parallel_loop3A_899 : i32
        %parallel_loop3A_917 = arith.constant 0 : i32
        %parallel_loop3A_918 = arith.cmpi ne, %parallel_loop3A_916, %parallel_loop3A_917 : i32
        %parallel_loop3A_919 = arith.andi %parallel_loop3A_915, %parallel_loop3A_918 : i1
        %parallel_loop3A_920 = arith.constant 1 : i32
        %parallel_loop3A_921 = arith.subi %parallel_loop3A_900, %parallel_loop3A_920 : i32
        %parallel_loop3A_922 = arith.select %parallel_loop3A_919, %parallel_loop3A_921, %parallel_loop3A_900 : i32
        %parallel_loop3A_923 = arith.constant 8 : i32
        %parallel_loop3A_924 = arith.constant 0 : i32
        %parallel_loop3A_925 = arith.cmpi eq, %parallel_loop3A_923, %parallel_loop3A_924 : i32
        %parallel_loop3A_926 = arith.constant 1 : i32
        %parallel_loop3A_927 = arith.select %parallel_loop3A_925, %parallel_loop3A_926, %parallel_loop3A_923 : i32
        %parallel_loop3A_928 = arith.remsi %parallel_loop3A_748, %parallel_loop3A_927 : i32
        %parallel_loop3A_929 = arith.constant 0 : i32
        %parallel_loop3A_930 = arith.cmpi ne, %parallel_loop3A_928, %parallel_loop3A_929 : i32
        %parallel_loop3A_931 = arith.constant 0 : i32
        %parallel_loop3A_932 = arith.cmpi slt, %parallel_loop3A_928, %parallel_loop3A_931 : i32
        %parallel_loop3A_933 = arith.constant 0 : i32
        %parallel_loop3A_934 = arith.cmpi slt, %parallel_loop3A_927, %parallel_loop3A_933 : i32
        %parallel_loop3A_935 = arith.xori %parallel_loop3A_932, %parallel_loop3A_934 : i1
        %parallel_loop3A_936 = arith.andi %parallel_loop3A_935, %parallel_loop3A_930 : i1
        %parallel_loop3A_937 = arith.addi %parallel_loop3A_928, %parallel_loop3A_927 : i32
        %parallel_loop3A_938 = arith.select %parallel_loop3A_936, %parallel_loop3A_937, %parallel_loop3A_928 : i32
        %parallel_loop3A_939 = arith.constant 16 : i32
        %parallel_loop3A_940 = arith.muli %parallel_loop3A_938, %parallel_loop3A_939 : i32
        %parallel_loop3A_941 = arith.constant 2 : i32
        %parallel_loop3A_942 = arith.index_cast %parallel_loop3A_922 : i32 to index
        %parallel_loop3A_943 = arith.index_cast %parallel_loop3A_941 : i32 to index
        %parallel_loop3A_944 = arith.index_cast %parallel_loop3A_940 : i32 to index
        %parallel_loop3A_945 = tpu.vector_load %arg8[%parallel_loop3A_942, %parallel_loop3A_943, %parallel_loop3A_944] {strides = array<i32>} : memref<8x8x128xf32, #tpu.memory_space<vmem>>, vector<16xf32>,
        tpu.vector_store %arg8[%parallel_loop3A_942, %parallel_loop3A_943, %parallel_loop3A_944], %parallel_loop3A_898 {strides = array<i32>} : memref<8x8x128xf32, #tpu.memory_space<vmem>>, vector<16xf32>,
        %parallel_loop3A_946 = arith.constant 384 : i32
        %parallel_loop3A_947 = tpu.memref_slice %arg5[%parallel_loop3A_946] : memref<1024xf32, #tpu.memory_space<vmem>> -> memref<128xf32, #tpu.memory_space<vmem>>
        %parallel_loop3A_948 = tpu.vector_load_idx %parallel_loop3A_947[%parallel_loop3A_795] : memref<128xf32, #tpu.memory_space<vmem>>[vector<16xi32>], vector<16xf32>,
        %parallel_loop3A_949 = arith.constant 8 : i32
        %parallel_loop3A_950 = arith.divsi %parallel_loop3A_748, %parallel_loop3A_949 : i32
        %parallel_loop3A_951 = arith.constant 0 : i32
        %parallel_loop3A_952 = arith.cmpi sgt, %parallel_loop3A_748, %parallel_loop3A_951 : i32
        %parallel_loop3A_953 = arith.extui %parallel_loop3A_952 : i1 to i32
        %parallel_loop3A_954 = arith.constant 0 : i32
        %parallel_loop3A_955 = arith.cmpi slt, %parallel_loop3A_748, %parallel_loop3A_954 : i32
        %parallel_loop3A_956 = arith.extui %parallel_loop3A_955 : i1 to i32
        %parallel_loop3A_957 = arith.subi %parallel_loop3A_953, %parallel_loop3A_956 : i32
        %parallel_loop3A_958 = arith.constant 0 : i32
        %parallel_loop3A_959 = arith.cmpi sgt, %parallel_loop3A_949, %parallel_loop3A_958 : i32
        %parallel_loop3A_960 = arith.extui %parallel_loop3A_959 : i1 to i32
        %parallel_loop3A_961 = arith.constant 0 : i32
        %parallel_loop3A_962 = arith.cmpi slt, %parallel_loop3A_949, %parallel_loop3A_961 : i32
        %parallel_loop3A_963 = arith.extui %parallel_loop3A_962 : i1 to i32
        %parallel_loop3A_964 = arith.subi %parallel_loop3A_960, %parallel_loop3A_963 : i32
        %parallel_loop3A_965 = arith.cmpi ne, %parallel_loop3A_957, %parallel_loop3A_964 : i32
        %parallel_loop3A_966 = arith.remsi %parallel_loop3A_748, %parallel_loop3A_949 : i32
        %parallel_loop3A_967 = arith.constant 0 : i32
        %parallel_loop3A_968 = arith.cmpi ne, %parallel_loop3A_966, %parallel_loop3A_967 : i32
        %parallel_loop3A_969 = arith.andi %parallel_loop3A_965, %parallel_loop3A_968 : i1
        %parallel_loop3A_970 = arith.constant 1 : i32
        %parallel_loop3A_971 = arith.subi %parallel_loop3A_950, %parallel_loop3A_970 : i32
        %parallel_loop3A_972 = arith.select %parallel_loop3A_969, %parallel_loop3A_971, %parallel_loop3A_950 : i32
        %parallel_loop3A_973 = arith.constant 8 : i32
        %parallel_loop3A_974 = arith.constant 0 : i32
        %parallel_loop3A_975 = arith.cmpi eq, %parallel_loop3A_973, %parallel_loop3A_974 : i32
        %parallel_loop3A_976 = arith.constant 1 : i32
        %parallel_loop3A_977 = arith.select %parallel_loop3A_975, %parallel_loop3A_976, %parallel_loop3A_973 : i32
        %parallel_loop3A_978 = arith.remsi %parallel_loop3A_748, %parallel_loop3A_977 : i32
        %parallel_loop3A_979 = arith.constant 0 : i32
        %parallel_loop3A_980 = arith.cmpi ne, %parallel_loop3A_978, %parallel_loop3A_979 : i32
        %parallel_loop3A_981 = arith.constant 0 : i32
        %parallel_loop3A_982 = arith.cmpi slt, %parallel_loop3A_978, %parallel_loop3A_981 : i32
        %parallel_loop3A_983 = arith.constant 0 : i32
        %parallel_loop3A_984 = arith.cmpi slt, %parallel_loop3A_977, %parallel_loop3A_983 : i32
        %parallel_loop3A_985 = arith.xori %parallel_loop3A_982, %parallel_loop3A_984 : i1
        %parallel_loop3A_986 = arith.andi %parallel_loop3A_985, %parallel_loop3A_980 : i1
        %parallel_loop3A_987 = arith.addi %parallel_loop3A_978, %parallel_loop3A_977 : i32
        %parallel_loop3A_988 = arith.select %parallel_loop3A_986, %parallel_loop3A_987, %parallel_loop3A_978 : i32
        %parallel_loop3A_989 = arith.constant 16 : i32
        %parallel_loop3A_990 = arith.muli %parallel_loop3A_988, %parallel_loop3A_989 : i32
        %parallel_loop3A_991 = arith.constant 3 : i32
        %parallel_loop3A_992 = arith.index_cast %parallel_loop3A_972 : i32 to index
        %parallel_loop3A_993 = arith.index_cast %parallel_loop3A_991 : i32 to index
        %parallel_loop3A_994 = arith.index_cast %parallel_loop3A_990 : i32 to index
        %parallel_loop3A_995 = tpu.vector_load %arg8[%parallel_loop3A_992, %parallel_loop3A_993, %parallel_loop3A_994] {strides = array<i32>} : memref<8x8x128xf32, #tpu.memory_space<vmem>>, vector<16xf32>,
        tpu.vector_store %arg8[%parallel_loop3A_992, %parallel_loop3A_993, %parallel_loop3A_994], %parallel_loop3A_948 {strides = array<i32>} : memref<8x8x128xf32, #tpu.memory_space<vmem>>, vector<16xf32>,
        %parallel_loop3A_996 = arith.constant 512 : i32
        %parallel_loop3A_997 = tpu.memref_slice %arg5[%parallel_loop3A_996] : memref<1024xf32, #tpu.memory_space<vmem>> -> memref<128xf32, #tpu.memory_space<vmem>>
        %parallel_loop3A_998 = tpu.vector_load_idx %parallel_loop3A_997[%parallel_loop3A_795] : memref<128xf32, #tpu.memory_space<vmem>>[vector<16xi32>], vector<16xf32>,
        %parallel_loop3A_999 = arith.constant 8 : i32
        %parallel_loop3A_1000 = arith.divsi %parallel_loop3A_748, %parallel_loop3A_999 : i32
        %parallel_loop3A_1001 = arith.constant 0 : i32
        %parallel_loop3A_1002 = arith.cmpi sgt, %parallel_loop3A_748, %parallel_loop3A_1001 : i32
        %parallel_loop3A_1003 = arith.extui %parallel_loop3A_1002 : i1 to i32
        %parallel_loop3A_1004 = arith.constant 0 : i32
        %parallel_loop3A_1005 = arith.cmpi slt, %parallel_loop3A_748, %parallel_loop3A_1004 : i32
        %parallel_loop3A_1006 = arith.extui %parallel_loop3A_1005 : i1 to i32
        %parallel_loop3A_1007 = arith.subi %parallel_loop3A_1003, %parallel_loop3A_1006 : i32
        %parallel_loop3A_1008 = arith.constant 0 : i32
        %parallel_loop3A_1009 = arith.cmpi sgt, %parallel_loop3A_999, %parallel_loop3A_1008 : i32
        %parallel_loop3A_1010 = arith.extui %parallel_loop3A_1009 : i1 to i32
        %parallel_loop3A_1011 = arith.constant 0 : i32
        %parallel_loop3A_1012 = arith.cmpi slt, %parallel_loop3A_999, %parallel_loop3A_1011 : i32
        %parallel_loop3A_1013 = arith.extui %parallel_loop3A_1012 : i1 to i32
        %parallel_loop3A_1014 = arith.subi %parallel_loop3A_1010, %parallel_loop3A_1013 : i32
        %parallel_loop3A_1015 = arith.cmpi ne, %parallel_loop3A_1007, %parallel_loop3A_1014 : i32
        %parallel_loop3A_1016 = arith.remsi %parallel_loop3A_748, %parallel_loop3A_999 : i32
        %parallel_loop3A_1017 = arith.constant 0 : i32
        %parallel_loop3A_1018 = arith.cmpi ne, %parallel_loop3A_1016, %parallel_loop3A_1017 : i32
        %parallel_loop3A_1019 = arith.andi %parallel_loop3A_1015, %parallel_loop3A_1018 : i1
        %parallel_loop3A_1020 = arith.constant 1 : i32
        %parallel_loop3A_1021 = arith.subi %parallel_loop3A_1000, %parallel_loop3A_1020 : i32
        %parallel_loop3A_1022 = arith.select %parallel_loop3A_1019, %parallel_loop3A_1021, %parallel_loop3A_1000 : i32
        %parallel_loop3A_1023 = arith.constant 8 : i32
        %parallel_loop3A_1024 = arith.constant 0 : i32
        %parallel_loop3A_1025 = arith.cmpi eq, %parallel_loop3A_1023, %parallel_loop3A_1024 : i32
        %parallel_loop3A_1026 = arith.constant 1 : i32
        %parallel_loop3A_1027 = arith.select %parallel_loop3A_1025, %parallel_loop3A_1026, %parallel_loop3A_1023 : i32
        %parallel_loop3A_1028 = arith.remsi %parallel_loop3A_748, %parallel_loop3A_1027 : i32
        %parallel_loop3A_1029 = arith.constant 0 : i32
        %parallel_loop3A_1030 = arith.cmpi ne, %parallel_loop3A_1028, %parallel_loop3A_1029 : i32
        %parallel_loop3A_1031 = arith.constant 0 : i32
        %parallel_loop3A_1032 = arith.cmpi slt, %parallel_loop3A_1028, %parallel_loop3A_1031 : i32
        %parallel_loop3A_1033 = arith.constant 0 : i32
        %parallel_loop3A_1034 = arith.cmpi slt, %parallel_loop3A_1027, %parallel_loop3A_1033 : i32
        %parallel_loop3A_1035 = arith.xori %parallel_loop3A_1032, %parallel_loop3A_1034 : i1
        %parallel_loop3A_1036 = arith.andi %parallel_loop3A_1035, %parallel_loop3A_1030 : i1
        %parallel_loop3A_1037 = arith.addi %parallel_loop3A_1028, %parallel_loop3A_1027 : i32
        %parallel_loop3A_1038 = arith.select %parallel_loop3A_1036, %parallel_loop3A_1037, %parallel_loop3A_1028 : i32
        %parallel_loop3A_1039 = arith.constant 16 : i32
        %parallel_loop3A_1040 = arith.muli %parallel_loop3A_1038, %parallel_loop3A_1039 : i32
        %parallel_loop3A_1041 = arith.constant 4 : i32
        %parallel_loop3A_1042 = arith.index_cast %parallel_loop3A_1022 : i32 to index
        %parallel_loop3A_1043 = arith.index_cast %parallel_loop3A_1041 : i32 to index
        %parallel_loop3A_1044 = arith.index_cast %parallel_loop3A_1040 : i32 to index
        %parallel_loop3A_1045 = tpu.vector_load %arg8[%parallel_loop3A_1042, %parallel_loop3A_1043, %parallel_loop3A_1044] {strides = array<i32>} : memref<8x8x128xf32, #tpu.memory_space<vmem>>, vector<16xf32>,
        tpu.vector_store %arg8[%parallel_loop3A_1042, %parallel_loop3A_1043, %parallel_loop3A_1044], %parallel_loop3A_998 {strides = array<i32>} : memref<8x8x128xf32, #tpu.memory_space<vmem>>, vector<16xf32>,
        %parallel_loop3A_1046 = arith.constant 640 : i32
        %parallel_loop3A_1047 = tpu.memref_slice %arg5[%parallel_loop3A_1046] : memref<1024xf32, #tpu.memory_space<vmem>> -> memref<128xf32, #tpu.memory_space<vmem>>
        %parallel_loop3A_1048 = tpu.vector_load_idx %parallel_loop3A_1047[%parallel_loop3A_795] : memref<128xf32, #tpu.memory_space<vmem>>[vector<16xi32>], vector<16xf32>,
        %parallel_loop3A_1049 = arith.constant 8 : i32
        %parallel_loop3A_1050 = arith.divsi %parallel_loop3A_748, %parallel_loop3A_1049 : i32
        %parallel_loop3A_1051 = arith.constant 0 : i32
        %parallel_loop3A_1052 = arith.cmpi sgt, %parallel_loop3A_748, %parallel_loop3A_1051 : i32
        %parallel_loop3A_1053 = arith.extui %parallel_loop3A_1052 : i1 to i32
        %parallel_loop3A_1054 = arith.constant 0 : i32
        %parallel_loop3A_1055 = arith.cmpi slt, %parallel_loop3A_748, %parallel_loop3A_1054 : i32
        %parallel_loop3A_1056 = arith.extui %parallel_loop3A_1055 : i1 to i32
        %parallel_loop3A_1057 = arith.subi %parallel_loop3A_1053, %parallel_loop3A_1056 : i32
        %parallel_loop3A_1058 = arith.constant 0 : i32
        %parallel_loop3A_1059 = arith.cmpi sgt, %parallel_loop3A_1049, %parallel_loop3A_1058 : i32
        %parallel_loop3A_1060 = arith.extui %parallel_loop3A_1059 : i1 to i32
        %parallel_loop3A_1061 = arith.constant 0 : i32
        %parallel_loop3A_1062 = arith.cmpi slt, %parallel_loop3A_1049, %parallel_loop3A_1061 : i32
        %parallel_loop3A_1063 = arith.extui %parallel_loop3A_1062 : i1 to i32
        %parallel_loop3A_1064 = arith.subi %parallel_loop3A_1060, %parallel_loop3A_1063 : i32
        %parallel_loop3A_1065 = arith.cmpi ne, %parallel_loop3A_1057, %parallel_loop3A_1064 : i32
        %parallel_loop3A_1066 = arith.remsi %parallel_loop3A_748, %parallel_loop3A_1049 : i32
        %parallel_loop3A_1067 = arith.constant 0 : i32
        %parallel_loop3A_1068 = arith.cmpi ne, %parallel_loop3A_1066, %parallel_loop3A_1067 : i32
        %parallel_loop3A_1069 = arith.andi %parallel_loop3A_1065, %parallel_loop3A_1068 : i1
        %parallel_loop3A_1070 = arith.constant 1 : i32
        %parallel_loop3A_1071 = arith.subi %parallel_loop3A_1050, %parallel_loop3A_1070 : i32
        %parallel_loop3A_1072 = arith.select %parallel_loop3A_1069, %parallel_loop3A_1071, %parallel_loop3A_1050 : i32
        %parallel_loop3A_1073 = arith.constant 8 : i32
        %parallel_loop3A_1074 = arith.constant 0 : i32
        %parallel_loop3A_1075 = arith.cmpi eq, %parallel_loop3A_1073, %parallel_loop3A_1074 : i32
        %parallel_loop3A_1076 = arith.constant 1 : i32
        %parallel_loop3A_1077 = arith.select %parallel_loop3A_1075, %parallel_loop3A_1076, %parallel_loop3A_1073 : i32
        %parallel_loop3A_1078 = arith.remsi %parallel_loop3A_748, %parallel_loop3A_1077 : i32
        %parallel_loop3A_1079 = arith.constant 0 : i32
        %parallel_loop3A_1080 = arith.cmpi ne, %parallel_loop3A_1078, %parallel_loop3A_1079 : i32
        %parallel_loop3A_1081 = arith.constant 0 : i32
        %parallel_loop3A_1082 = arith.cmpi slt, %parallel_loop3A_1078, %parallel_loop3A_1081 : i32
        %parallel_loop3A_1083 = arith.constant 0 : i32
        %parallel_loop3A_1084 = arith.cmpi slt, %parallel_loop3A_1077, %parallel_loop3A_1083 : i32
        %parallel_loop3A_1085 = arith.xori %parallel_loop3A_1082, %parallel_loop3A_1084 : i1
        %parallel_loop3A_1086 = arith.andi %parallel_loop3A_1085, %parallel_loop3A_1080 : i1
        %parallel_loop3A_1087 = arith.addi %parallel_loop3A_1078, %parallel_loop3A_1077 : i32
        %parallel_loop3A_1088 = arith.select %parallel_loop3A_1086, %parallel_loop3A_1087, %parallel_loop3A_1078 : i32
        %parallel_loop3A_1089 = arith.constant 16 : i32
        %parallel_loop3A_1090 = arith.muli %parallel_loop3A_1088, %parallel_loop3A_1089 : i32
        %parallel_loop3A_1091 = arith.constant 5 : i32
        %parallel_loop3A_1092 = arith.index_cast %parallel_loop3A_1072 : i32 to index
        %parallel_loop3A_1093 = arith.index_cast %parallel_loop3A_1091 : i32 to index
        %parallel_loop3A_1094 = arith.index_cast %parallel_loop3A_1090 : i32 to index
        %parallel_loop3A_1095 = tpu.vector_load %arg8[%parallel_loop3A_1092, %parallel_loop3A_1093, %parallel_loop3A_1094] {strides = array<i32>} : memref<8x8x128xf32, #tpu.memory_space<vmem>>, vector<16xf32>,
        tpu.vector_store %arg8[%parallel_loop3A_1092, %parallel_loop3A_1093, %parallel_loop3A_1094], %parallel_loop3A_1048 {strides = array<i32>} : memref<8x8x128xf32, #tpu.memory_space<vmem>>, vector<16xf32>,
      } {sc.loop_unroll_factor = 8 : i64, sc.parallel_access}
      %add3A_379 = arith.addi %mul3A_2, %mul3A_358 : i32
      %jit3A_380 = arith.constant 128 : i32
      %div3A_381 = arith.divsi %add3A_379, %jit3A_380 : i32
      %sign3A_382 = arith.constant 0 : i32
      %sign3A_383 = arith.cmpi sgt, %add3A_379, %sign3A_382 : i32
      %sign3A_384 = arith.extui %sign3A_383 : i1 to i32
      %sign3A_385 = arith.constant 0 : i32
      %sign3A_386 = arith.cmpi slt, %add3A_379, %sign3A_385 : i32
      %sign3A_387 = arith.extui %sign3A_386 : i1 to i32
      %sign3A_388 = arith.subi %sign3A_384, %sign3A_387 : i32
      %sign3A_389 = arith.constant 0 : i32
      %sign3A_390 = arith.cmpi sgt, %jit3A_380, %sign3A_389 : i32
      %sign3A_391 = arith.extui %sign3A_390 : i1 to i32
      %sign3A_392 = arith.constant 0 : i32
      %sign3A_393 = arith.cmpi slt, %jit3A_380, %sign3A_392 : i32
      %sign3A_394 = arith.extui %sign3A_393 : i1 to i32
      %sign3A_395 = arith.subi %sign3A_391, %sign3A_394 : i32
      %ne3A_396 = arith.cmpi ne, %sign3A_388, %sign3A_395 : i32
      %rem3A_397 = arith.remsi %add3A_379, %jit3A_380 : i32
      %ne3A_398 = arith.constant 0 : i32
      %ne3A_399 = arith.cmpi ne, %rem3A_397, %ne3A_398 : i32
      %and3A_400 = arith.andi %ne3A_396, %ne3A_399 : i1
      %sub3A_401 = arith.constant 1 : i32
      %sub3A_402 = arith.subi %div3A_381, %sub3A_401 : i32
      %select_n3A_403 = arith.select %and3A_400, %sub3A_402, %div3A_381 : i32
      %jit3A_404 = arith.constant 128 : i32
      %eq3A_405 = arith.constant 0 : i32
      %eq3A_406 = arith.cmpi eq, %jit3A_404, %eq3A_405 : i32
      %jit3A_407 = arith.constant 1 : i32
      %select_n3A_408 = arith.select %eq3A_406, %jit3A_407, %jit3A_404 : i32
      %rem3A_409 = arith.remsi %add3A_379, %select_n3A_408 : i32
      %ne3A_410 = arith.constant 0 : i32
      %ne3A_411 = arith.cmpi ne, %rem3A_409, %ne3A_410 : i32
      %lt3A_412 = arith.constant 0 : i32
      %lt3A_413 = arith.cmpi slt, %rem3A_409, %lt3A_412 : i32
      %lt3A_414 = arith.constant 0 : i32
      %lt3A_415 = arith.cmpi slt, %select_n3A_408, %lt3A_414 : i32
      %ne3A_416 = arith.xori %lt3A_413, %lt3A_415 : i1
      %and3A_417 = arith.andi %ne3A_416, %ne3A_411 : i1
      %add3A_418 = arith.addi %rem3A_409, %select_n3A_408 : i32
      %select_n3A_419 = arith.select %and3A_417, %add3A_418, %rem3A_409 : i32
      %mul3A_420 = arith.constant 8 : i32
      %mul3A_421 = arith.muli %mul3A_420, %select_n3A_403 : i32
      %mul3A_422 = arith.constant 128 : i32
      %mul3A_423 = arith.muli %mul3A_421, %mul3A_422 : i32
      %add3A_424 = arith.addi %mul3A_423, %select_n3A_419 : i32
      %add3A_425 = arith.constant 0 : i32
      %add3A_426 = arith.addi %add3A_424, %add3A_425 : i32
      %dma_start3A_427 = arith.constant 0 : i32
      %dma_start3A_428 = arith.constant 0 : i32
      %dma_start3A_429 = arith.constant 0 : i32
      %dma_start3A_430 = tpu.memref_slice %arg8[%dma_start3A_427, %dma_start3A_428, %dma_start3A_429] : memref<8x8x128xf32, #tpu.memory_space<vmem>> -> memref<1x8x128xf32, #tpu.memory_space<vmem>>
      %dma_start3A_431 = arith.constant 0 : i32
      %dma_start3A_432 = arith.constant 0 : i32
      %dma_start3A_433 = tpu.memref_slice %arg4[%add3A_426, %dma_start3A_431, %dma_start3A_432] : memref<25600x8x128xf32, #tpu.memory_space<hbm>> -> memref<1x8x128xf32, #tpu.memory_space<hbm>>
      %dma_start3A_434 = arith.constant 0 : i32
      %dma_start3A_435 = arith.constant 0 : i32
      %dma_start3A_436 = tpu.memref_slice %arg4[%add3A_426, %dma_start3A_434, %dma_start3A_435] : memref<25600x8x128xf32, #tpu.memory_space<hbm>> -> memref<1x8x128xf32, #tpu.memory_space<hbm>>
      %dma_start3A_437 = arith.constant 0 : i32
      %dma_start3A_438 = arith.constant 0 : i32
      %dma_start3A_439 = arith.constant 0 : i32
      %dma_start3A_440 = tpu.memref_slice %arg8[%dma_start3A_437, %dma_start3A_438, %dma_start3A_439] : memref<8x8x128xf32, #tpu.memory_space<vmem>> -> memref<1x8x128xf32, #tpu.memory_space<vmem>>
      tpu.enqueue_dma source(%dma_start3A_440 : memref<1x8x128xf32, #tpu.memory_space<vmem>>) target(%dma_start3A_436 : memref<1x8x128xf32, #tpu.memory_space<hbm>>) target_semaphore(%arg12 : memref<!tpu.dma_semaphore, #tpu.memory_space<semaphore_mem>>)
      %add3A_441 = arith.constant 128 : i32
      %add3A_442 = arith.addi %add3A_424, %add3A_441 : i32
      %dma_start3A_443 = arith.constant 1 : i32
      %dma_start3A_444 = arith.constant 0 : i32
      %dma_start3A_445 = arith.constant 0 : i32
      %dma_start3A_446 = tpu.memref_slice %arg8[%dma_start3A_443, %dma_start3A_444, %dma_start3A_445] : memref<8x8x128xf32, #tpu.memory_space<vmem>> -> memref<1x8x128xf32, #tpu.memory_space<vmem>>
      %dma_start3A_447 = arith.constant 0 : i32
      %dma_start3A_448 = arith.constant 0 : i32
      %dma_start3A_449 = tpu.memref_slice %arg4[%add3A_442, %dma_start3A_447, %dma_start3A_448] : memref<25600x8x128xf32, #tpu.memory_space<hbm>> -> memref<1x8x128xf32, #tpu.memory_space<hbm>>
      %dma_start3A_450 = arith.constant 0 : i32
      %dma_start3A_451 = arith.constant 0 : i32
      %dma_start3A_452 = tpu.memref_slice %arg4[%add3A_442, %dma_start3A_450, %dma_start3A_451] : memref<25600x8x128xf32, #tpu.memory_space<hbm>> -> memref<1x8x128xf32, #tpu.memory_space<hbm>>
      %dma_start3A_453 = arith.constant 1 : i32
      %dma_start3A_454 = arith.constant 0 : i32
      %dma_start3A_455 = arith.constant 0 : i32
      %dma_start3A_456 = tpu.memref_slice %arg8[%dma_start3A_453, %dma_start3A_454, %dma_start3A_455] : memref<8x8x128xf32, #tpu.memory_space<vmem>> -> memref<1x8x128xf32, #tpu.memory_space<vmem>>
      tpu.enqueue_dma source(%dma_start3A_456 : memref<1x8x128xf32, #tpu.memory_space<vmem>>) target(%dma_start3A_452 : memref<1x8x128xf32, #tpu.memory_space<hbm>>) target_semaphore(%arg12 : memref<!tpu.dma_semaphore, #tpu.memory_space<semaphore_mem>>)
      %add3A_457 = arith.constant 256 : i32
      %add3A_458 = arith.addi %add3A_424, %add3A_457 : i32
      %dma_start3A_459 = arith.constant 2 : i32
      %dma_start3A_460 = arith.constant 0 : i32
      %dma_start3A_461 = arith.constant 0 : i32
      %dma_start3A_462 = tpu.memref_slice %arg8[%dma_start3A_459, %dma_start3A_460, %dma_start3A_461] : memref<8x8x128xf32, #tpu.memory_space<vmem>> -> memref<1x8x128xf32, #tpu.memory_space<vmem>>
      %dma_start3A_463 = arith.constant 0 : i32
      %dma_start3A_464 = arith.constant 0 : i32
      %dma_start3A_465 = tpu.memref_slice %arg4[%add3A_458, %dma_start3A_463, %dma_start3A_464] : memref<25600x8x128xf32, #tpu.memory_space<hbm>> -> memref<1x8x128xf32, #tpu.memory_space<hbm>>
      %dma_start3A_466 = arith.constant 0 : i32
      %dma_start3A_467 = arith.constant 0 : i32
      %dma_start3A_468 = tpu.memref_slice %arg4[%add3A_458, %dma_start3A_466, %dma_start3A_467] : memref<25600x8x128xf32, #tpu.memory_space<hbm>> -> memref<1x8x128xf32, #tpu.memory_space<hbm>>
      %dma_start3A_469 = arith.constant 2 : i32
      %dma_start3A_470 = arith.constant 0 : i32
      %dma_start3A_471 = arith.constant 0 : i32
      %dma_start3A_472 = tpu.memref_slice %arg8[%dma_start3A_469, %dma_start3A_470, %dma_start3A_471] : memref<8x8x128xf32, #tpu.memory_space<vmem>> -> memref<1x8x128xf32, #tpu.memory_space<vmem>>
      tpu.enqueue_dma source(%dma_start3A_472 : memref<1x8x128xf32, #tpu.memory_space<vmem>>) target(%dma_start3A_468 : memref<1x8x128xf32, #tpu.memory_space<hbm>>) target_semaphore(%arg12 : memref<!tpu.dma_semaphore, #tpu.memory_space<semaphore_mem>>)
      %add3A_473 = arith.constant 384 : i32
      %add3A_474 = arith.addi %add3A_424, %add3A_473 : i32
      %dma_start3A_475 = arith.constant 3 : i32
      %dma_start3A_476 = arith.constant 0 : i32
      %dma_start3A_477 = arith.constant 0 : i32
      %dma_start3A_478 = tpu.memref_slice %arg8[%dma_start3A_475, %dma_start3A_476, %dma_start3A_477] : memref<8x8x128xf32, #tpu.memory_space<vmem>> -> memref<1x8x128xf32, #tpu.memory_space<vmem>>
      %dma_start3A_479 = arith.constant 0 : i32
      %dma_start3A_480 = arith.constant 0 : i32
      %dma_start3A_481 = tpu.memref_slice %arg4[%add3A_474, %dma_start3A_479, %dma_start3A_480] : memref<25600x8x128xf32, #tpu.memory_space<hbm>> -> memref<1x8x128xf32, #tpu.memory_space<hbm>>
      %dma_start3A_482 = arith.constant 0 : i32
      %dma_start3A_483 = arith.constant 0 : i32
      %dma_start3A_484 = tpu.memref_slice %arg4[%add3A_474, %dma_start3A_482, %dma_start3A_483] : memref<25600x8x128xf32, #tpu.memory_space<hbm>> -> memref<1x8x128xf32, #tpu.memory_space<hbm>>
      %dma_start3A_485 = arith.constant 3 : i32
      %dma_start3A_486 = arith.constant 0 : i32
      %dma_start3A_487 = arith.constant 0 : i32
      %dma_start3A_488 = tpu.memref_slice %arg8[%dma_start3A_485, %dma_start3A_486, %dma_start3A_487] : memref<8x8x128xf32, #tpu.memory_space<vmem>> -> memref<1x8x128xf32, #tpu.memory_space<vmem>>
      tpu.enqueue_dma source(%dma_start3A_488 : memref<1x8x128xf32, #tpu.memory_space<vmem>>) target(%dma_start3A_484 : memref<1x8x128xf32, #tpu.memory_space<hbm>>) target_semaphore(%arg12 : memref<!tpu.dma_semaphore, #tpu.memory_space<semaphore_mem>>)
      %add3A_489 = arith.constant 512 : i32
      %add3A_490 = arith.addi %add3A_424, %add3A_489 : i32
      %dma_start3A_491 = arith.constant 4 : i32
      %dma_start3A_492 = arith.constant 0 : i32
      %dma_start3A_493 = arith.constant 0 : i32
      %dma_start3A_494 = tpu.memref_slice %arg8[%dma_start3A_491, %dma_start3A_492, %dma_start3A_493] : memref<8x8x128xf32, #tpu.memory_space<vmem>> -> memref<1x8x128xf32, #tpu.memory_space<vmem>>
      %dma_start3A_495 = arith.constant 0 : i32
      %dma_start3A_496 = arith.constant 0 : i32
      %dma_start3A_497 = tpu.memref_slice %arg4[%add3A_490, %dma_start3A_495, %dma_start3A_496] : memref<25600x8x128xf32, #tpu.memory_space<hbm>> -> memref<1x8x128xf32, #tpu.memory_space<hbm>>
      %dma_start3A_498 = arith.constant 0 : i32
      %dma_start3A_499 = arith.constant 0 : i32
      %dma_start3A_500 = tpu.memref_slice %arg4[%add3A_490, %dma_start3A_498, %dma_start3A_499] : memref<25600x8x128xf32, #tpu.memory_space<hbm>> -> memref<1x8x128xf32, #tpu.memory_space<hbm>>
      %dma_start3A_501 = arith.constant 4 : i32
      %dma_start3A_502 = arith.constant 0 : i32
      %dma_start3A_503 = arith.constant 0 : i32
      %dma_start3A_504 = tpu.memref_slice %arg8[%dma_start3A_501, %dma_start3A_502, %dma_start3A_503] : memref<8x8x128xf32, #tpu.memory_space<vmem>> -> memref<1x8x128xf32, #tpu.memory_space<vmem>>
      tpu.enqueue_dma source(%dma_start3A_504 : memref<1x8x128xf32, #tpu.memory_space<vmem>>) target(%dma_start3A_500 : memref<1x8x128xf32, #tpu.memory_space<hbm>>) target_semaphore(%arg12 : memref<!tpu.dma_semaphore, #tpu.memory_space<semaphore_mem>>)
      %add3A_505 = arith.constant 640 : i32
      %add3A_506 = arith.addi %add3A_424, %add3A_505 : i32
      %dma_start3A_507 = arith.constant 5 : i32
      %dma_start3A_508 = arith.constant 0 : i32
      %dma_start3A_509 = arith.constant 0 : i32
      %dma_start3A_510 = tpu.memref_slice %arg8[%dma_start3A_507, %dma_start3A_508, %dma_start3A_509] : memref<8x8x128xf32, #tpu.memory_space<vmem>> -> memref<1x8x128xf32, #tpu.memory_space<vmem>>
      %dma_start3A_511 = arith.constant 0 : i32
      %dma_start3A_512 = arith.constant 0 : i32
      %dma_start3A_513 = tpu.memref_slice %arg4[%add3A_506, %dma_start3A_511, %dma_start3A_512] : memref<25600x8x128xf32, #tpu.memory_space<hbm>> -> memref<1x8x128xf32, #tpu.memory_space<hbm>>
      %dma_start3A_514 = arith.constant 0 : i32
      %dma_start3A_515 = arith.constant 0 : i32
      %dma_start3A_516 = tpu.memref_slice %arg4[%add3A_506, %dma_start3A_514, %dma_start3A_515] : memref<25600x8x128xf32, #tpu.memory_space<hbm>> -> memref<1x8x128xf32, #tpu.memory_space<hbm>>
      %dma_start3A_517 = arith.constant 5 : i32
      %dma_start3A_518 = arith.constant 0 : i32
      %dma_start3A_519 = arith.constant 0 : i32
      %dma_start3A_520 = tpu.memref_slice %arg8[%dma_start3A_517, %dma_start3A_518, %dma_start3A_519] : memref<8x8x128xf32, #tpu.memory_space<vmem>> -> memref<1x8x128xf32, #tpu.memory_space<vmem>>
      tpu.enqueue_dma source(%dma_start3A_520 : memref<1x8x128xf32, #tpu.memory_space<vmem>>) target(%dma_start3A_516 : memref<1x8x128xf32, #tpu.memory_space<hbm>>) target_semaphore(%arg12 : memref<!tpu.dma_semaphore, #tpu.memory_space<semaphore_mem>>)
      %add3A_521 = arith.constant 768 : i32
      %add3A_522 = arith.addi %add3A_424, %add3A_521 : i32
      %dma_start3A_523 = arith.constant 6 : i32
      %dma_start3A_524 = arith.constant 0 : i32
      %dma_start3A_525 = arith.constant 0 : i32
      %dma_start3A_526 = tpu.memref_slice %arg8[%dma_start3A_523, %dma_start3A_524, %dma_start3A_525] : memref<8x8x128xf32, #tpu.memory_space<vmem>> -> memref<1x8x128xf32, #tpu.memory_space<vmem>>
      %dma_start3A_527 = arith.constant 0 : i32
      %dma_start3A_528 = arith.constant 0 : i32
      %dma_start3A_529 = tpu.memref_slice %arg4[%add3A_522, %dma_start3A_527, %dma_start3A_528] : memref<25600x8x128xf32, #tpu.memory_space<hbm>> -> memref<1x8x128xf32, #tpu.memory_space<hbm>>
      %dma_start3A_530 = arith.constant 0 : i32
      %dma_start3A_531 = arith.constant 0 : i32
      %dma_start3A_532 = tpu.memref_slice %arg4[%add3A_522, %dma_start3A_530, %dma_start3A_531] : memref<25600x8x128xf32, #tpu.memory_space<hbm>> -> memref<1x8x128xf32, #tpu.memory_space<hbm>>
      %dma_start3A_533 = arith.constant 6 : i32
      %dma_start3A_534 = arith.constant 0 : i32
      %dma_start3A_535 = arith.constant 0 : i32
      %dma_start3A_536 = tpu.memref_slice %arg8[%dma_start3A_533, %dma_start3A_534, %dma_start3A_535] : memref<8x8x128xf32, #tpu.memory_space<vmem>> -> memref<1x8x128xf32, #tpu.memory_space<vmem>>
      tpu.enqueue_dma source(%dma_start3A_536 : memref<1x8x128xf32, #tpu.memory_space<vmem>>) target(%dma_start3A_532 : memref<1x8x128xf32, #tpu.memory_space<hbm>>) target_semaphore(%arg12 : memref<!tpu.dma_semaphore, #tpu.memory_space<semaphore_mem>>)
      %add3A_537 = arith.constant 896 : i32
      %add3A_538 = arith.addi %add3A_424, %add3A_537 : i32
      %dma_start3A_539 = arith.constant 7 : i32
      %dma_start3A_540 = arith.constant 0 : i32
      %dma_start3A_541 = arith.constant 0 : i32
      %dma_start3A_542 = tpu.memref_slice %arg8[%dma_start3A_539, %dma_start3A_540, %dma_start3A_541] : memref<8x8x128xf32, #tpu.memory_space<vmem>> -> memref<1x8x128xf32, #tpu.memory_space<vmem>>
      %dma_start3A_543 = arith.constant 0 : i32
      %dma_start3A_544 = arith.constant 0 : i32
      %dma_start3A_545 = tpu.memref_slice %arg4[%add3A_538, %dma_start3A_543, %dma_start3A_544] : memref<25600x8x128xf32, #tpu.memory_space<hbm>> -> memref<1x8x128xf32, #tpu.memory_space<hbm>>
      %dma_start3A_546 = arith.constant 0 : i32
      %dma_start3A_547 = arith.constant 0 : i32
      %dma_start3A_548 = tpu.memref_slice %arg4[%add3A_538, %dma_start3A_546, %dma_start3A_547] : memref<25600x8x128xf32, #tpu.memory_space<hbm>> -> memref<1x8x128xf32, #tpu.memory_space<hbm>>
      %dma_start3A_549 = arith.constant 7 : i32
      %dma_start3A_550 = arith.constant 0 : i32
      %dma_start3A_551 = arith.constant 0 : i32
      %dma_start3A_552 = tpu.memref_slice %arg8[%dma_start3A_549, %dma_start3A_550, %dma_start3A_551] : memref<8x8x128xf32, #tpu.memory_space<vmem>> -> memref<1x8x128xf32, #tpu.memory_space<vmem>>
      tpu.enqueue_dma source(%dma_start3A_552 : memref<1x8x128xf32, #tpu.memory_space<vmem>>) target(%dma_start3A_548 : memref<1x8x128xf32, #tpu.memory_space<hbm>>) target_semaphore(%arg12 : memref<!tpu.dma_semaphore, #tpu.memory_space<semaphore_mem>>)
      %lt3A_553 = arith.constant 49 : i32
      %lt3A_554 = arith.cmpi slt, %scan3A_355, %lt3A_553 : i32
      %convert_element_type3A_555 = arith.extui %lt3A_554 : i1 to i32
      %cond3A_556 = arith.constant 0 : i32
      %cond3A_557 = arith.cmpi ne, %convert_element_type3A_555, %cond3A_556 : i32
      scf.if %cond3A_557 {
        %add3A_748 = arith.constant 2 : i32
        %add3A_749 = arith.addi %mul3A_358, %add3A_748 : i32
        %add3A_750 = arith.addi %mul3A_2, %add3A_749 : i32
        %dma_start3A_751 = arith.constant 0 : i32
        %dma_start3A_752 = arith.constant 0 : i32
        %dma_start3A_753 = tpu.memref_slice %arg3[%add3A_750, %dma_start3A_751, %dma_start3A_752] : memref<3200x8x128xi32, #tpu.memory_space<hbm>> -> memref<1x8x128xi32, #tpu.memory_space<hbm>>
        %dma_start3A_754 = arith.constant 0 : i32
        %dma_start3A_755 = arith.constant 0 : i32
        %dma_start3A_756 = tpu.memref_slice %arg3[%add3A_750, %dma_start3A_754, %dma_start3A_755] : memref<3200x8x128xi32, #tpu.memory_space<hbm>> -> memref<1x8x128xi32, #tpu.memory_space<hbm>>
        tpu.enqueue_dma source(%dma_start3A_756 : memref<1x8x128xi32, #tpu.memory_space<hbm>>) target(%arg6 : memref<1x8x128xi32, #tpu.memory_space<vmem>>) target_semaphore(%arg10 : memref<!tpu.dma_semaphore, #tpu.memory_space<semaphore_mem>>)
      } else {
      }
      %add3A_558 = arith.addi %mul3A_2, %add3A_360 : i32
      %dma_wait3A_559 = arith.constant 0 : i32
      %dma_wait3A_560 = arith.constant 0 : i32
      %dma_wait3A_561 = tpu.memref_slice %arg3[%add3A_558, %dma_wait3A_559, %dma_wait3A_560] : memref<3200x8x128xi32, #tpu.memory_space<hbm>> -> memref<1x8x128xi32, #tpu.memory_space<hbm>>
      %dma_wait3A_562 = arith.constant 0 : i32
      %dma_wait3A_563 = arith.constant 0 : i32
      %dma_wait3A_564 = tpu.memref_slice %arg3[%add3A_558, %dma_wait3A_562, %dma_wait3A_563] : memref<3200x8x128xi32, #tpu.memory_space<hbm>> -> memref<1x8x128xi32, #tpu.memory_space<hbm>>
      tpu.wait_dma2 semaphore(%arg11 : memref<!tpu.dma_semaphore, #tpu.memory_space<semaphore_mem>>) src(%dma_wait3A_564 : memref<1x8x128xi32, #tpu.memory_space<hbm>>) dst(%arg7 : memref<1x8x128xi32, #tpu.memory_space<vmem>>)
      %gt3A_565 = arith.constant 0 : i32
      %gt3A_566 = arith.cmpi sgt, %scan3A_355, %gt3A_565 : i32
      %convert_element_type3A_567 = arith.extui %gt3A_566 : i1 to i32
      %cond3A_568 = arith.constant 0 : i32
      %cond3A_569 = arith.cmpi ne, %convert_element_type3A_567, %cond3A_568 : i32
      scf.if %cond3A_569 {
        %sub3A_748 = arith.constant 2 : i32
        %sub3A_749 = arith.subi %add3A_360, %sub3A_748 : i32
        %add3A_750 = arith.addi %mul3A_2, %sub3A_749 : i32
        %jit3A_751 = arith.constant 128 : i32
        %div3A_752 = arith.divsi %add3A_750, %jit3A_751 : i32
        %sign3A_753 = arith.constant 0 : i32
        %sign3A_754 = arith.cmpi sgt, %add3A_750, %sign3A_753 : i32
        %sign3A_755 = arith.extui %sign3A_754 : i1 to i32
        %sign3A_756 = arith.constant 0 : i32
        %sign3A_757 = arith.cmpi slt, %add3A_750, %sign3A_756 : i32
        %sign3A_758 = arith.extui %sign3A_757 : i1 to i32
        %sign3A_759 = arith.subi %sign3A_755, %sign3A_758 : i32
        %sign3A_760 = arith.constant 0 : i32
        %sign3A_761 = arith.cmpi sgt, %jit3A_751, %sign3A_760 : i32
        %sign3A_762 = arith.extui %sign3A_761 : i1 to i32
        %sign3A_763 = arith.constant 0 : i32
        %sign3A_764 = arith.cmpi slt, %jit3A_751, %sign3A_763 : i32
        %sign3A_765 = arith.extui %sign3A_764 : i1 to i32
        %sign3A_766 = arith.subi %sign3A_762, %sign3A_765 : i32
        %ne3A_767 = arith.cmpi ne, %sign3A_759, %sign3A_766 : i32
        %rem3A_768 = arith.remsi %add3A_750, %jit3A_751 : i32
        %ne3A_769 = arith.constant 0 : i32
        %ne3A_770 = arith.cmpi ne, %rem3A_768, %ne3A_769 : i32
        %and3A_771 = arith.andi %ne3A_767, %ne3A_770 : i1
        %sub3A_772 = arith.constant 1 : i32
        %sub3A_773 = arith.subi %div3A_752, %sub3A_772 : i32
        %select_n3A_774 = arith.select %and3A_771, %sub3A_773, %div3A_752 : i32
        %jit3A_775 = arith.constant 128 : i32
        %eq3A_776 = arith.constant 0 : i32
        %eq3A_777 = arith.cmpi eq, %jit3A_775, %eq3A_776 : i32
        %jit3A_778 = arith.constant 1 : i32
        %select_n3A_779 = arith.select %eq3A_777, %jit3A_778, %jit3A_775 : i32
        %rem3A_780 = arith.remsi %add3A_750, %select_n3A_779 : i32
        %ne3A_781 = arith.constant 0 : i32
        %ne3A_782 = arith.cmpi ne, %rem3A_780, %ne3A_781 : i32
        %lt3A_783 = arith.constant 0 : i32
        %lt3A_784 = arith.cmpi slt, %rem3A_780, %lt3A_783 : i32
        %lt3A_785 = arith.constant 0 : i32
        %lt3A_786 = arith.cmpi slt, %select_n3A_779, %lt3A_785 : i32
        %ne3A_787 = arith.xori %lt3A_784, %lt3A_786 : i1
        %and3A_788 = arith.andi %ne3A_787, %ne3A_782 : i1
        %add3A_789 = arith.addi %rem3A_780, %select_n3A_779 : i32
        %select_n3A_790 = arith.select %and3A_788, %add3A_789, %rem3A_780 : i32
        %mul3A_791 = arith.constant 8 : i32
        %mul3A_792 = arith.muli %mul3A_791, %select_n3A_774 : i32
        %mul3A_793 = arith.constant 128 : i32
        %mul3A_794 = arith.muli %mul3A_792, %mul3A_793 : i32
        %add3A_795 = arith.addi %mul3A_794, %select_n3A_790 : i32
        %add3A_796 = arith.constant 0 : i32
        %add3A_797 = arith.addi %add3A_795, %add3A_796 : i32
        %dma_wait3A_798 = arith.constant 0 : i32
        %dma_wait3A_799 = arith.constant 0 : i32
        %dma_wait3A_800 = arith.constant 0 : i32
        %dma_wait3A_801 = tpu.memref_slice %arg9[%dma_wait3A_798, %dma_wait3A_799, %dma_wait3A_800] : memref<8x8x128xf32, #tpu.memory_space<vmem>> -> memref<1x8x128xf32, #tpu.memory_space<vmem>>
        %dma_wait3A_802 = arith.constant 0 : i32
        %dma_wait3A_803 = arith.constant 0 : i32
        %dma_wait3A_804 = tpu.memref_slice %arg4[%add3A_797, %dma_wait3A_802, %dma_wait3A_803] : memref<25600x8x128xf32, #tpu.memory_space<hbm>> -> memref<1x8x128xf32, #tpu.memory_space<hbm>>
        %dma_wait3A_805 = arith.constant 0 : i32
        %dma_wait3A_806 = arith.constant 0 : i32
        %dma_wait3A_807 = tpu.memref_slice %arg4[%add3A_797, %dma_wait3A_805, %dma_wait3A_806] : memref<25600x8x128xf32, #tpu.memory_space<hbm>> -> memref<1x8x128xf32, #tpu.memory_space<hbm>>
        %dma_wait3A_808 = arith.constant 0 : i32
        %dma_wait3A_809 = arith.constant 0 : i32
        %dma_wait3A_810 = arith.constant 0 : i32
        %dma_wait3A_811 = tpu.memref_slice %arg9[%dma_wait3A_808, %dma_wait3A_809, %dma_wait3A_810] : memref<8x8x128xf32, #tpu.memory_space<vmem>> -> memref<1x8x128xf32, #tpu.memory_space<vmem>>
        tpu.wait_dma2 semaphore(%arg13 : memref<!tpu.dma_semaphore, #tpu.memory_space<semaphore_mem>>) src(%dma_wait3A_811 : memref<1x8x128xf32, #tpu.memory_space<vmem>>) dst(%dma_wait3A_807 : memref<1x8x128xf32, #tpu.memory_space<hbm>>)
        %add3A_812 = arith.constant 128 : i32
        %add3A_813 = arith.addi %add3A_795, %add3A_812 : i32
        %dma_wait3A_814 = arith.constant 1 : i32
        %dma_wait3A_815 = arith.constant 0 : i32
        %dma_wait3A_816 = arith.constant 0 : i32
        %dma_wait3A_817 = tpu.memref_slice %arg9[%dma_wait3A_814, %dma_wait3A_815, %dma_wait3A_816] : memref<8x8x128xf32, #tpu.memory_space<vmem>> -> memref<1x8x128xf32, #tpu.memory_space<vmem>>
        %dma_wait3A_818 = arith.constant 0 : i32
        %dma_wait3A_819 = arith.constant 0 : i32
        %dma_wait3A_820 = tpu.memref_slice %arg4[%add3A_813, %dma_wait3A_818, %dma_wait3A_819] : memref<25600x8x128xf32, #tpu.memory_space<hbm>> -> memref<1x8x128xf32, #tpu.memory_space<hbm>>
        %dma_wait3A_821 = arith.constant 0 : i32
        %dma_wait3A_822 = arith.constant 0 : i32
        %dma_wait3A_823 = tpu.memref_slice %arg4[%add3A_813, %dma_wait3A_821, %dma_wait3A_822] : memref<25600x8x128xf32, #tpu.memory_space<hbm>> -> memref<1x8x128xf32, #tpu.memory_space<hbm>>
        %dma_wait3A_824 = arith.constant 1 : i32
        %dma_wait3A_825 = arith.constant 0 : i32
        %dma_wait3A_826 = arith.constant 0 : i32
        %dma_wait3A_827 = tpu.memref_slice %arg9[%dma_wait3A_824, %dma_wait3A_825, %dma_wait3A_826] : memref<8x8x128xf32, #tpu.memory_space<vmem>> -> memref<1x8x128xf32, #tpu.memory_space<vmem>>
        tpu.wait_dma2 semaphore(%arg13 : memref<!tpu.dma_semaphore, #tpu.memory_space<semaphore_mem>>) src(%dma_wait3A_827 : memref<1x8x128xf32, #tpu.memory_space<vmem>>) dst(%dma_wait3A_823 : memref<1x8x128xf32, #tpu.memory_space<hbm>>)
        %add3A_828 = arith.constant 256 : i32
        %add3A_829 = arith.addi %add3A_795, %add3A_828 : i32
        %dma_wait3A_830 = arith.constant 2 : i32
        %dma_wait3A_831 = arith.constant 0 : i32
        %dma_wait3A_832 = arith.constant 0 : i32
        %dma_wait3A_833 = tpu.memref_slice %arg9[%dma_wait3A_830, %dma_wait3A_831, %dma_wait3A_832] : memref<8x8x128xf32, #tpu.memory_space<vmem>> -> memref<1x8x128xf32, #tpu.memory_space<vmem>>
        %dma_wait3A_834 = arith.constant 0 : i32
        %dma_wait3A_835 = arith.constant 0 : i32
        %dma_wait3A_836 = tpu.memref_slice %arg4[%add3A_829, %dma_wait3A_834, %dma_wait3A_835] : memref<25600x8x128xf32, #tpu.memory_space<hbm>> -> memref<1x8x128xf32, #tpu.memory_space<hbm>>
        %dma_wait3A_837 = arith.constant 0 : i32
        %dma_wait3A_838 = arith.constant 0 : i32
        %dma_wait3A_839 = tpu.memref_slice %arg4[%add3A_829, %dma_wait3A_837, %dma_wait3A_838] : memref<25600x8x128xf32, #tpu.memory_space<hbm>> -> memref<1x8x128xf32, #tpu.memory_space<hbm>>
        %dma_wait3A_840 = arith.constant 2 : i32
        %dma_wait3A_841 = arith.constant 0 : i32
        %dma_wait3A_842 = arith.constant 0 : i32
        %dma_wait3A_843 = tpu.memref_slice %arg9[%dma_wait3A_840, %dma_wait3A_841, %dma_wait3A_842] : memref<8x8x128xf32, #tpu.memory_space<vmem>> -> memref<1x8x128xf32, #tpu.memory_space<vmem>>
        tpu.wait_dma2 semaphore(%arg13 : memref<!tpu.dma_semaphore, #tpu.memory_space<semaphore_mem>>) src(%dma_wait3A_843 : memref<1x8x128xf32, #tpu.memory_space<vmem>>) dst(%dma_wait3A_839 : memref<1x8x128xf32, #tpu.memory_space<hbm>>)
        %add3A_844 = arith.constant 384 : i32
        %add3A_845 = arith.addi %add3A_795, %add3A_844 : i32
        %dma_wait3A_846 = arith.constant 3 : i32
        %dma_wait3A_847 = arith.constant 0 : i32
        %dma_wait3A_848 = arith.constant 0 : i32
        %dma_wait3A_849 = tpu.memref_slice %arg9[%dma_wait3A_846, %dma_wait3A_847, %dma_wait3A_848] : memref<8x8x128xf32, #tpu.memory_space<vmem>> -> memref<1x8x128xf32, #tpu.memory_space<vmem>>
        %dma_wait3A_850 = arith.constant 0 : i32
        %dma_wait3A_851 = arith.constant 0 : i32
        %dma_wait3A_852 = tpu.memref_slice %arg4[%add3A_845, %dma_wait3A_850, %dma_wait3A_851] : memref<25600x8x128xf32, #tpu.memory_space<hbm>> -> memref<1x8x128xf32, #tpu.memory_space<hbm>>
        %dma_wait3A_853 = arith.constant 0 : i32
        %dma_wait3A_854 = arith.constant 0 : i32
        %dma_wait3A_855 = tpu.memref_slice %arg4[%add3A_845, %dma_wait3A_853, %dma_wait3A_854] : memref<25600x8x128xf32, #tpu.memory_space<hbm>> -> memref<1x8x128xf32, #tpu.memory_space<hbm>>
        %dma_wait3A_856 = arith.constant 3 : i32
        %dma_wait3A_857 = arith.constant 0 : i32
        %dma_wait3A_858 = arith.constant 0 : i32
        %dma_wait3A_859 = tpu.memref_slice %arg9[%dma_wait3A_856, %dma_wait3A_857, %dma_wait3A_858] : memref<8x8x128xf32, #tpu.memory_space<vmem>> -> memref<1x8x128xf32, #tpu.memory_space<vmem>>
        tpu.wait_dma2 semaphore(%arg13 : memref<!tpu.dma_semaphore, #tpu.memory_space<semaphore_mem>>) src(%dma_wait3A_859 : memref<1x8x128xf32, #tpu.memory_space<vmem>>) dst(%dma_wait3A_855 : memref<1x8x128xf32, #tpu.memory_space<hbm>>)
        %add3A_860 = arith.constant 512 : i32
        %add3A_861 = arith.addi %add3A_795, %add3A_860 : i32
        %dma_wait3A_862 = arith.constant 4 : i32
        %dma_wait3A_863 = arith.constant 0 : i32
        %dma_wait3A_864 = arith.constant 0 : i32
        %dma_wait3A_865 = tpu.memref_slice %arg9[%dma_wait3A_862, %dma_wait3A_863, %dma_wait3A_864] : memref<8x8x128xf32, #tpu.memory_space<vmem>> -> memref<1x8x128xf32, #tpu.memory_space<vmem>>
        %dma_wait3A_866 = arith.constant 0 : i32
        %dma_wait3A_867 = arith.constant 0 : i32
        %dma_wait3A_868 = tpu.memref_slice %arg4[%add3A_861, %dma_wait3A_866, %dma_wait3A_867] : memref<25600x8x128xf32, #tpu.memory_space<hbm>> -> memref<1x8x128xf32, #tpu.memory_space<hbm>>
        %dma_wait3A_869 = arith.constant 0 : i32
        %dma_wait3A_870 = arith.constant 0 : i32
        %dma_wait3A_871 = tpu.memref_slice %arg4[%add3A_861, %dma_wait3A_869, %dma_wait3A_870] : memref<25600x8x128xf32, #tpu.memory_space<hbm>> -> memref<1x8x128xf32, #tpu.memory_space<hbm>>
        %dma_wait3A_872 = arith.constant 4 : i32
        %dma_wait3A_873 = arith.constant 0 : i32
        %dma_wait3A_874 = arith.constant 0 : i32
        %dma_wait3A_875 = tpu.memref_slice %arg9[%dma_wait3A_872, %dma_wait3A_873, %dma_wait3A_874] : memref<8x8x128xf32, #tpu.memory_space<vmem>> -> memref<1x8x128xf32, #tpu.memory_space<vmem>>
        tpu.wait_dma2 semaphore(%arg13 : memref<!tpu.dma_semaphore, #tpu.memory_space<semaphore_mem>>) src(%dma_wait3A_875 : memref<1x8x128xf32, #tpu.memory_space<vmem>>) dst(%dma_wait3A_871 : memref<1x8x128xf32, #tpu.memory_space<hbm>>)
        %add3A_876 = arith.constant 640 : i32
        %add3A_877 = arith.addi %add3A_795, %add3A_876 : i32
        %dma_wait3A_878 = arith.constant 5 : i32
        %dma_wait3A_879 = arith.constant 0 : i32
        %dma_wait3A_880 = arith.constant 0 : i32
        %dma_wait3A_881 = tpu.memref_slice %arg9[%dma_wait3A_878, %dma_wait3A_879, %dma_wait3A_880] : memref<8x8x128xf32, #tpu.memory_space<vmem>> -> memref<1x8x128xf32, #tpu.memory_space<vmem>>
        %dma_wait3A_882 = arith.constant 0 : i32
        %dma_wait3A_883 = arith.constant 0 : i32
        %dma_wait3A_884 = tpu.memref_slice %arg4[%add3A_877, %dma_wait3A_882, %dma_wait3A_883] : memref<25600x8x128xf32, #tpu.memory_space<hbm>> -> memref<1x8x128xf32, #tpu.memory_space<hbm>>
        %dma_wait3A_885 = arith.constant 0 : i32
        %dma_wait3A_886 = arith.constant 0 : i32
        %dma_wait3A_887 = tpu.memref_slice %arg4[%add3A_877, %dma_wait3A_885, %dma_wait3A_886] : memref<25600x8x128xf32, #tpu.memory_space<hbm>> -> memref<1x8x128xf32, #tpu.memory_space<hbm>>
        %dma_wait3A_888 = arith.constant 5 : i32
        %dma_wait3A_889 = arith.constant 0 : i32
        %dma_wait3A_890 = arith.constant 0 : i32
        %dma_wait3A_891 = tpu.memref_slice %arg9[%dma_wait3A_888, %dma_wait3A_889, %dma_wait3A_890] : memref<8x8x128xf32, #tpu.memory_space<vmem>> -> memref<1x8x128xf32, #tpu.memory_space<vmem>>
        tpu.wait_dma2 semaphore(%arg13 : memref<!tpu.dma_semaphore, #tpu.memory_space<semaphore_mem>>) src(%dma_wait3A_891 : memref<1x8x128xf32, #tpu.memory_space<vmem>>) dst(%dma_wait3A_887 : memref<1x8x128xf32, #tpu.memory_space<hbm>>)
        %add3A_892 = arith.constant 768 : i32
        %add3A_893 = arith.addi %add3A_795, %add3A_892 : i32
        %dma_wait3A_894 = arith.constant 6 : i32
        %dma_wait3A_895 = arith.constant 0 : i32
        %dma_wait3A_896 = arith.constant 0 : i32
        %dma_wait3A_897 = tpu.memref_slice %arg9[%dma_wait3A_894, %dma_wait3A_895, %dma_wait3A_896] : memref<8x8x128xf32, #tpu.memory_space<vmem>> -> memref<1x8x128xf32, #tpu.memory_space<vmem>>
        %dma_wait3A_898 = arith.constant 0 : i32
        %dma_wait3A_899 = arith.constant 0 : i32
        %dma_wait3A_900 = tpu.memref_slice %arg4[%add3A_893, %dma_wait3A_898, %dma_wait3A_899] : memref<25600x8x128xf32, #tpu.memory_space<hbm>> -> memref<1x8x128xf32, #tpu.memory_space<hbm>>
        %dma_wait3A_901 = arith.constant 0 : i32
        %dma_wait3A_902 = arith.constant 0 : i32
        %dma_wait3A_903 = tpu.memref_slice %arg4[%add3A_893, %dma_wait3A_901, %dma_wait3A_902] : memref<25600x8x128xf32, #tpu.memory_space<hbm>> -> memref<1x8x128xf32, #tpu.memory_space<hbm>>
        %dma_wait3A_904 = arith.constant 6 : i32
        %dma_wait3A_905 = arith.constant 0 : i32
        %dma_wait3A_906 = arith.constant 0 : i32
        %dma_wait3A_907 = tpu.memref_slice %arg9[%dma_wait3A_904, %dma_wait3A_905, %dma_wait3A_906] : memref<8x8x128xf32, #tpu.memory_space<vmem>> -> memref<1x8x128xf32, #tpu.memory_space<vmem>>
        tpu.wait_dma2 semaphore(%arg13 : memref<!tpu.dma_semaphore, #tpu.memory_space<semaphore_mem>>) src(%dma_wait3A_907 : memref<1x8x128xf32, #tpu.memory_space<vmem>>) dst(%dma_wait3A_903 : memref<1x8x128xf32, #tpu.memory_space<hbm>>)
        %add3A_908 = arith.constant 896 : i32
        %add3A_909 = arith.addi %add3A_795, %add3A_908 : i32
        %dma_wait3A_910 = arith.constant 7 : i32
        %dma_wait3A_911 = arith.constant 0 : i32
        %dma_wait3A_912 = arith.constant 0 : i32
        %dma_wait3A_913 = tpu.memref_slice %arg9[%dma_wait3A_910, %dma_wait3A_911, %dma_wait3A_912] : memref<8x8x128xf32, #tpu.memory_space<vmem>> -> memref<1x8x128xf32, #tpu.memory_space<vmem>>
        %dma_wait3A_914 = arith.constant 0 : i32
        %dma_wait3A_915 = arith.constant 0 : i32
        %dma_wait3A_916 = tpu.memref_slice %arg4[%add3A_909, %dma_wait3A_914, %dma_wait3A_915] : memref<25600x8x128xf32, #tpu.memory_space<hbm>> -> memref<1x8x128xf32, #tpu.memory_space<hbm>>
        %dma_wait3A_917 = arith.constant 0 : i32
        %dma_wait3A_918 = arith.constant 0 : i32
        %dma_wait3A_919 = tpu.memref_slice %arg4[%add3A_909, %dma_wait3A_917, %dma_wait3A_918] : memref<25600x8x128xf32, #tpu.memory_space<hbm>> -> memref<1x8x128xf32, #tpu.memory_space<hbm>>
        %dma_wait3A_920 = arith.constant 7 : i32
        %dma_wait3A_921 = arith.constant 0 : i32
        %dma_wait3A_922 = arith.constant 0 : i32
        %dma_wait3A_923 = tpu.memref_slice %arg9[%dma_wait3A_920, %dma_wait3A_921, %dma_wait3A_922] : memref<8x8x128xf32, #tpu.memory_space<vmem>> -> memref<1x8x128xf32, #tpu.memory_space<vmem>>
        tpu.wait_dma2 semaphore(%arg13 : memref<!tpu.dma_semaphore, #tpu.memory_space<semaphore_mem>>) src(%dma_wait3A_923 : memref<1x8x128xf32, #tpu.memory_space<vmem>>) dst(%dma_wait3A_919 : memref<1x8x128xf32, #tpu.memory_space<hbm>>)
      } else {
      }
      %parallel_loop3A_570 = arith.constant 0 : i32
      %parallel_loop3A_571 = arith.constant 64 : i32
      %parallel_loop3A_572 = arith.constant 1 : i32
      scf.for %parallel_loop3A_748 = %parallel_loop3A_570 to %parallel_loop3A_571 step %parallel_loop3A_572  : i32 {
        %parallel_loop3A_749 = arith.constant 8 : i32
        %parallel_loop3A_750 = arith.divsi %parallel_loop3A_748, %parallel_loop3A_749 : i32
        %parallel_loop3A_751 = arith.constant 0 : i32
        %parallel_loop3A_752 = arith.cmpi sgt, %parallel_loop3A_748, %parallel_loop3A_751 : i32
        %parallel_loop3A_753 = arith.extui %parallel_loop3A_752 : i1 to i32
        %parallel_loop3A_754 = arith.constant 0 : i32
        %parallel_loop3A_755 = arith.cmpi slt, %parallel_loop3A_748, %parallel_loop3A_754 : i32
        %parallel_loop3A_756 = arith.extui %parallel_loop3A_755 : i1 to i32
        %parallel_loop3A_757 = arith.subi %parallel_loop3A_753, %parallel_loop3A_756 : i32
        %parallel_loop3A_758 = arith.constant 0 : i32
        %parallel_loop3A_759 = arith.cmpi sgt, %parallel_loop3A_749, %parallel_loop3A_758 : i32
        %parallel_loop3A_760 = arith.extui %parallel_loop3A_759 : i1 to i32
        %parallel_loop3A_761 = arith.constant 0 : i32
        %parallel_loop3A_762 = arith.cmpi slt, %parallel_loop3A_749, %parallel_loop3A_761 : i32
        %parallel_loop3A_763 = arith.extui %parallel_loop3A_762 : i1 to i32
        %parallel_loop3A_764 = arith.subi %parallel_loop3A_760, %parallel_loop3A_763 : i32
        %parallel_loop3A_765 = arith.cmpi ne, %parallel_loop3A_757, %parallel_loop3A_764 : i32
        %parallel_loop3A_766 = arith.remsi %parallel_loop3A_748, %parallel_loop3A_749 : i32
        %parallel_loop3A_767 = arith.constant 0 : i32
        %parallel_loop3A_768 = arith.cmpi ne, %parallel_loop3A_766, %parallel_loop3A_767 : i32
        %parallel_loop3A_769 = arith.andi %parallel_loop3A_765, %parallel_loop3A_768 : i1
        %parallel_loop3A_770 = arith.constant 1 : i32
        %parallel_loop3A_771 = arith.subi %parallel_loop3A_750, %parallel_loop3A_770 : i32
        %parallel_loop3A_772 = arith.select %parallel_loop3A_769, %parallel_loop3A_771, %parallel_loop3A_750 : i32
        %parallel_loop3A_773 = arith.constant 8 : i32
        %parallel_loop3A_774 = arith.constant 0 : i32
        %parallel_loop3A_775 = arith.cmpi eq, %parallel_loop3A_773, %parallel_loop3A_774 : i32
        %parallel_loop3A_776 = arith.constant 1 : i32
        %parallel_loop3A_777 = arith.select %parallel_loop3A_775, %parallel_loop3A_776, %parallel_loop3A_773 : i32
        %parallel_loop3A_778 = arith.remsi %parallel_loop3A_748, %parallel_loop3A_777 : i32
        %parallel_loop3A_779 = arith.constant 0 : i32
        %parallel_loop3A_780 = arith.cmpi ne, %parallel_loop3A_778, %parallel_loop3A_779 : i32
        %parallel_loop3A_781 = arith.constant 0 : i32
        %parallel_loop3A_782 = arith.cmpi slt, %parallel_loop3A_778, %parallel_loop3A_781 : i32
        %parallel_loop3A_783 = arith.constant 0 : i32
        %parallel_loop3A_784 = arith.cmpi slt, %parallel_loop3A_777, %parallel_loop3A_783 : i32
        %parallel_loop3A_785 = arith.xori %parallel_loop3A_782, %parallel_loop3A_784 : i1
        %parallel_loop3A_786 = arith.andi %parallel_loop3A_785, %parallel_loop3A_780 : i1
        %parallel_loop3A_787 = arith.addi %parallel_loop3A_778, %parallel_loop3A_777 : i32
        %parallel_loop3A_788 = arith.select %parallel_loop3A_786, %parallel_loop3A_787, %parallel_loop3A_778 : i32
        %parallel_loop3A_789 = arith.constant 16 : i32
        %parallel_loop3A_790 = arith.muli %parallel_loop3A_788, %parallel_loop3A_789 : i32
        %parallel_loop3A_791 = arith.constant 0 : i32
        %parallel_loop3A_792 = arith.index_cast %parallel_loop3A_791 : i32 to index
        %parallel_loop3A_793 = arith.index_cast %parallel_loop3A_772 : i32 to index
        %parallel_loop3A_794 = arith.index_cast %parallel_loop3A_790 : i32 to index
        %parallel_loop3A_795 = tpu.vector_load %arg7[%parallel_loop3A_792, %parallel_loop3A_793, %parallel_loop3A_794] {strides = array<i32>} : memref<1x8x128xi32, #tpu.memory_space<vmem>>, vector<16xi32>,
        %parallel_loop3A_796 = arith.constant 0 : i32
        %parallel_loop3A_797 = tpu.memref_slice %arg5[%parallel_loop3A_796] : memref<1024xf32, #tpu.memory_space<vmem>> -> memref<128xf32, #tpu.memory_space<vmem>>
        %parallel_loop3A_798 = tpu.vector_load_idx %parallel_loop3A_797[%parallel_loop3A_795] : memref<128xf32, #tpu.memory_space<vmem>>[vector<16xi32>], vector<16xf32>,
        %parallel_loop3A_799 = arith.constant 8 : i32
        %parallel_loop3A_800 = arith.divsi %parallel_loop3A_748, %parallel_loop3A_799 : i32
        %parallel_loop3A_801 = arith.constant 0 : i32
        %parallel_loop3A_802 = arith.cmpi sgt, %parallel_loop3A_748, %parallel_loop3A_801 : i32
        %parallel_loop3A_803 = arith.extui %parallel_loop3A_802 : i1 to i32
        %parallel_loop3A_804 = arith.constant 0 : i32
        %parallel_loop3A_805 = arith.cmpi slt, %parallel_loop3A_748, %parallel_loop3A_804 : i32
        %parallel_loop3A_806 = arith.extui %parallel_loop3A_805 : i1 to i32
        %parallel_loop3A_807 = arith.subi %parallel_loop3A_803, %parallel_loop3A_806 : i32
        %parallel_loop3A_808 = arith.constant 0 : i32
        %parallel_loop3A_809 = arith.cmpi sgt, %parallel_loop3A_799, %parallel_loop3A_808 : i32
        %parallel_loop3A_810 = arith.extui %parallel_loop3A_809 : i1 to i32
        %parallel_loop3A_811 = arith.constant 0 : i32
        %parallel_loop3A_812 = arith.cmpi slt, %parallel_loop3A_799, %parallel_loop3A_811 : i32
        %parallel_loop3A_813 = arith.extui %parallel_loop3A_812 : i1 to i32
        %parallel_loop3A_814 = arith.subi %parallel_loop3A_810, %parallel_loop3A_813 : i32
        %parallel_loop3A_815 = arith.cmpi ne, %parallel_loop3A_807, %parallel_loop3A_814 : i32
        %parallel_loop3A_816 = arith.remsi %parallel_loop3A_748, %parallel_loop3A_799 : i32
        %parallel_loop3A_817 = arith.constant 0 : i32
        %parallel_loop3A_818 = arith.cmpi ne, %parallel_loop3A_816, %parallel_loop3A_817 : i32
        %parallel_loop3A_819 = arith.andi %parallel_loop3A_815, %parallel_loop3A_818 : i1
        %parallel_loop3A_820 = arith.constant 1 : i32
        %parallel_loop3A_821 = arith.subi %parallel_loop3A_800, %parallel_loop3A_820 : i32
        %parallel_loop3A_822 = arith.select %parallel_loop3A_819, %parallel_loop3A_821, %parallel_loop3A_800 : i32
        %parallel_loop3A_823 = arith.constant 8 : i32
        %parallel_loop3A_824 = arith.constant 0 : i32
        %parallel_loop3A_825 = arith.cmpi eq, %parallel_loop3A_823, %parallel_loop3A_824 : i32
        %parallel_loop3A_826 = arith.constant 1 : i32
        %parallel_loop3A_827 = arith.select %parallel_loop3A_825, %parallel_loop3A_826, %parallel_loop3A_823 : i32
        %parallel_loop3A_828 = arith.remsi %parallel_loop3A_748, %parallel_loop3A_827 : i32
        %parallel_loop3A_829 = arith.constant 0 : i32
        %parallel_loop3A_830 = arith.cmpi ne, %parallel_loop3A_828, %parallel_loop3A_829 : i32
        %parallel_loop3A_831 = arith.constant 0 : i32
        %parallel_loop3A_832 = arith.cmpi slt, %parallel_loop3A_828, %parallel_loop3A_831 : i32
        %parallel_loop3A_833 = arith.constant 0 : i32
        %parallel_loop3A_834 = arith.cmpi slt, %parallel_loop3A_827, %parallel_loop3A_833 : i32
        %parallel_loop3A_835 = arith.xori %parallel_loop3A_832, %parallel_loop3A_834 : i1
        %parallel_loop3A_836 = arith.andi %parallel_loop3A_835, %parallel_loop3A_830 : i1
        %parallel_loop3A_837 = arith.addi %parallel_loop3A_828, %parallel_loop3A_827 : i32
        %parallel_loop3A_838 = arith.select %parallel_loop3A_836, %parallel_loop3A_837, %parallel_loop3A_828 : i32
        %parallel_loop3A_839 = arith.constant 16 : i32
        %parallel_loop3A_840 = arith.muli %parallel_loop3A_838, %parallel_loop3A_839 : i32
        %parallel_loop3A_841 = arith.constant 0 : i32
        %parallel_loop3A_842 = arith.index_cast %parallel_loop3A_822 : i32 to index
        %parallel_loop3A_843 = arith.index_cast %parallel_loop3A_841 : i32 to index
        %parallel_loop3A_844 = arith.index_cast %parallel_loop3A_840 : i32 to index
        %parallel_loop3A_845 = tpu.vector_load %arg9[%parallel_loop3A_842, %parallel_loop3A_843, %parallel_loop3A_844] {strides = array<i32>} : memref<8x8x128xf32, #tpu.memory_space<vmem>>, vector<16xf32>,
        tpu.vector_store %arg9[%parallel_loop3A_842, %parallel_loop3A_843, %parallel_loop3A_844], %parallel_loop3A_798 {strides = array<i32>} : memref<8x8x128xf32, #tpu.memory_space<vmem>>, vector<16xf32>,
        %parallel_loop3A_846 = arith.constant 128 : i32
        %parallel_loop3A_847 = tpu.memref_slice %arg5[%parallel_loop3A_846] : memref<1024xf32, #tpu.memory_space<vmem>> -> memref<128xf32, #tpu.memory_space<vmem>>
        %parallel_loop3A_848 = tpu.vector_load_idx %parallel_loop3A_847[%parallel_loop3A_795] : memref<128xf32, #tpu.memory_space<vmem>>[vector<16xi32>], vector<16xf32>,
        %parallel_loop3A_849 = arith.constant 8 : i32
        %parallel_loop3A_850 = arith.divsi %parallel_loop3A_748, %parallel_loop3A_849 : i32
        %parallel_loop3A_851 = arith.constant 0 : i32
        %parallel_loop3A_852 = arith.cmpi sgt, %parallel_loop3A_748, %parallel_loop3A_851 : i32
        %parallel_loop3A_853 = arith.extui %parallel_loop3A_852 : i1 to i32
        %parallel_loop3A_854 = arith.constant 0 : i32
        %parallel_loop3A_855 = arith.cmpi slt, %parallel_loop3A_748, %parallel_loop3A_854 : i32
        %parallel_loop3A_856 = arith.extui %parallel_loop3A_855 : i1 to i32
        %parallel_loop3A_857 = arith.subi %parallel_loop3A_853, %parallel_loop3A_856 : i32
        %parallel_loop3A_858 = arith.constant 0 : i32
        %parallel_loop3A_859 = arith.cmpi sgt, %parallel_loop3A_849, %parallel_loop3A_858 : i32
        %parallel_loop3A_860 = arith.extui %parallel_loop3A_859 : i1 to i32
        %parallel_loop3A_861 = arith.constant 0 : i32
        %parallel_loop3A_862 = arith.cmpi slt, %parallel_loop3A_849, %parallel_loop3A_861 : i32
        %parallel_loop3A_863 = arith.extui %parallel_loop3A_862 : i1 to i32
        %parallel_loop3A_864 = arith.subi %parallel_loop3A_860, %parallel_loop3A_863 : i32
        %parallel_loop3A_865 = arith.cmpi ne, %parallel_loop3A_857, %parallel_loop3A_864 : i32
        %parallel_loop3A_866 = arith.remsi %parallel_loop3A_748, %parallel_loop3A_849 : i32
        %parallel_loop3A_867 = arith.constant 0 : i32
        %parallel_loop3A_868 = arith.cmpi ne, %parallel_loop3A_866, %parallel_loop3A_867 : i32
        %parallel_loop3A_869 = arith.andi %parallel_loop3A_865, %parallel_loop3A_868 : i1
        %parallel_loop3A_870 = arith.constant 1 : i32
        %parallel_loop3A_871 = arith.subi %parallel_loop3A_850, %parallel_loop3A_870 : i32
        %parallel_loop3A_872 = arith.select %parallel_loop3A_869, %parallel_loop3A_871, %parallel_loop3A_850 : i32
        %parallel_loop3A_873 = arith.constant 8 : i32
        %parallel_loop3A_874 = arith.constant 0 : i32
        %parallel_loop3A_875 = arith.cmpi eq, %parallel_loop3A_873, %parallel_loop3A_874 : i32
        %parallel_loop3A_876 = arith.constant 1 : i32
        %parallel_loop3A_877 = arith.select %parallel_loop3A_875, %parallel_loop3A_876, %parallel_loop3A_873 : i32
        %parallel_loop3A_878 = arith.remsi %parallel_loop3A_748, %parallel_loop3A_877 : i32
        %parallel_loop3A_879 = arith.constant 0 : i32
        %parallel_loop3A_880 = arith.cmpi ne, %parallel_loop3A_878, %parallel_loop3A_879 : i32
        %parallel_loop3A_881 = arith.constant 0 : i32
        %parallel_loop3A_882 = arith.cmpi slt, %parallel_loop3A_878, %parallel_loop3A_881 : i32
        %parallel_loop3A_883 = arith.constant 0 : i32
        %parallel_loop3A_884 = arith.cmpi slt, %parallel_loop3A_877, %parallel_loop3A_883 : i32
        %parallel_loop3A_885 = arith.xori %parallel_loop3A_882, %parallel_loop3A_884 : i1
        %parallel_loop3A_886 = arith.andi %parallel_loop3A_885, %parallel_loop3A_880 : i1
        %parallel_loop3A_887 = arith.addi %parallel_loop3A_878, %parallel_loop3A_877 : i32
        %parallel_loop3A_888 = arith.select %parallel_loop3A_886, %parallel_loop3A_887, %parallel_loop3A_878 : i32
        %parallel_loop3A_889 = arith.constant 16 : i32
        %parallel_loop3A_890 = arith.muli %parallel_loop3A_888, %parallel_loop3A_889 : i32
        %parallel_loop3A_891 = arith.constant 1 : i32
        %parallel_loop3A_892 = arith.index_cast %parallel_loop3A_872 : i32 to index
        %parallel_loop3A_893 = arith.index_cast %parallel_loop3A_891 : i32 to index
        %parallel_loop3A_894 = arith.index_cast %parallel_loop3A_890 : i32 to index
        %parallel_loop3A_895 = tpu.vector_load %arg9[%parallel_loop3A_892, %parallel_loop3A_893, %parallel_loop3A_894] {strides = array<i32>} : memref<8x8x128xf32, #tpu.memory_space<vmem>>, vector<16xf32>,
        tpu.vector_store %arg9[%parallel_loop3A_892, %parallel_loop3A_893, %parallel_loop3A_894], %parallel_loop3A_848 {strides = array<i32>} : memref<8x8x128xf32, #tpu.memory_space<vmem>>, vector<16xf32>,
        %parallel_loop3A_896 = arith.constant 256 : i32
        %parallel_loop3A_897 = tpu.memref_slice %arg5[%parallel_loop3A_896] : memref<1024xf32, #tpu.memory_space<vmem>> -> memref<128xf32, #tpu.memory_space<vmem>>
        %parallel_loop3A_898 = tpu.vector_load_idx %parallel_loop3A_897[%parallel_loop3A_795] : memref<128xf32, #tpu.memory_space<vmem>>[vector<16xi32>], vector<16xf32>,
        %parallel_loop3A_899 = arith.constant 8 : i32
        %parallel_loop3A_900 = arith.divsi %parallel_loop3A_748, %parallel_loop3A_899 : i32
        %parallel_loop3A_901 = arith.constant 0 : i32
        %parallel_loop3A_902 = arith.cmpi sgt, %parallel_loop3A_748, %parallel_loop3A_901 : i32
        %parallel_loop3A_903 = arith.extui %parallel_loop3A_902 : i1 to i32
        %parallel_loop3A_904 = arith.constant 0 : i32
        %parallel_loop3A_905 = arith.cmpi slt, %parallel_loop3A_748, %parallel_loop3A_904 : i32
        %parallel_loop3A_906 = arith.extui %parallel_loop3A_905 : i1 to i32
        %parallel_loop3A_907 = arith.subi %parallel_loop3A_903, %parallel_loop3A_906 : i32
        %parallel_loop3A_908 = arith.constant 0 : i32
        %parallel_loop3A_909 = arith.cmpi sgt, %parallel_loop3A_899, %parallel_loop3A_908 : i32
        %parallel_loop3A_910 = arith.extui %parallel_loop3A_909 : i1 to i32
        %parallel_loop3A_911 = arith.constant 0 : i32
        %parallel_loop3A_912 = arith.cmpi slt, %parallel_loop3A_899, %parallel_loop3A_911 : i32
        %parallel_loop3A_913 = arith.extui %parallel_loop3A_912 : i1 to i32
        %parallel_loop3A_914 = arith.subi %parallel_loop3A_910, %parallel_loop3A_913 : i32
        %parallel_loop3A_915 = arith.cmpi ne, %parallel_loop3A_907, %parallel_loop3A_914 : i32
        %parallel_loop3A_916 = arith.remsi %parallel_loop3A_748, %parallel_loop3A_899 : i32
        %parallel_loop3A_917 = arith.constant 0 : i32
        %parallel_loop3A_918 = arith.cmpi ne, %parallel_loop3A_916, %parallel_loop3A_917 : i32
        %parallel_loop3A_919 = arith.andi %parallel_loop3A_915, %parallel_loop3A_918 : i1
        %parallel_loop3A_920 = arith.constant 1 : i32
        %parallel_loop3A_921 = arith.subi %parallel_loop3A_900, %parallel_loop3A_920 : i32
        %parallel_loop3A_922 = arith.select %parallel_loop3A_919, %parallel_loop3A_921, %parallel_loop3A_900 : i32
        %parallel_loop3A_923 = arith.constant 8 : i32
        %parallel_loop3A_924 = arith.constant 0 : i32
        %parallel_loop3A_925 = arith.cmpi eq, %parallel_loop3A_923, %parallel_loop3A_924 : i32
        %parallel_loop3A_926 = arith.constant 1 : i32
        %parallel_loop3A_927 = arith.select %parallel_loop3A_925, %parallel_loop3A_926, %parallel_loop3A_923 : i32
        %parallel_loop3A_928 = arith.remsi %parallel_loop3A_748, %parallel_loop3A_927 : i32
        %parallel_loop3A_929 = arith.constant 0 : i32
        %parallel_loop3A_930 = arith.cmpi ne, %parallel_loop3A_928, %parallel_loop3A_929 : i32
        %parallel_loop3A_931 = arith.constant 0 : i32
        %parallel_loop3A_932 = arith.cmpi slt, %parallel_loop3A_928, %parallel_loop3A_931 : i32
        %parallel_loop3A_933 = arith.constant 0 : i32
        %parallel_loop3A_934 = arith.cmpi slt, %parallel_loop3A_927, %parallel_loop3A_933 : i32
        %parallel_loop3A_935 = arith.xori %parallel_loop3A_932, %parallel_loop3A_934 : i1
        %parallel_loop3A_936 = arith.andi %parallel_loop3A_935, %parallel_loop3A_930 : i1
        %parallel_loop3A_937 = arith.addi %parallel_loop3A_928, %parallel_loop3A_927 : i32
        %parallel_loop3A_938 = arith.select %parallel_loop3A_936, %parallel_loop3A_937, %parallel_loop3A_928 : i32
        %parallel_loop3A_939 = arith.constant 16 : i32
        %parallel_loop3A_940 = arith.muli %parallel_loop3A_938, %parallel_loop3A_939 : i32
        %parallel_loop3A_941 = arith.constant 2 : i32
        %parallel_loop3A_942 = arith.index_cast %parallel_loop3A_922 : i32 to index
        %parallel_loop3A_943 = arith.index_cast %parallel_loop3A_941 : i32 to index
        %parallel_loop3A_944 = arith.index_cast %parallel_loop3A_940 : i32 to index
        %parallel_loop3A_945 = tpu.vector_load %arg9[%parallel_loop3A_942, %parallel_loop3A_943, %parallel_loop3A_944] {strides = array<i32>} : memref<8x8x128xf32, #tpu.memory_space<vmem>>, vector<16xf32>,
        tpu.vector_store %arg9[%parallel_loop3A_942, %parallel_loop3A_943, %parallel_loop3A_944], %parallel_loop3A_898 {strides = array<i32>} : memref<8x8x128xf32, #tpu.memory_space<vmem>>, vector<16xf32>,
        %parallel_loop3A_946 = arith.constant 384 : i32
        %parallel_loop3A_947 = tpu.memref_slice %arg5[%parallel_loop3A_946] : memref<1024xf32, #tpu.memory_space<vmem>> -> memref<128xf32, #tpu.memory_space<vmem>>
        %parallel_loop3A_948 = tpu.vector_load_idx %parallel_loop3A_947[%parallel_loop3A_795] : memref<128xf32, #tpu.memory_space<vmem>>[vector<16xi32>], vector<16xf32>,
        %parallel_loop3A_949 = arith.constant 8 : i32
        %parallel_loop3A_950 = arith.divsi %parallel_loop3A_748, %parallel_loop3A_949 : i32
        %parallel_loop3A_951 = arith.constant 0 : i32
        %parallel_loop3A_952 = arith.cmpi sgt, %parallel_loop3A_748, %parallel_loop3A_951 : i32
        %parallel_loop3A_953 = arith.extui %parallel_loop3A_952 : i1 to i32
        %parallel_loop3A_954 = arith.constant 0 : i32
        %parallel_loop3A_955 = arith.cmpi slt, %parallel_loop3A_748, %parallel_loop3A_954 : i32
        %parallel_loop3A_956 = arith.extui %parallel_loop3A_955 : i1 to i32
        %parallel_loop3A_957 = arith.subi %parallel_loop3A_953, %parallel_loop3A_956 : i32
        %parallel_loop3A_958 = arith.constant 0 : i32
        %parallel_loop3A_959 = arith.cmpi sgt, %parallel_loop3A_949, %parallel_loop3A_958 : i32
        %parallel_loop3A_960 = arith.extui %parallel_loop3A_959 : i1 to i32
        %parallel_loop3A_961 = arith.constant 0 : i32
        %parallel_loop3A_962 = arith.cmpi slt, %parallel_loop3A_949, %parallel_loop3A_961 : i32
        %parallel_loop3A_963 = arith.extui %parallel_loop3A_962 : i1 to i32
        %parallel_loop3A_964 = arith.subi %parallel_loop3A_960, %parallel_loop3A_963 : i32
        %parallel_loop3A_965 = arith.cmpi ne, %parallel_loop3A_957, %parallel_loop3A_964 : i32
        %parallel_loop3A_966 = arith.remsi %parallel_loop3A_748, %parallel_loop3A_949 : i32
        %parallel_loop3A_967 = arith.constant 0 : i32
        %parallel_loop3A_968 = arith.cmpi ne, %parallel_loop3A_966, %parallel_loop3A_967 : i32
        %parallel_loop3A_969 = arith.andi %parallel_loop3A_965, %parallel_loop3A_968 : i1
        %parallel_loop3A_970 = arith.constant 1 : i32
        %parallel_loop3A_971 = arith.subi %parallel_loop3A_950, %parallel_loop3A_970 : i32
        %parallel_loop3A_972 = arith.select %parallel_loop3A_969, %parallel_loop3A_971, %parallel_loop3A_950 : i32
        %parallel_loop3A_973 = arith.constant 8 : i32
        %parallel_loop3A_974 = arith.constant 0 : i32
        %parallel_loop3A_975 = arith.cmpi eq, %parallel_loop3A_973, %parallel_loop3A_974 : i32
        %parallel_loop3A_976 = arith.constant 1 : i32
        %parallel_loop3A_977 = arith.select %parallel_loop3A_975, %parallel_loop3A_976, %parallel_loop3A_973 : i32
        %parallel_loop3A_978 = arith.remsi %parallel_loop3A_748, %parallel_loop3A_977 : i32
        %parallel_loop3A_979 = arith.constant 0 : i32
        %parallel_loop3A_980 = arith.cmpi ne, %parallel_loop3A_978, %parallel_loop3A_979 : i32
        %parallel_loop3A_981 = arith.constant 0 : i32
        %parallel_loop3A_982 = arith.cmpi slt, %parallel_loop3A_978, %parallel_loop3A_981 : i32
        %parallel_loop3A_983 = arith.constant 0 : i32
        %parallel_loop3A_984 = arith.cmpi slt, %parallel_loop3A_977, %parallel_loop3A_983 : i32
        %parallel_loop3A_985 = arith.xori %parallel_loop3A_982, %parallel_loop3A_984 : i1
        %parallel_loop3A_986 = arith.andi %parallel_loop3A_985, %parallel_loop3A_980 : i1
        %parallel_loop3A_987 = arith.addi %parallel_loop3A_978, %parallel_loop3A_977 : i32
        %parallel_loop3A_988 = arith.select %parallel_loop3A_986, %parallel_loop3A_987, %parallel_loop3A_978 : i32
        %parallel_loop3A_989 = arith.constant 16 : i32
        %parallel_loop3A_990 = arith.muli %parallel_loop3A_988, %parallel_loop3A_989 : i32
        %parallel_loop3A_991 = arith.constant 3 : i32
        %parallel_loop3A_992 = arith.index_cast %parallel_loop3A_972 : i32 to index
        %parallel_loop3A_993 = arith.index_cast %parallel_loop3A_991 : i32 to index
        %parallel_loop3A_994 = arith.index_cast %parallel_loop3A_990 : i32 to index
        %parallel_loop3A_995 = tpu.vector_load %arg9[%parallel_loop3A_992, %parallel_loop3A_993, %parallel_loop3A_994] {strides = array<i32>} : memref<8x8x128xf32, #tpu.memory_space<vmem>>, vector<16xf32>,
        tpu.vector_store %arg9[%parallel_loop3A_992, %parallel_loop3A_993, %parallel_loop3A_994], %parallel_loop3A_948 {strides = array<i32>} : memref<8x8x128xf32, #tpu.memory_space<vmem>>, vector<16xf32>,
        %parallel_loop3A_996 = arith.constant 512 : i32
        %parallel_loop3A_997 = tpu.memref_slice %arg5[%parallel_loop3A_996] : memref<1024xf32, #tpu.memory_space<vmem>> -> memref<128xf32, #tpu.memory_space<vmem>>
        %parallel_loop3A_998 = tpu.vector_load_idx %parallel_loop3A_997[%parallel_loop3A_795] : memref<128xf32, #tpu.memory_space<vmem>>[vector<16xi32>], vector<16xf32>,
        %parallel_loop3A_999 = arith.constant 8 : i32
        %parallel_loop3A_1000 = arith.divsi %parallel_loop3A_748, %parallel_loop3A_999 : i32
        %parallel_loop3A_1001 = arith.constant 0 : i32
        %parallel_loop3A_1002 = arith.cmpi sgt, %parallel_loop3A_748, %parallel_loop3A_1001 : i32
        %parallel_loop3A_1003 = arith.extui %parallel_loop3A_1002 : i1 to i32
        %parallel_loop3A_1004 = arith.constant 0 : i32
        %parallel_loop3A_1005 = arith.cmpi slt, %parallel_loop3A_748, %parallel_loop3A_1004 : i32
        %parallel_loop3A_1006 = arith.extui %parallel_loop3A_1005 : i1 to i32
        %parallel_loop3A_1007 = arith.subi %parallel_loop3A_1003, %parallel_loop3A_1006 : i32
        %parallel_loop3A_1008 = arith.constant 0 : i32
        %parallel_loop3A_1009 = arith.cmpi sgt, %parallel_loop3A_999, %parallel_loop3A_1008 : i32
        %parallel_loop3A_1010 = arith.extui %parallel_loop3A_1009 : i1 to i32
        %parallel_loop3A_1011 = arith.constant 0 : i32
        %parallel_loop3A_1012 = arith.cmpi slt, %parallel_loop3A_999, %parallel_loop3A_1011 : i32
        %parallel_loop3A_1013 = arith.extui %parallel_loop3A_1012 : i1 to i32
        %parallel_loop3A_1014 = arith.subi %parallel_loop3A_1010, %parallel_loop3A_1013 : i32
        %parallel_loop3A_1015 = arith.cmpi ne, %parallel_loop3A_1007, %parallel_loop3A_1014 : i32
        %parallel_loop3A_1016 = arith.remsi %parallel_loop3A_748, %parallel_loop3A_999 : i32
        %parallel_loop3A_1017 = arith.constant 0 : i32
        %parallel_loop3A_1018 = arith.cmpi ne, %parallel_loop3A_1016, %parallel_loop3A_1017 : i32
        %parallel_loop3A_1019 = arith.andi %parallel_loop3A_1015, %parallel_loop3A_1018 : i1
        %parallel_loop3A_1020 = arith.constant 1 : i32
        %parallel_loop3A_1021 = arith.subi %parallel_loop3A_1000, %parallel_loop3A_1020 : i32
        %parallel_loop3A_1022 = arith.select %parallel_loop3A_1019, %parallel_loop3A_1021, %parallel_loop3A_1000 : i32
        %parallel_loop3A_1023 = arith.constant 8 : i32
        %parallel_loop3A_1024 = arith.constant 0 : i32
        %parallel_loop3A_1025 = arith.cmpi eq, %parallel_loop3A_1023, %parallel_loop3A_1024 : i32
        %parallel_loop3A_1026 = arith.constant 1 : i32
        %parallel_loop3A_1027 = arith.select %parallel_loop3A_1025, %parallel_loop3A_1026, %parallel_loop3A_1023 : i32
        %parallel_loop3A_1028 = arith.remsi %parallel_loop3A_748, %parallel_loop3A_1027 : i32
        %parallel_loop3A_1029 = arith.constant 0 : i32
        %parallel_loop3A_1030 = arith.cmpi ne, %parallel_loop3A_1028, %parallel_loop3A_1029 : i32
        %parallel_loop3A_1031 = arith.constant 0 : i32
        %parallel_loop3A_1032 = arith.cmpi slt, %parallel_loop3A_1028, %parallel_loop3A_1031 : i32
        %parallel_loop3A_1033 = arith.constant 0 : i32
        %parallel_loop3A_1034 = arith.cmpi slt, %parallel_loop3A_1027, %parallel_loop3A_1033 : i32
        %parallel_loop3A_1035 = arith.xori %parallel_loop3A_1032, %parallel_loop3A_1034 : i1
        %parallel_loop3A_1036 = arith.andi %parallel_loop3A_1035, %parallel_loop3A_1030 : i1
        %parallel_loop3A_1037 = arith.addi %parallel_loop3A_1028, %parallel_loop3A_1027 : i32
        %parallel_loop3A_1038 = arith.select %parallel_loop3A_1036, %parallel_loop3A_1037, %parallel_loop3A_1028 : i32
        %parallel_loop3A_1039 = arith.constant 16 : i32
        %parallel_loop3A_1040 = arith.muli %parallel_loop3A_1038, %parallel_loop3A_1039 : i32
        %parallel_loop3A_1041 = arith.constant 4 : i32
        %parallel_loop3A_1042 = arith.index_cast %parallel_loop3A_1022 : i32 to index
        %parallel_loop3A_1043 = arith.index_cast %parallel_loop3A_1041 : i32 to index
        %parallel_loop3A_1044 = arith.index_cast %parallel_loop3A_1040 : i32 to index
        %parallel_loop3A_1045 = tpu.vector_load %arg9[%parallel_loop3A_1042, %parallel_loop3A_1043, %parallel_loop3A_1044] {strides = array<i32>} : memref<8x8x128xf32, #tpu.memory_space<vmem>>, vector<16xf32>,
        tpu.vector_store %arg9[%parallel_loop3A_1042, %parallel_loop3A_1043, %parallel_loop3A_1044], %parallel_loop3A_998 {strides = array<i32>} : memref<8x8x128xf32, #tpu.memory_space<vmem>>, vector<16xf32>,
        %parallel_loop3A_1046 = arith.constant 640 : i32
        %parallel_loop3A_1047 = tpu.memref_slice %arg5[%parallel_loop3A_1046] : memref<1024xf32, #tpu.memory_space<vmem>> -> memref<128xf32, #tpu.memory_space<vmem>>
        %parallel_loop3A_1048 = tpu.vector_load_idx %parallel_loop3A_1047[%parallel_loop3A_795] : memref<128xf32, #tpu.memory_space<vmem>>[vector<16xi32>], vector<16xf32>,
        %parallel_loop3A_1049 = arith.constant 8 : i32
        %parallel_loop3A_1050 = arith.divsi %parallel_loop3A_748, %parallel_loop3A_1049 : i32
        %parallel_loop3A_1051 = arith.constant 0 : i32
        %parallel_loop3A_1052 = arith.cmpi sgt, %parallel_loop3A_748, %parallel_loop3A_1051 : i32
        %parallel_loop3A_1053 = arith.extui %parallel_loop3A_1052 : i1 to i32
        %parallel_loop3A_1054 = arith.constant 0 : i32
        %parallel_loop3A_1055 = arith.cmpi slt, %parallel_loop3A_748, %parallel_loop3A_1054 : i32
        %parallel_loop3A_1056 = arith.extui %parallel_loop3A_1055 : i1 to i32
        %parallel_loop3A_1057 = arith.subi %parallel_loop3A_1053, %parallel_loop3A_1056 : i32
        %parallel_loop3A_1058 = arith.constant 0 : i32
        %parallel_loop3A_1059 = arith.cmpi sgt, %parallel_loop3A_1049, %parallel_loop3A_1058 : i32
        %parallel_loop3A_1060 = arith.extui %parallel_loop3A_1059 : i1 to i32
        %parallel_loop3A_1061 = arith.constant 0 : i32
        %parallel_loop3A_1062 = arith.cmpi slt, %parallel_loop3A_1049, %parallel_loop3A_1061 : i32
        %parallel_loop3A_1063 = arith.extui %parallel_loop3A_1062 : i1 to i32
        %parallel_loop3A_1064 = arith.subi %parallel_loop3A_1060, %parallel_loop3A_1063 : i32
        %parallel_loop3A_1065 = arith.cmpi ne, %parallel_loop3A_1057, %parallel_loop3A_1064 : i32
        %parallel_loop3A_1066 = arith.remsi %parallel_loop3A_748, %parallel_loop3A_1049 : i32
        %parallel_loop3A_1067 = arith.constant 0 : i32
        %parallel_loop3A_1068 = arith.cmpi ne, %parallel_loop3A_1066, %parallel_loop3A_1067 : i32
        %parallel_loop3A_1069 = arith.andi %parallel_loop3A_1065, %parallel_loop3A_1068 : i1
        %parallel_loop3A_1070 = arith.constant 1 : i32
        %parallel_loop3A_1071 = arith.subi %parallel_loop3A_1050, %parallel_loop3A_1070 : i32
        %parallel_loop3A_1072 = arith.select %parallel_loop3A_1069, %parallel_loop3A_1071, %parallel_loop3A_1050 : i32
        %parallel_loop3A_1073 = arith.constant 8 : i32
        %parallel_loop3A_1074 = arith.constant 0 : i32
        %parallel_loop3A_1075 = arith.cmpi eq, %parallel_loop3A_1073, %parallel_loop3A_1074 : i32
        %parallel_loop3A_1076 = arith.constant 1 : i32
        %parallel_loop3A_1077 = arith.select %parallel_loop3A_1075, %parallel_loop3A_1076, %parallel_loop3A_1073 : i32
        %parallel_loop3A_1078 = arith.remsi %parallel_loop3A_748, %parallel_loop3A_1077 : i32
        %parallel_loop3A_1079 = arith.constant 0 : i32
        %parallel_loop3A_1080 = arith.cmpi ne, %parallel_loop3A_1078, %parallel_loop3A_1079 : i32
        %parallel_loop3A_1081 = arith.constant 0 : i32
        %parallel_loop3A_1082 = arith.cmpi slt, %parallel_loop3A_1078, %parallel_loop3A_1081 : i32
        %parallel_loop3A_1083 = arith.constant 0 : i32
        %parallel_loop3A_1084 = arith.cmpi slt, %parallel_loop3A_1077, %parallel_loop3A_1083 : i32
        %parallel_loop3A_1085 = arith.xori %parallel_loop3A_1082, %parallel_loop3A_1084 : i1
        %parallel_loop3A_1086 = arith.andi %parallel_loop3A_1085, %parallel_loop3A_1080 : i1
        %parallel_loop3A_1087 = arith.addi %parallel_loop3A_1078, %parallel_loop3A_1077 : i32
        %parallel_loop3A_1088 = arith.select %parallel_loop3A_1086, %parallel_loop3A_1087, %parallel_loop3A_1078 : i32
        %parallel_loop3A_1089 = arith.constant 16 : i32
        %parallel_loop3A_1090 = arith.muli %parallel_loop3A_1088, %parallel_loop3A_1089 : i32
        %parallel_loop3A_1091 = arith.constant 5 : i32
        %parallel_loop3A_1092 = arith.index_cast %parallel_loop3A_1072 : i32 to index
        %parallel_loop3A_1093 = arith.index_cast %parallel_loop3A_1091 : i32 to index
        %parallel_loop3A_1094 = arith.index_cast %parallel_loop3A_1090 : i32 to index
        %parallel_loop3A_1095 = tpu.vector_load %arg9[%parallel_loop3A_1092, %parallel_loop3A_1093, %parallel_loop3A_1094] {strides = array<i32>} : memref<8x8x128xf32, #tpu.memory_space<vmem>>, vector<16xf32>,
        tpu.vector_store %arg9[%parallel_loop3A_1092, %parallel_loop3A_1093, %parallel_loop3A_1094], %parallel_loop3A_1048 {strides = array<i32>} : memref<8x8x128xf32, #tpu.memory_space<vmem>>, vector<16xf32>,
      } {sc.loop_unroll_factor = 8 : i64, sc.parallel_access}
      %add3A_573 = arith.addi %mul3A_2, %add3A_360 : i32
      %jit3A_574 = arith.constant 128 : i32
      %div3A_575 = arith.divsi %add3A_573, %jit3A_574 : i32
      %sign3A_576 = arith.constant 0 : i32
      %sign3A_577 = arith.cmpi sgt, %add3A_573, %sign3A_576 : i32
      %sign3A_578 = arith.extui %sign3A_577 : i1 to i32
      %sign3A_579 = arith.constant 0 : i32
      %sign3A_580 = arith.cmpi slt, %add3A_573, %sign3A_579 : i32
      %sign3A_581 = arith.extui %sign3A_580 : i1 to i32
      %sign3A_582 = arith.subi %sign3A_578, %sign3A_581 : i32
      %sign3A_583 = arith.constant 0 : i32
      %sign3A_584 = arith.cmpi sgt, %jit3A_574, %sign3A_583 : i32
      %sign3A_585 = arith.extui %sign3A_584 : i1 to i32
      %sign3A_586 = arith.constant 0 : i32
      %sign3A_587 = arith.cmpi slt, %jit3A_574, %sign3A_586 : i32
      %sign3A_588 = arith.extui %sign3A_587 : i1 to i32
      %sign3A_589 = arith.subi %sign3A_585, %sign3A_588 : i32
      %ne3A_590 = arith.cmpi ne, %sign3A_582, %sign3A_589 : i32
      %rem3A_591 = arith.remsi %add3A_573, %jit3A_574 : i32
      %ne3A_592 = arith.constant 0 : i32
      %ne3A_593 = arith.cmpi ne, %rem3A_591, %ne3A_592 : i32
      %and3A_594 = arith.andi %ne3A_590, %ne3A_593 : i1
      %sub3A_595 = arith.constant 1 : i32
      %sub3A_596 = arith.subi %div3A_575, %sub3A_595 : i32
      %select_n3A_597 = arith.select %and3A_594, %sub3A_596, %div3A_575 : i32
      %jit3A_598 = arith.constant 128 : i32
      %eq3A_599 = arith.constant 0 : i32
      %eq3A_600 = arith.cmpi eq, %jit3A_598, %eq3A_599 : i32
      %jit3A_601 = arith.constant 1 : i32
      %select_n3A_602 = arith.select %eq3A_600, %jit3A_601, %jit3A_598 : i32
      %rem3A_603 = arith.remsi %add3A_573, %select_n3A_602 : i32
      %ne3A_604 = arith.constant 0 : i32
      %ne3A_605 = arith.cmpi ne, %rem3A_603, %ne3A_604 : i32
      %lt3A_606 = arith.constant 0 : i32
      %lt3A_607 = arith.cmpi slt, %rem3A_603, %lt3A_606 : i32
      %lt3A_608 = arith.constant 0 : i32
      %lt3A_609 = arith.cmpi slt, %select_n3A_602, %lt3A_608 : i32
      %ne3A_610 = arith.xori %lt3A_607, %lt3A_609 : i1
      %and3A_611 = arith.andi %ne3A_610, %ne3A_605 : i1
      %add3A_612 = arith.addi %rem3A_603, %select_n3A_602 : i32
      %select_n3A_613 = arith.select %and3A_611, %add3A_612, %rem3A_603 : i32
      %mul3A_614 = arith.constant 8 : i32
      %mul3A_615 = arith.muli %mul3A_614, %select_n3A_597 : i32
      %mul3A_616 = arith.constant 128 : i32
      %mul3A_617 = arith.muli %mul3A_615, %mul3A_616 : i32
      %add3A_618 = arith.addi %mul3A_617, %select_n3A_613 : i32
      %add3A_619 = arith.constant 0 : i32
      %add3A_620 = arith.addi %add3A_618, %add3A_619 : i32
      %dma_start3A_621 = arith.constant 0 : i32
      %dma_start3A_622 = arith.constant 0 : i32
      %dma_start3A_623 = arith.constant 0 : i32
      %dma_start3A_624 = tpu.memref_slice %arg9[%dma_start3A_621, %dma_start3A_622, %dma_start3A_623] : memref<8x8x128xf32, #tpu.memory_space<vmem>> -> memref<1x8x128xf32, #tpu.memory_space<vmem>>
      %dma_start3A_625 = arith.constant 0 : i32
      %dma_start3A_626 = arith.constant 0 : i32
      %dma_start3A_627 = tpu.memref_slice %arg4[%add3A_620, %dma_start3A_625, %dma_start3A_626] : memref<25600x8x128xf32, #tpu.memory_space<hbm>> -> memref<1x8x128xf32, #tpu.memory_space<hbm>>
      %dma_start3A_628 = arith.constant 0 : i32
      %dma_start3A_629 = arith.constant 0 : i32
      %dma_start3A_630 = tpu.memref_slice %arg4[%add3A_620, %dma_start3A_628, %dma_start3A_629] : memref<25600x8x128xf32, #tpu.memory_space<hbm>> -> memref<1x8x128xf32, #tpu.memory_space<hbm>>
      %dma_start3A_631 = arith.constant 0 : i32
      %dma_start3A_632 = arith.constant 0 : i32
      %dma_start3A_633 = arith.constant 0 : i32
      %dma_start3A_634 = tpu.memref_slice %arg9[%dma_start3A_631, %dma_start3A_632, %dma_start3A_633] : memref<8x8x128xf32, #tpu.memory_space<vmem>> -> memref<1x8x128xf32, #tpu.memory_space<vmem>>
      tpu.enqueue_dma source(%dma_start3A_634 : memref<1x8x128xf32, #tpu.memory_space<vmem>>) target(%dma_start3A_630 : memref<1x8x128xf32, #tpu.memory_space<hbm>>) target_semaphore(%arg13 : memref<!tpu.dma_semaphore, #tpu.memory_space<semaphore_mem>>)
      %add3A_635 = arith.constant 128 : i32
      %add3A_636 = arith.addi %add3A_618, %add3A_635 : i32
      %dma_start3A_637 = arith.constant 1 : i32
      %dma_start3A_638 = arith.constant 0 : i32
      %dma_start3A_639 = arith.constant 0 : i32
      %dma_start3A_640 = tpu.memref_slice %arg9[%dma_start3A_637, %dma_start3A_638, %dma_start3A_639] : memref<8x8x128xf32, #tpu.memory_space<vmem>> -> memref<1x8x128xf32, #tpu.memory_space<vmem>>
      %dma_start3A_641 = arith.constant 0 : i32
      %dma_start3A_642 = arith.constant 0 : i32
      %dma_start3A_643 = tpu.memref_slice %arg4[%add3A_636, %dma_start3A_641, %dma_start3A_642] : memref<25600x8x128xf32, #tpu.memory_space<hbm>> -> memref<1x8x128xf32, #tpu.memory_space<hbm>>
      %dma_start3A_644 = arith.constant 0 : i32
      %dma_start3A_645 = arith.constant 0 : i32
      %dma_start3A_646 = tpu.memref_slice %arg4[%add3A_636, %dma_start3A_644, %dma_start3A_645] : memref<25600x8x128xf32, #tpu.memory_space<hbm>> -> memref<1x8x128xf32, #tpu.memory_space<hbm>>
      %dma_start3A_647 = arith.constant 1 : i32
      %dma_start3A_648 = arith.constant 0 : i32
      %dma_start3A_649 = arith.constant 0 : i32
      %dma_start3A_650 = tpu.memref_slice %arg9[%dma_start3A_647, %dma_start3A_648, %dma_start3A_649] : memref<8x8x128xf32, #tpu.memory_space<vmem>> -> memref<1x8x128xf32, #tpu.memory_space<vmem>>
      tpu.enqueue_dma source(%dma_start3A_650 : memref<1x8x128xf32, #tpu.memory_space<vmem>>) target(%dma_start3A_646 : memref<1x8x128xf32, #tpu.memory_space<hbm>>) target_semaphore(%arg13 : memref<!tpu.dma_semaphore, #tpu.memory_space<semaphore_mem>>)
      %add3A_651 = arith.constant 256 : i32
      %add3A_652 = arith.addi %add3A_618, %add3A_651 : i32
      %dma_start3A_653 = arith.constant 2 : i32
      %dma_start3A_654 = arith.constant 0 : i32
      %dma_start3A_655 = arith.constant 0 : i32
      %dma_start3A_656 = tpu.memref_slice %arg9[%dma_start3A_653, %dma_start3A_654, %dma_start3A_655] : memref<8x8x128xf32, #tpu.memory_space<vmem>> -> memref<1x8x128xf32, #tpu.memory_space<vmem>>
      %dma_start3A_657 = arith.constant 0 : i32
      %dma_start3A_658 = arith.constant 0 : i32
      %dma_start3A_659 = tpu.memref_slice %arg4[%add3A_652, %dma_start3A_657, %dma_start3A_658] : memref<25600x8x128xf32, #tpu.memory_space<hbm>> -> memref<1x8x128xf32, #tpu.memory_space<hbm>>
      %dma_start3A_660 = arith.constant 0 : i32
      %dma_start3A_661 = arith.constant 0 : i32
      %dma_start3A_662 = tpu.memref_slice %arg4[%add3A_652, %dma_start3A_660, %dma_start3A_661] : memref<25600x8x128xf32, #tpu.memory_space<hbm>> -> memref<1x8x128xf32, #tpu.memory_space<hbm>>
      %dma_start3A_663 = arith.constant 2 : i32
      %dma_start3A_664 = arith.constant 0 : i32
      %dma_start3A_665 = arith.constant 0 : i32
      %dma_start3A_666 = tpu.memref_slice %arg9[%dma_start3A_663, %dma_start3A_664, %dma_start3A_665] : memref<8x8x128xf32, #tpu.memory_space<vmem>> -> memref<1x8x128xf32, #tpu.memory_space<vmem>>
      tpu.enqueue_dma source(%dma_start3A_666 : memref<1x8x128xf32, #tpu.memory_space<vmem>>) target(%dma_start3A_662 : memref<1x8x128xf32, #tpu.memory_space<hbm>>) target_semaphore(%arg13 : memref<!tpu.dma_semaphore, #tpu.memory_space<semaphore_mem>>)
      %add3A_667 = arith.constant 384 : i32
      %add3A_668 = arith.addi %add3A_618, %add3A_667 : i32
      %dma_start3A_669 = arith.constant 3 : i32
      %dma_start3A_670 = arith.constant 0 : i32
      %dma_start3A_671 = arith.constant 0 : i32
      %dma_start3A_672 = tpu.memref_slice %arg9[%dma_start3A_669, %dma_start3A_670, %dma_start3A_671] : memref<8x8x128xf32, #tpu.memory_space<vmem>> -> memref<1x8x128xf32, #tpu.memory_space<vmem>>
      %dma_start3A_673 = arith.constant 0 : i32
      %dma_start3A_674 = arith.constant 0 : i32
      %dma_start3A_675 = tpu.memref_slice %arg4[%add3A_668, %dma_start3A_673, %dma_start3A_674] : memref<25600x8x128xf32, #tpu.memory_space<hbm>> -> memref<1x8x128xf32, #tpu.memory_space<hbm>>
      %dma_start3A_676 = arith.constant 0 : i32
      %dma_start3A_677 = arith.constant 0 : i32
      %dma_start3A_678 = tpu.memref_slice %arg4[%add3A_668, %dma_start3A_676, %dma_start3A_677] : memref<25600x8x128xf32, #tpu.memory_space<hbm>> -> memref<1x8x128xf32, #tpu.memory_space<hbm>>
      %dma_start3A_679 = arith.constant 3 : i32
      %dma_start3A_680 = arith.constant 0 : i32
      %dma_start3A_681 = arith.constant 0 : i32
      %dma_start3A_682 = tpu.memref_slice %arg9[%dma_start3A_679, %dma_start3A_680, %dma_start3A_681] : memref<8x8x128xf32, #tpu.memory_space<vmem>> -> memref<1x8x128xf32, #tpu.memory_space<vmem>>
      tpu.enqueue_dma source(%dma_start3A_682 : memref<1x8x128xf32, #tpu.memory_space<vmem>>) target(%dma_start3A_678 : memref<1x8x128xf32, #tpu.memory_space<hbm>>) target_semaphore(%arg13 : memref<!tpu.dma_semaphore, #tpu.memory_space<semaphore_mem>>)
      %add3A_683 = arith.constant 512 : i32
      %add3A_684 = arith.addi %add3A_618, %add3A_683 : i32
      %dma_start3A_685 = arith.constant 4 : i32
      %dma_start3A_686 = arith.constant 0 : i32
      %dma_start3A_687 = arith.constant 0 : i32
      %dma_start3A_688 = tpu.memref_slice %arg9[%dma_start3A_685, %dma_start3A_686, %dma_start3A_687] : memref<8x8x128xf32, #tpu.memory_space<vmem>> -> memref<1x8x128xf32, #tpu.memory_space<vmem>>
      %dma_start3A_689 = arith.constant 0 : i32
      %dma_start3A_690 = arith.constant 0 : i32
      %dma_start3A_691 = tpu.memref_slice %arg4[%add3A_684, %dma_start3A_689, %dma_start3A_690] : memref<25600x8x128xf32, #tpu.memory_space<hbm>> -> memref<1x8x128xf32, #tpu.memory_space<hbm>>
      %dma_start3A_692 = arith.constant 0 : i32
      %dma_start3A_693 = arith.constant 0 : i32
      %dma_start3A_694 = tpu.memref_slice %arg4[%add3A_684, %dma_start3A_692, %dma_start3A_693] : memref<25600x8x128xf32, #tpu.memory_space<hbm>> -> memref<1x8x128xf32, #tpu.memory_space<hbm>>
      %dma_start3A_695 = arith.constant 4 : i32
      %dma_start3A_696 = arith.constant 0 : i32
      %dma_start3A_697 = arith.constant 0 : i32
      %dma_start3A_698 = tpu.memref_slice %arg9[%dma_start3A_695, %dma_start3A_696, %dma_start3A_697] : memref<8x8x128xf32, #tpu.memory_space<vmem>> -> memref<1x8x128xf32, #tpu.memory_space<vmem>>
      tpu.enqueue_dma source(%dma_start3A_698 : memref<1x8x128xf32, #tpu.memory_space<vmem>>) target(%dma_start3A_694 : memref<1x8x128xf32, #tpu.memory_space<hbm>>) target_semaphore(%arg13 : memref<!tpu.dma_semaphore, #tpu.memory_space<semaphore_mem>>)
      %add3A_699 = arith.constant 640 : i32
      %add3A_700 = arith.addi %add3A_618, %add3A_699 : i32
      %dma_start3A_701 = arith.constant 5 : i32
      %dma_start3A_702 = arith.constant 0 : i32
      %dma_start3A_703 = arith.constant 0 : i32
      %dma_start3A_704 = tpu.memref_slice %arg9[%dma_start3A_701, %dma_start3A_702, %dma_start3A_703] : memref<8x8x128xf32, #tpu.memory_space<vmem>> -> memref<1x8x128xf32, #tpu.memory_space<vmem>>
      %dma_start3A_705 = arith.constant 0 : i32
      %dma_start3A_706 = arith.constant 0 : i32
      %dma_start3A_707 = tpu.memref_slice %arg4[%add3A_700, %dma_start3A_705, %dma_start3A_706] : memref<25600x8x128xf32, #tpu.memory_space<hbm>> -> memref<1x8x128xf32, #tpu.memory_space<hbm>>
      %dma_start3A_708 = arith.constant 0 : i32
      %dma_start3A_709 = arith.constant 0 : i32
      %dma_start3A_710 = tpu.memref_slice %arg4[%add3A_700, %dma_start3A_708, %dma_start3A_709] : memref<25600x8x128xf32, #tpu.memory_space<hbm>> -> memref<1x8x128xf32, #tpu.memory_space<hbm>>
      %dma_start3A_711 = arith.constant 5 : i32
      %dma_start3A_712 = arith.constant 0 : i32
      %dma_start3A_713 = arith.constant 0 : i32
      %dma_start3A_714 = tpu.memref_slice %arg9[%dma_start3A_711, %dma_start3A_712, %dma_start3A_713] : memref<8x8x128xf32, #tpu.memory_space<vmem>> -> memref<1x8x128xf32, #tpu.memory_space<vmem>>
      tpu.enqueue_dma source(%dma_start3A_714 : memref<1x8x128xf32, #tpu.memory_space<vmem>>) target(%dma_start3A_710 : memref<1x8x128xf32, #tpu.memory_space<hbm>>) target_semaphore(%arg13 : memref<!tpu.dma_semaphore, #tpu.memory_space<semaphore_mem>>)
      %add3A_715 = arith.constant 768 : i32
      %add3A_716 = arith.addi %add3A_618, %add3A_715 : i32
      %dma_start3A_717 = arith.constant 6 : i32
      %dma_start3A_718 = arith.constant 0 : i32
      %dma_start3A_719 = arith.constant 0 : i32
      %dma_start3A_720 = tpu.memref_slice %arg9[%dma_start3A_717, %dma_start3A_718, %dma_start3A_719] : memref<8x8x128xf32, #tpu.memory_space<vmem>> -> memref<1x8x128xf32, #tpu.memory_space<vmem>>
      %dma_start3A_721 = arith.constant 0 : i32
      %dma_start3A_722 = arith.constant 0 : i32
      %dma_start3A_723 = tpu.memref_slice %arg4[%add3A_716, %dma_start3A_721, %dma_start3A_722] : memref<25600x8x128xf32, #tpu.memory_space<hbm>> -> memref<1x8x128xf32, #tpu.memory_space<hbm>>
      %dma_start3A_724 = arith.constant 0 : i32
      %dma_start3A_725 = arith.constant 0 : i32
      %dma_start3A_726 = tpu.memref_slice %arg4[%add3A_716, %dma_start3A_724, %dma_start3A_725] : memref<25600x8x128xf32, #tpu.memory_space<hbm>> -> memref<1x8x128xf32, #tpu.memory_space<hbm>>
      %dma_start3A_727 = arith.constant 6 : i32
      %dma_start3A_728 = arith.constant 0 : i32
      %dma_start3A_729 = arith.constant 0 : i32
      %dma_start3A_730 = tpu.memref_slice %arg9[%dma_start3A_727, %dma_start3A_728, %dma_start3A_729] : memref<8x8x128xf32, #tpu.memory_space<vmem>> -> memref<1x8x128xf32, #tpu.memory_space<vmem>>
      tpu.enqueue_dma source(%dma_start3A_730 : memref<1x8x128xf32, #tpu.memory_space<vmem>>) target(%dma_start3A_726 : memref<1x8x128xf32, #tpu.memory_space<hbm>>) target_semaphore(%arg13 : memref<!tpu.dma_semaphore, #tpu.memory_space<semaphore_mem>>)
      %add3A_731 = arith.constant 896 : i32
      %add3A_732 = arith.addi %add3A_618, %add3A_731 : i32
      %dma_start3A_733 = arith.constant 7 : i32
      %dma_start3A_734 = arith.constant 0 : i32
      %dma_start3A_735 = arith.constant 0 : i32
      %dma_start3A_736 = tpu.memref_slice %arg9[%dma_start3A_733, %dma_start3A_734, %dma_start3A_735] : memref<8x8x128xf32, #tpu.memory_space<vmem>> -> memref<1x8x128xf32, #tpu.memory_space<vmem>>
      %dma_start3A_737 = arith.constant 0 : i32
      %dma_start3A_738 = arith.constant 0 : i32
      %dma_start3A_739 = tpu.memref_slice %arg4[%add3A_732, %dma_start3A_737, %dma_start3A_738] : memref<25600x8x128xf32, #tpu.memory_space<hbm>> -> memref<1x8x128xf32, #tpu.memory_space<hbm>>
      %dma_start3A_740 = arith.constant 0 : i32
      %dma_start3A_741 = arith.constant 0 : i32
      %dma_start3A_742 = tpu.memref_slice %arg4[%add3A_732, %dma_start3A_740, %dma_start3A_741] : memref<25600x8x128xf32, #tpu.memory_space<hbm>> -> memref<1x8x128xf32, #tpu.memory_space<hbm>>
      %dma_start3A_743 = arith.constant 7 : i32
      %dma_start3A_744 = arith.constant 0 : i32
      %dma_start3A_745 = arith.constant 0 : i32
      %dma_start3A_746 = tpu.memref_slice %arg9[%dma_start3A_743, %dma_start3A_744, %dma_start3A_745] : memref<8x8x128xf32, #tpu.memory_space<vmem>> -> memref<1x8x128xf32, #tpu.memory_space<vmem>>
      tpu.enqueue_dma source(%dma_start3A_746 : memref<1x8x128xf32, #tpu.memory_space<vmem>>) target(%dma_start3A_742 : memref<1x8x128xf32, #tpu.memory_space<hbm>>) target_semaphore(%arg13 : memref<!tpu.dma_semaphore, #tpu.memory_space<semaphore_mem>>)
      %scan3A_747 = arith.constant 0 : i32
      scf.yield %scan3A_747 : i32
    }
    %scan3A_15 = arith.constant 50 : i32
    %add3A_16 = arith.constant 98 : i32
    %add3A_17 = arith.addi %mul3A_2, %add3A_16 : i32
    %jit3A = arith.constant 128 : i32
    %div3A = arith.divsi %add3A_17, %jit3A : i32
    %sign3A = arith.constant 0 : i32
    %sign3A_18 = arith.cmpi sgt, %add3A_17, %sign3A : i32
    %sign3A_19 = arith.extui %sign3A_18 : i1 to i32
    %sign3A_20 = arith.constant 0 : i32
    %sign3A_21 = arith.cmpi slt, %add3A_17, %sign3A_20 : i32
    %sign3A_22 = arith.extui %sign3A_21 : i1 to i32
    %sign3A_23 = arith.subi %sign3A_19, %sign3A_22 : i32
    %sign3A_24 = arith.constant 0 : i32
    %sign3A_25 = arith.cmpi sgt, %jit3A, %sign3A_24 : i32
    %sign3A_26 = arith.extui %sign3A_25 : i1 to i32
    %sign3A_27 = arith.constant 0 : i32
    %sign3A_28 = arith.cmpi slt, %jit3A, %sign3A_27 : i32
    %sign3A_29 = arith.extui %sign3A_28 : i1 to i32
    %sign3A_30 = arith.subi %sign3A_26, %sign3A_29 : i32
    %ne3A = arith.cmpi ne, %sign3A_23, %sign3A_30 : i32
    %rem3A = arith.remsi %add3A_17, %jit3A : i32
    %ne3A_31 = arith.constant 0 : i32
    %ne3A_32 = arith.cmpi ne, %rem3A, %ne3A_31 : i32
    %and3A = arith.andi %ne3A, %ne3A_32 : i1
    %sub3A = arith.constant 1 : i32
    %sub3A_33 = arith.subi %div3A, %sub3A : i32
    %select_n3A = arith.select %and3A, %sub3A_33, %div3A : i32
    %jit3A_34 = arith.constant 128 : i32
    %eq3A = arith.constant 0 : i32
    %eq3A_35 = arith.cmpi eq, %jit3A_34, %eq3A : i32
    %jit3A_36 = arith.constant 1 : i32
    %select_n3A_37 = arith.select %eq3A_35, %jit3A_36, %jit3A_34 : i32
    %rem3A_38 = arith.remsi %add3A_17, %select_n3A_37 : i32
    %ne3A_39 = arith.constant 0 : i32
    %ne3A_40 = arith.cmpi ne, %rem3A_38, %ne3A_39 : i32
    %lt3A = arith.constant 0 : i32
    %lt3A_41 = arith.cmpi slt, %rem3A_38, %lt3A : i32
    %lt3A_42 = arith.constant 0 : i32
    %lt3A_43 = arith.cmpi slt, %select_n3A_37, %lt3A_42 : i32
    %ne3A_44 = arith.xori %lt3A_41, %lt3A_43 : i1
    %and3A_45 = arith.andi %ne3A_44, %ne3A_40 : i1
    %add3A_46 = arith.addi %rem3A_38, %select_n3A_37 : i32
    %select_n3A_47 = arith.select %and3A_45, %add3A_46, %rem3A_38 : i32
    %mul3A_48 = arith.constant 8 : i32
    %mul3A_49 = arith.muli %mul3A_48, %select_n3A : i32
    %mul3A_50 = arith.constant 128 : i32
    %mul3A_51 = arith.muli %mul3A_49, %mul3A_50 : i32
    %add3A_52 = arith.addi %mul3A_51, %select_n3A_47 : i32
    %add3A_53 = arith.constant 0 : i32
    %add3A_54 = arith.addi %add3A_52, %add3A_53 : i32
    %dma_wait3A = arith.constant 0 : i32
    %dma_wait3A_55 = arith.constant 0 : i32
    %dma_wait3A_56 = arith.constant 0 : i32
    %dma_wait3A_57 = tpu.memref_slice %arg8[%dma_wait3A, %dma_wait3A_55, %dma_wait3A_56] : memref<8x8x128xf32, #tpu.memory_space<vmem>> -> memref<1x8x128xf32, #tpu.memory_space<vmem>>
    %dma_wait3A_58 = arith.constant 0 : i32
    %dma_wait3A_59 = arith.constant 0 : i32
    %dma_wait3A_60 = tpu.memref_slice %arg4[%add3A_54, %dma_wait3A_58, %dma_wait3A_59] : memref<25600x8x128xf32, #tpu.memory_space<hbm>> -> memref<1x8x128xf32, #tpu.memory_space<hbm>>
    %dma_wait3A_61 = arith.constant 0 : i32
    %dma_wait3A_62 = arith.constant 0 : i32
    %dma_wait3A_63 = tpu.memref_slice %arg4[%add3A_54, %dma_wait3A_61, %dma_wait3A_62] : memref<25600x8x128xf32, #tpu.memory_space<hbm>> -> memref<1x8x128xf32, #tpu.memory_space<hbm>>
    %dma_wait3A_64 = arith.constant 0 : i32
    %dma_wait3A_65 = arith.constant 0 : i32
    %dma_wait3A_66 = arith.constant 0 : i32
    %dma_wait3A_67 = tpu.memref_slice %arg8[%dma_wait3A_64, %dma_wait3A_65, %dma_wait3A_66] : memref<8x8x128xf32, #tpu.memory_space<vmem>> -> memref<1x8x128xf32, #tpu.memory_space<vmem>>
    tpu.wait_dma2 semaphore(%arg12 : memref<!tpu.dma_semaphore, #tpu.memory_space<semaphore_mem>>) src(%dma_wait3A_67 : memref<1x8x128xf32, #tpu.memory_space<vmem>>) dst(%dma_wait3A_63 : memref<1x8x128xf32, #tpu.memory_space<hbm>>)
    %add3A_68 = arith.constant 128 : i32
    %add3A_69 = arith.addi %add3A_52, %add3A_68 : i32
    %dma_wait3A_70 = arith.constant 1 : i32
    %dma_wait3A_71 = arith.constant 0 : i32
    %dma_wait3A_72 = arith.constant 0 : i32
    %dma_wait3A_73 = tpu.memref_slice %arg8[%dma_wait3A_70, %dma_wait3A_71, %dma_wait3A_72] : memref<8x8x128xf32, #tpu.memory_space<vmem>> -> memref<1x8x128xf32, #tpu.memory_space<vmem>>
    %dma_wait3A_74 = arith.constant 0 : i32
    %dma_wait3A_75 = arith.constant 0 : i32
    %dma_wait3A_76 = tpu.memref_slice %arg4[%add3A_69, %dma_wait3A_74, %dma_wait3A_75] : memref<25600x8x128xf32, #tpu.memory_space<hbm>> -> memref<1x8x128xf32, #tpu.memory_space<hbm>>
    %dma_wait3A_77 = arith.constant 0 : i32
    %dma_wait3A_78 = arith.constant 0 : i32
    %dma_wait3A_79 = tpu.memref_slice %arg4[%add3A_69, %dma_wait3A_77, %dma_wait3A_78] : memref<25600x8x128xf32, #tpu.memory_space<hbm>> -> memref<1x8x128xf32, #tpu.memory_space<hbm>>
    %dma_wait3A_80 = arith.constant 1 : i32
    %dma_wait3A_81 = arith.constant 0 : i32
    %dma_wait3A_82 = arith.constant 0 : i32
    %dma_wait3A_83 = tpu.memref_slice %arg8[%dma_wait3A_80, %dma_wait3A_81, %dma_wait3A_82] : memref<8x8x128xf32, #tpu.memory_space<vmem>> -> memref<1x8x128xf32, #tpu.memory_space<vmem>>
    tpu.wait_dma2 semaphore(%arg12 : memref<!tpu.dma_semaphore, #tpu.memory_space<semaphore_mem>>) src(%dma_wait3A_83 : memref<1x8x128xf32, #tpu.memory_space<vmem>>) dst(%dma_wait3A_79 : memref<1x8x128xf32, #tpu.memory_space<hbm>>)
    %add3A_84 = arith.constant 256 : i32
    %add3A_85 = arith.addi %add3A_52, %add3A_84 : i32
    %dma_wait3A_86 = arith.constant 2 : i32
    %dma_wait3A_87 = arith.constant 0 : i32
    %dma_wait3A_88 = arith.constant 0 : i32
    %dma_wait3A_89 = tpu.memref_slice %arg8[%dma_wait3A_86, %dma_wait3A_87, %dma_wait3A_88] : memref<8x8x128xf32, #tpu.memory_space<vmem>> -> memref<1x8x128xf32, #tpu.memory_space<vmem>>
    %dma_wait3A_90 = arith.constant 0 : i32
    %dma_wait3A_91 = arith.constant 0 : i32
    %dma_wait3A_92 = tpu.memref_slice %arg4[%add3A_85, %dma_wait3A_90, %dma_wait3A_91] : memref<25600x8x128xf32, #tpu.memory_space<hbm>> -> memref<1x8x128xf32, #tpu.memory_space<hbm>>
    %dma_wait3A_93 = arith.constant 0 : i32
    %dma_wait3A_94 = arith.constant 0 : i32
    %dma_wait3A_95 = tpu.memref_slice %arg4[%add3A_85, %dma_wait3A_93, %dma_wait3A_94] : memref<25600x8x128xf32, #tpu.memory_space<hbm>> -> memref<1x8x128xf32, #tpu.memory_space<hbm>>
    %dma_wait3A_96 = arith.constant 2 : i32
    %dma_wait3A_97 = arith.constant 0 : i32
    %dma_wait3A_98 = arith.constant 0 : i32
    %dma_wait3A_99 = tpu.memref_slice %arg8[%dma_wait3A_96, %dma_wait3A_97, %dma_wait3A_98] : memref<8x8x128xf32, #tpu.memory_space<vmem>> -> memref<1x8x128xf32, #tpu.memory_space<vmem>>
    tpu.wait_dma2 semaphore(%arg12 : memref<!tpu.dma_semaphore, #tpu.memory_space<semaphore_mem>>) src(%dma_wait3A_99 : memref<1x8x128xf32, #tpu.memory_space<vmem>>) dst(%dma_wait3A_95 : memref<1x8x128xf32, #tpu.memory_space<hbm>>)
    %add3A_100 = arith.constant 384 : i32
    %add3A_101 = arith.addi %add3A_52, %add3A_100 : i32
    %dma_wait3A_102 = arith.constant 3 : i32
    %dma_wait3A_103 = arith.constant 0 : i32
    %dma_wait3A_104 = arith.constant 0 : i32
    %dma_wait3A_105 = tpu.memref_slice %arg8[%dma_wait3A_102, %dma_wait3A_103, %dma_wait3A_104] : memref<8x8x128xf32, #tpu.memory_space<vmem>> -> memref<1x8x128xf32, #tpu.memory_space<vmem>>
    %dma_wait3A_106 = arith.constant 0 : i32
    %dma_wait3A_107 = arith.constant 0 : i32
    %dma_wait3A_108 = tpu.memref_slice %arg4[%add3A_101, %dma_wait3A_106, %dma_wait3A_107] : memref<25600x8x128xf32, #tpu.memory_space<hbm>> -> memref<1x8x128xf32, #tpu.memory_space<hbm>>
    %dma_wait3A_109 = arith.constant 0 : i32
    %dma_wait3A_110 = arith.constant 0 : i32
    %dma_wait3A_111 = tpu.memref_slice %arg4[%add3A_101, %dma_wait3A_109, %dma_wait3A_110] : memref<25600x8x128xf32, #tpu.memory_space<hbm>> -> memref<1x8x128xf32, #tpu.memory_space<hbm>>
    %dma_wait3A_112 = arith.constant 3 : i32
    %dma_wait3A_113 = arith.constant 0 : i32
    %dma_wait3A_114 = arith.constant 0 : i32
    %dma_wait3A_115 = tpu.memref_slice %arg8[%dma_wait3A_112, %dma_wait3A_113, %dma_wait3A_114] : memref<8x8x128xf32, #tpu.memory_space<vmem>> -> memref<1x8x128xf32, #tpu.memory_space<vmem>>
    tpu.wait_dma2 semaphore(%arg12 : memref<!tpu.dma_semaphore, #tpu.memory_space<semaphore_mem>>) src(%dma_wait3A_115 : memref<1x8x128xf32, #tpu.memory_space<vmem>>) dst(%dma_wait3A_111 : memref<1x8x128xf32, #tpu.memory_space<hbm>>)
    %add3A_116 = arith.constant 512 : i32
    %add3A_117 = arith.addi %add3A_52, %add3A_116 : i32
    %dma_wait3A_118 = arith.constant 4 : i32
    %dma_wait3A_119 = arith.constant 0 : i32
    %dma_wait3A_120 = arith.constant 0 : i32
    %dma_wait3A_121 = tpu.memref_slice %arg8[%dma_wait3A_118, %dma_wait3A_119, %dma_wait3A_120] : memref<8x8x128xf32, #tpu.memory_space<vmem>> -> memref<1x8x128xf32, #tpu.memory_space<vmem>>
    %dma_wait3A_122 = arith.constant 0 : i32
    %dma_wait3A_123 = arith.constant 0 : i32
    %dma_wait3A_124 = tpu.memref_slice %arg4[%add3A_117, %dma_wait3A_122, %dma_wait3A_123] : memref<25600x8x128xf32, #tpu.memory_space<hbm>> -> memref<1x8x128xf32, #tpu.memory_space<hbm>>
    %dma_wait3A_125 = arith.constant 0 : i32
    %dma_wait3A_126 = arith.constant 0 : i32
    %dma_wait3A_127 = tpu.memref_slice %arg4[%add3A_117, %dma_wait3A_125, %dma_wait3A_126] : memref<25600x8x128xf32, #tpu.memory_space<hbm>> -> memref<1x8x128xf32, #tpu.memory_space<hbm>>
    %dma_wait3A_128 = arith.constant 4 : i32
    %dma_wait3A_129 = arith.constant 0 : i32
    %dma_wait3A_130 = arith.constant 0 : i32
    %dma_wait3A_131 = tpu.memref_slice %arg8[%dma_wait3A_128, %dma_wait3A_129, %dma_wait3A_130] : memref<8x8x128xf32, #tpu.memory_space<vmem>> -> memref<1x8x128xf32, #tpu.memory_space<vmem>>
    tpu.wait_dma2 semaphore(%arg12 : memref<!tpu.dma_semaphore, #tpu.memory_space<semaphore_mem>>) src(%dma_wait3A_131 : memref<1x8x128xf32, #tpu.memory_space<vmem>>) dst(%dma_wait3A_127 : memref<1x8x128xf32, #tpu.memory_space<hbm>>)
    %add3A_132 = arith.constant 640 : i32
    %add3A_133 = arith.addi %add3A_52, %add3A_132 : i32
    %dma_wait3A_134 = arith.constant 5 : i32
    %dma_wait3A_135 = arith.constant 0 : i32
    %dma_wait3A_136 = arith.constant 0 : i32
    %dma_wait3A_137 = tpu.memref_slice %arg8[%dma_wait3A_134, %dma_wait3A_135, %dma_wait3A_136] : memref<8x8x128xf32, #tpu.memory_space<vmem>> -> memref<1x8x128xf32, #tpu.memory_space<vmem>>
    %dma_wait3A_138 = arith.constant 0 : i32
    %dma_wait3A_139 = arith.constant 0 : i32
    %dma_wait3A_140 = tpu.memref_slice %arg4[%add3A_133, %dma_wait3A_138, %dma_wait3A_139] : memref<25600x8x128xf32, #tpu.memory_space<hbm>> -> memref<1x8x128xf32, #tpu.memory_space<hbm>>
    %dma_wait3A_141 = arith.constant 0 : i32
    %dma_wait3A_142 = arith.constant 0 : i32
    %dma_wait3A_143 = tpu.memref_slice %arg4[%add3A_133, %dma_wait3A_141, %dma_wait3A_142] : memref<25600x8x128xf32, #tpu.memory_space<hbm>> -> memref<1x8x128xf32, #tpu.memory_space<hbm>>
    %dma_wait3A_144 = arith.constant 5 : i32
    %dma_wait3A_145 = arith.constant 0 : i32
    %dma_wait3A_146 = arith.constant 0 : i32
    %dma_wait3A_147 = tpu.memref_slice %arg8[%dma_wait3A_144, %dma_wait3A_145, %dma_wait3A_146] : memref<8x8x128xf32, #tpu.memory_space<vmem>> -> memref<1x8x128xf32, #tpu.memory_space<vmem>>
    tpu.wait_dma2 semaphore(%arg12 : memref<!tpu.dma_semaphore, #tpu.memory_space<semaphore_mem>>) src(%dma_wait3A_147 : memref<1x8x128xf32, #tpu.memory_space<vmem>>) dst(%dma_wait3A_143 : memref<1x8x128xf32, #tpu.memory_space<hbm>>)
    %add3A_148 = arith.constant 768 : i32
    %add3A_149 = arith.addi %add3A_52, %add3A_148 : i32
    %dma_wait3A_150 = arith.constant 6 : i32
    %dma_wait3A_151 = arith.constant 0 : i32
    %dma_wait3A_152 = arith.constant 0 : i32
    %dma_wait3A_153 = tpu.memref_slice %arg8[%dma_wait3A_150, %dma_wait3A_151, %dma_wait3A_152] : memref<8x8x128xf32, #tpu.memory_space<vmem>> -> memref<1x8x128xf32, #tpu.memory_space<vmem>>
    %dma_wait3A_154 = arith.constant 0 : i32
    %dma_wait3A_155 = arith.constant 0 : i32
    %dma_wait3A_156 = tpu.memref_slice %arg4[%add3A_149, %dma_wait3A_154, %dma_wait3A_155] : memref<25600x8x128xf32, #tpu.memory_space<hbm>> -> memref<1x8x128xf32, #tpu.memory_space<hbm>>
    %dma_wait3A_157 = arith.constant 0 : i32
    %dma_wait3A_158 = arith.constant 0 : i32
    %dma_wait3A_159 = tpu.memref_slice %arg4[%add3A_149, %dma_wait3A_157, %dma_wait3A_158] : memref<25600x8x128xf32, #tpu.memory_space<hbm>> -> memref<1x8x128xf32, #tpu.memory_space<hbm>>
    %dma_wait3A_160 = arith.constant 6 : i32
    %dma_wait3A_161 = arith.constant 0 : i32
    %dma_wait3A_162 = arith.constant 0 : i32
    %dma_wait3A_163 = tpu.memref_slice %arg8[%dma_wait3A_160, %dma_wait3A_161, %dma_wait3A_162] : memref<8x8x128xf32, #tpu.memory_space<vmem>> -> memref<1x8x128xf32, #tpu.memory_space<vmem>>
    tpu.wait_dma2 semaphore(%arg12 : memref<!tpu.dma_semaphore, #tpu.memory_space<semaphore_mem>>) src(%dma_wait3A_163 : memref<1x8x128xf32, #tpu.memory_space<vmem>>) dst(%dma_wait3A_159 : memref<1x8x128xf32, #tpu.memory_space<hbm>>)
    %add3A_164 = arith.constant 896 : i32
    %add3A_165 = arith.addi %add3A_52, %add3A_164 : i32
    %dma_wait3A_166 = arith.constant 7 : i32
    %dma_wait3A_167 = arith.constant 0 : i32
    %dma_wait3A_168 = arith.constant 0 : i32
    %dma_wait3A_169 = tpu.memref_slice %arg8[%dma_wait3A_166, %dma_wait3A_167, %dma_wait3A_168] : memref<8x8x128xf32, #tpu.memory_space<vmem>> -> memref<1x8x128xf32, #tpu.memory_space<vmem>>
    %dma_wait3A_170 = arith.constant 0 : i32
    %dma_wait3A_171 = arith.constant 0 : i32
    %dma_wait3A_172 = tpu.memref_slice %arg4[%add3A_165, %dma_wait3A_170, %dma_wait3A_171] : memref<25600x8x128xf32, #tpu.memory_space<hbm>> -> memref<1x8x128xf32, #tpu.memory_space<hbm>>
    %dma_wait3A_173 = arith.constant 0 : i32
    %dma_wait3A_174 = arith.constant 0 : i32
    %dma_wait3A_175 = tpu.memref_slice %arg4[%add3A_165, %dma_wait3A_173, %dma_wait3A_174] : memref<25600x8x128xf32, #tpu.memory_space<hbm>> -> memref<1x8x128xf32, #tpu.memory_space<hbm>>
    %dma_wait3A_176 = arith.constant 7 : i32
    %dma_wait3A_177 = arith.constant 0 : i32
    %dma_wait3A_178 = arith.constant 0 : i32
    %dma_wait3A_179 = tpu.memref_slice %arg8[%dma_wait3A_176, %dma_wait3A_177, %dma_wait3A_178] : memref<8x8x128xf32, #tpu.memory_space<vmem>> -> memref<1x8x128xf32, #tpu.memory_space<vmem>>
    tpu.wait_dma2 semaphore(%arg12 : memref<!tpu.dma_semaphore, #tpu.memory_space<semaphore_mem>>) src(%dma_wait3A_179 : memref<1x8x128xf32, #tpu.memory_space<vmem>>) dst(%dma_wait3A_175 : memref<1x8x128xf32, #tpu.memory_space<hbm>>)
    %add3A_180 = arith.constant 99 : i32
    %add3A_181 = arith.addi %mul3A_2, %add3A_180 : i32
    %jit3A_182 = arith.constant 128 : i32
    %div3A_183 = arith.divsi %add3A_181, %jit3A_182 : i32
    %sign3A_184 = arith.constant 0 : i32
    %sign3A_185 = arith.cmpi sgt, %add3A_181, %sign3A_184 : i32
    %sign3A_186 = arith.extui %sign3A_185 : i1 to i32
    %sign3A_187 = arith.constant 0 : i32
    %sign3A_188 = arith.cmpi slt, %add3A_181, %sign3A_187 : i32
    %sign3A_189 = arith.extui %sign3A_188 : i1 to i32
    %sign3A_190 = arith.subi %sign3A_186, %sign3A_189 : i32
    %sign3A_191 = arith.constant 0 : i32
    %sign3A_192 = arith.cmpi sgt, %jit3A_182, %sign3A_191 : i32
    %sign3A_193 = arith.extui %sign3A_192 : i1 to i32
    %sign3A_194 = arith.constant 0 : i32
    %sign3A_195 = arith.cmpi slt, %jit3A_182, %sign3A_194 : i32
    %sign3A_196 = arith.extui %sign3A_195 : i1 to i32
    %sign3A_197 = arith.subi %sign3A_193, %sign3A_196 : i32
    %ne3A_198 = arith.cmpi ne, %sign3A_190, %sign3A_197 : i32
    %rem3A_199 = arith.remsi %add3A_181, %jit3A_182 : i32
    %ne3A_200 = arith.constant 0 : i32
    %ne3A_201 = arith.cmpi ne, %rem3A_199, %ne3A_200 : i32
    %and3A_202 = arith.andi %ne3A_198, %ne3A_201 : i1
    %sub3A_203 = arith.constant 1 : i32
    %sub3A_204 = arith.subi %div3A_183, %sub3A_203 : i32
    %select_n3A_205 = arith.select %and3A_202, %sub3A_204, %div3A_183 : i32
    %jit3A_206 = arith.constant 128 : i32
    %eq3A_207 = arith.constant 0 : i32
    %eq3A_208 = arith.cmpi eq, %jit3A_206, %eq3A_207 : i32
    %jit3A_209 = arith.constant 1 : i32
    %select_n3A_210 = arith.select %eq3A_208, %jit3A_209, %jit3A_206 : i32
    %rem3A_211 = arith.remsi %add3A_181, %select_n3A_210 : i32
    %ne3A_212 = arith.constant 0 : i32
    %ne3A_213 = arith.cmpi ne, %rem3A_211, %ne3A_212 : i32
    %lt3A_214 = arith.constant 0 : i32
    %lt3A_215 = arith.cmpi slt, %rem3A_211, %lt3A_214 : i32
    %lt3A_216 = arith.constant 0 : i32
    %lt3A_217 = arith.cmpi slt, %select_n3A_210, %lt3A_216 : i32
    %ne3A_218 = arith.xori %lt3A_215, %lt3A_217 : i1
    %and3A_219 = arith.andi %ne3A_218, %ne3A_213 : i1
    %add3A_220 = arith.addi %rem3A_211, %select_n3A_210 : i32
    %select_n3A_221 = arith.select %and3A_219, %add3A_220, %rem3A_211 : i32
    %mul3A_222 = arith.constant 8 : i32
    %mul3A_223 = arith.muli %mul3A_222, %select_n3A_205 : i32
    %mul3A_224 = arith.constant 128 : i32
    %mul3A_225 = arith.muli %mul3A_223, %mul3A_224 : i32
    %add3A_226 = arith.addi %mul3A_225, %select_n3A_221 : i32
    %add3A_227 = arith.constant 0 : i32
    %add3A_228 = arith.addi %add3A_226, %add3A_227 : i32
    %dma_wait3A_229 = arith.constant 0 : i32
    %dma_wait3A_230 = arith.constant 0 : i32
    %dma_wait3A_231 = arith.constant 0 : i32
    %dma_wait3A_232 = tpu.memref_slice %arg9[%dma_wait3A_229, %dma_wait3A_230, %dma_wait3A_231] : memref<8x8x128xf32, #tpu.memory_space<vmem>> -> memref<1x8x128xf32, #tpu.memory_space<vmem>>
    %dma_wait3A_233 = arith.constant 0 : i32
    %dma_wait3A_234 = arith.constant 0 : i32
    %dma_wait3A_235 = tpu.memref_slice %arg4[%add3A_228, %dma_wait3A_233, %dma_wait3A_234] : memref<25600x8x128xf32, #tpu.memory_space<hbm>> -> memref<1x8x128xf32, #tpu.memory_space<hbm>>
    %dma_wait3A_236 = arith.constant 0 : i32
    %dma_wait3A_237 = arith.constant 0 : i32
    %dma_wait3A_238 = tpu.memref_slice %arg4[%add3A_228, %dma_wait3A_236, %dma_wait3A_237] : memref<25600x8x128xf32, #tpu.memory_space<hbm>> -> memref<1x8x128xf32, #tpu.memory_space<hbm>>
    %dma_wait3A_239 = arith.constant 0 : i32
    %dma_wait3A_240 = arith.constant 0 : i32
    %dma_wait3A_241 = arith.constant 0 : i32
    %dma_wait3A_242 = tpu.memref_slice %arg9[%dma_wait3A_239, %dma_wait3A_240, %dma_wait3A_241] : memref<8x8x128xf32, #tpu.memory_space<vmem>> -> memref<1x8x128xf32, #tpu.memory_space<vmem>>
    tpu.wait_dma2 semaphore(%arg13 : memref<!tpu.dma_semaphore, #tpu.memory_space<semaphore_mem>>) src(%dma_wait3A_242 : memref<1x8x128xf32, #tpu.memory_space<vmem>>) dst(%dma_wait3A_238 : memref<1x8x128xf32, #tpu.memory_space<hbm>>)
    %add3A_243 = arith.constant 128 : i32
    %add3A_244 = arith.addi %add3A_226, %add3A_243 : i32
    %dma_wait3A_245 = arith.constant 1 : i32
    %dma_wait3A_246 = arith.constant 0 : i32
    %dma_wait3A_247 = arith.constant 0 : i32
    %dma_wait3A_248 = tpu.memref_slice %arg9[%dma_wait3A_245, %dma_wait3A_246, %dma_wait3A_247] : memref<8x8x128xf32, #tpu.memory_space<vmem>> -> memref<1x8x128xf32, #tpu.memory_space<vmem>>
    %dma_wait3A_249 = arith.constant 0 : i32
    %dma_wait3A_250 = arith.constant 0 : i32
    %dma_wait3A_251 = tpu.memref_slice %arg4[%add3A_244, %dma_wait3A_249, %dma_wait3A_250] : memref<25600x8x128xf32, #tpu.memory_space<hbm>> -> memref<1x8x128xf32, #tpu.memory_space<hbm>>
    %dma_wait3A_252 = arith.constant 0 : i32
    %dma_wait3A_253 = arith.constant 0 : i32
    %dma_wait3A_254 = tpu.memref_slice %arg4[%add3A_244, %dma_wait3A_252, %dma_wait3A_253] : memref<25600x8x128xf32, #tpu.memory_space<hbm>> -> memref<1x8x128xf32, #tpu.memory_space<hbm>>
    %dma_wait3A_255 = arith.constant 1 : i32
    %dma_wait3A_256 = arith.constant 0 : i32
    %dma_wait3A_257 = arith.constant 0 : i32
    %dma_wait3A_258 = tpu.memref_slice %arg9[%dma_wait3A_255, %dma_wait3A_256, %dma_wait3A_257] : memref<8x8x128xf32, #tpu.memory_space<vmem>> -> memref<1x8x128xf32, #tpu.memory_space<vmem>>
    tpu.wait_dma2 semaphore(%arg13 : memref<!tpu.dma_semaphore, #tpu.memory_space<semaphore_mem>>) src(%dma_wait3A_258 : memref<1x8x128xf32, #tpu.memory_space<vmem>>) dst(%dma_wait3A_254 : memref<1x8x128xf32, #tpu.memory_space<hbm>>)
    %add3A_259 = arith.constant 256 : i32
    %add3A_260 = arith.addi %add3A_226, %add3A_259 : i32
    %dma_wait3A_261 = arith.constant 2 : i32
    %dma_wait3A_262 = arith.constant 0 : i32
    %dma_wait3A_263 = arith.constant 0 : i32
    %dma_wait3A_264 = tpu.memref_slice %arg9[%dma_wait3A_261, %dma_wait3A_262, %dma_wait3A_263] : memref<8x8x128xf32, #tpu.memory_space<vmem>> -> memref<1x8x128xf32, #tpu.memory_space<vmem>>
    %dma_wait3A_265 = arith.constant 0 : i32
    %dma_wait3A_266 = arith.constant 0 : i32
    %dma_wait3A_267 = tpu.memref_slice %arg4[%add3A_260, %dma_wait3A_265, %dma_wait3A_266] : memref<25600x8x128xf32, #tpu.memory_space<hbm>> -> memref<1x8x128xf32, #tpu.memory_space<hbm>>
    %dma_wait3A_268 = arith.constant 0 : i32
    %dma_wait3A_269 = arith.constant 0 : i32
    %dma_wait3A_270 = tpu.memref_slice %arg4[%add3A_260, %dma_wait3A_268, %dma_wait3A_269] : memref<25600x8x128xf32, #tpu.memory_space<hbm>> -> memref<1x8x128xf32, #tpu.memory_space<hbm>>
    %dma_wait3A_271 = arith.constant 2 : i32
    %dma_wait3A_272 = arith.constant 0 : i32
    %dma_wait3A_273 = arith.constant 0 : i32
    %dma_wait3A_274 = tpu.memref_slice %arg9[%dma_wait3A_271, %dma_wait3A_272, %dma_wait3A_273] : memref<8x8x128xf32, #tpu.memory_space<vmem>> -> memref<1x8x128xf32, #tpu.memory_space<vmem>>
    tpu.wait_dma2 semaphore(%arg13 : memref<!tpu.dma_semaphore, #tpu.memory_space<semaphore_mem>>) src(%dma_wait3A_274 : memref<1x8x128xf32, #tpu.memory_space<vmem>>) dst(%dma_wait3A_270 : memref<1x8x128xf32, #tpu.memory_space<hbm>>)
    %add3A_275 = arith.constant 384 : i32
    %add3A_276 = arith.addi %add3A_226, %add3A_275 : i32
    %dma_wait3A_277 = arith.constant 3 : i32
    %dma_wait3A_278 = arith.constant 0 : i32
    %dma_wait3A_279 = arith.constant 0 : i32
    %dma_wait3A_280 = tpu.memref_slice %arg9[%dma_wait3A_277, %dma_wait3A_278, %dma_wait3A_279] : memref<8x8x128xf32, #tpu.memory_space<vmem>> -> memref<1x8x128xf32, #tpu.memory_space<vmem>>
    %dma_wait3A_281 = arith.constant 0 : i32
    %dma_wait3A_282 = arith.constant 0 : i32
    %dma_wait3A_283 = tpu.memref_slice %arg4[%add3A_276, %dma_wait3A_281, %dma_wait3A_282] : memref<25600x8x128xf32, #tpu.memory_space<hbm>> -> memref<1x8x128xf32, #tpu.memory_space<hbm>>
    %dma_wait3A_284 = arith.constant 0 : i32
    %dma_wait3A_285 = arith.constant 0 : i32
    %dma_wait3A_286 = tpu.memref_slice %arg4[%add3A_276, %dma_wait3A_284, %dma_wait3A_285] : memref<25600x8x128xf32, #tpu.memory_space<hbm>> -> memref<1x8x128xf32, #tpu.memory_space<hbm>>
    %dma_wait3A_287 = arith.constant 3 : i32
    %dma_wait3A_288 = arith.constant 0 : i32
    %dma_wait3A_289 = arith.constant 0 : i32
    %dma_wait3A_290 = tpu.memref_slice %arg9[%dma_wait3A_287, %dma_wait3A_288, %dma_wait3A_289] : memref<8x8x128xf32, #tpu.memory_space<vmem>> -> memref<1x8x128xf32, #tpu.memory_space<vmem>>
    tpu.wait_dma2 semaphore(%arg13 : memref<!tpu.dma_semaphore, #tpu.memory_space<semaphore_mem>>) src(%dma_wait3A_290 : memref<1x8x128xf32, #tpu.memory_space<vmem>>) dst(%dma_wait3A_286 : memref<1x8x128xf32, #tpu.memory_space<hbm>>)
    %add3A_291 = arith.constant 512 : i32
    %add3A_292 = arith.addi %add3A_226, %add3A_291 : i32
    %dma_wait3A_293 = arith.constant 4 : i32
    %dma_wait3A_294 = arith.constant 0 : i32
    %dma_wait3A_295 = arith.constant 0 : i32
    %dma_wait3A_296 = tpu.memref_slice %arg9[%dma_wait3A_293, %dma_wait3A_294, %dma_wait3A_295] : memref<8x8x128xf32, #tpu.memory_space<vmem>> -> memref<1x8x128xf32, #tpu.memory_space<vmem>>
    %dma_wait3A_297 = arith.constant 0 : i32
    %dma_wait3A_298 = arith.constant 0 : i32
    %dma_wait3A_299 = tpu.memref_slice %arg4[%add3A_292, %dma_wait3A_297, %dma_wait3A_298] : memref<25600x8x128xf32, #tpu.memory_space<hbm>> -> memref<1x8x128xf32, #tpu.memory_space<hbm>>
    %dma_wait3A_300 = arith.constant 0 : i32
    %dma_wait3A_301 = arith.constant 0 : i32
    %dma_wait3A_302 = tpu.memref_slice %arg4[%add3A_292, %dma_wait3A_300, %dma_wait3A_301] : memref<25600x8x128xf32, #tpu.memory_space<hbm>> -> memref<1x8x128xf32, #tpu.memory_space<hbm>>
    %dma_wait3A_303 = arith.constant 4 : i32
    %dma_wait3A_304 = arith.constant 0 : i32
    %dma_wait3A_305 = arith.constant 0 : i32
    %dma_wait3A_306 = tpu.memref_slice %arg9[%dma_wait3A_303, %dma_wait3A_304, %dma_wait3A_305] : memref<8x8x128xf32, #tpu.memory_space<vmem>> -> memref<1x8x128xf32, #tpu.memory_space<vmem>>
    tpu.wait_dma2 semaphore(%arg13 : memref<!tpu.dma_semaphore, #tpu.memory_space<semaphore_mem>>) src(%dma_wait3A_306 : memref<1x8x128xf32, #tpu.memory_space<vmem>>) dst(%dma_wait3A_302 : memref<1x8x128xf32, #tpu.memory_space<hbm>>)
    %add3A_307 = arith.constant 640 : i32
    %add3A_308 = arith.addi %add3A_226, %add3A_307 : i32
    %dma_wait3A_309 = arith.constant 5 : i32
    %dma_wait3A_310 = arith.constant 0 : i32
    %dma_wait3A_311 = arith.constant 0 : i32
    %dma_wait3A_312 = tpu.memref_slice %arg9[%dma_wait3A_309, %dma_wait3A_310, %dma_wait3A_311] : memref<8x8x128xf32, #tpu.memory_space<vmem>> -> memref<1x8x128xf32, #tpu.memory_space<vmem>>
    %dma_wait3A_313 = arith.constant 0 : i32
    %dma_wait3A_314 = arith.constant 0 : i32
    %dma_wait3A_315 = tpu.memref_slice %arg4[%add3A_308, %dma_wait3A_313, %dma_wait3A_314] : memref<25600x8x128xf32, #tpu.memory_space<hbm>> -> memref<1x8x128xf32, #tpu.memory_space<hbm>>
    %dma_wait3A_316 = arith.constant 0 : i32
    %dma_wait3A_317 = arith.constant 0 : i32
    %dma_wait3A_318 = tpu.memref_slice %arg4[%add3A_308, %dma_wait3A_316, %dma_wait3A_317] : memref<25600x8x128xf32, #tpu.memory_space<hbm>> -> memref<1x8x128xf32, #tpu.memory_space<hbm>>
    %dma_wait3A_319 = arith.constant 5 : i32
    %dma_wait3A_320 = arith.constant 0 : i32
    %dma_wait3A_321 = arith.constant 0 : i32
    %dma_wait3A_322 = tpu.memref_slice %arg9[%dma_wait3A_319, %dma_wait3A_320, %dma_wait3A_321] : memref<8x8x128xf32, #tpu.memory_space<vmem>> -> memref<1x8x128xf32, #tpu.memory_space<vmem>>
    tpu.wait_dma2 semaphore(%arg13 : memref<!tpu.dma_semaphore, #tpu.memory_space<semaphore_mem>>) src(%dma_wait3A_322 : memref<1x8x128xf32, #tpu.memory_space<vmem>>) dst(%dma_wait3A_318 : memref<1x8x128xf32, #tpu.memory_space<hbm>>)
    %add3A_323 = arith.constant 768 : i32
    %add3A_324 = arith.addi %add3A_226, %add3A_323 : i32
    %dma_wait3A_325 = arith.constant 6 : i32
    %dma_wait3A_326 = arith.constant 0 : i32
    %dma_wait3A_327 = arith.constant 0 : i32
    %dma_wait3A_328 = tpu.memref_slice %arg9[%dma_wait3A_325, %dma_wait3A_326, %dma_wait3A_327] : memref<8x8x128xf32, #tpu.memory_space<vmem>> -> memref<1x8x128xf32, #tpu.memory_space<vmem>>
    %dma_wait3A_329 = arith.constant 0 : i32
    %dma_wait3A_330 = arith.constant 0 : i32
    %dma_wait3A_331 = tpu.memref_slice %arg4[%add3A_324, %dma_wait3A_329, %dma_wait3A_330] : memref<25600x8x128xf32, #tpu.memory_space<hbm>> -> memref<1x8x128xf32, #tpu.memory_space<hbm>>
    %dma_wait3A_332 = arith.constant 0 : i32
    %dma_wait3A_333 = arith.constant 0 : i32
    %dma_wait3A_334 = tpu.memref_slice %arg4[%add3A_324, %dma_wait3A_332, %dma_wait3A_333] : memref<25600x8x128xf32, #tpu.memory_space<hbm>> -> memref<1x8x128xf32, #tpu.memory_space<hbm>>
    %dma_wait3A_335 = arith.constant 6 : i32
    %dma_wait3A_336 = arith.constant 0 : i32
    %dma_wait3A_337 = arith.constant 0 : i32
    %dma_wait3A_338 = tpu.memref_slice %arg9[%dma_wait3A_335, %dma_wait3A_336, %dma_wait3A_337] : memref<8x8x128xf32, #tpu.memory_space<vmem>> -> memref<1x8x128xf32, #tpu.memory_space<vmem>>
    tpu.wait_dma2 semaphore(%arg13 : memref<!tpu.dma_semaphore, #tpu.memory_space<semaphore_mem>>) src(%dma_wait3A_338 : memref<1x8x128xf32, #tpu.memory_space<vmem>>) dst(%dma_wait3A_334 : memref<1x8x128xf32, #tpu.memory_space<hbm>>)
    %add3A_339 = arith.constant 896 : i32
    %add3A_340 = arith.addi %add3A_226, %add3A_339 : i32
    %dma_wait3A_341 = arith.constant 7 : i32
    %dma_wait3A_342 = arith.constant 0 : i32
    %dma_wait3A_343 = arith.constant 0 : i32
    %dma_wait3A_344 = tpu.memref_slice %arg9[%dma_wait3A_341, %dma_wait3A_342, %dma_wait3A_343] : memref<8x8x128xf32, #tpu.memory_space<vmem>> -> memref<1x8x128xf32, #tpu.memory_space<vmem>>
    %dma_wait3A_345 = arith.constant 0 : i32
    %dma_wait3A_346 = arith.constant 0 : i32
    %dma_wait3A_347 = tpu.memref_slice %arg4[%add3A_340, %dma_wait3A_345, %dma_wait3A_346] : memref<25600x8x128xf32, #tpu.memory_space<hbm>> -> memref<1x8x128xf32, #tpu.memory_space<hbm>>
    %dma_wait3A_348 = arith.constant 0 : i32
    %dma_wait3A_349 = arith.constant 0 : i32
    %dma_wait3A_350 = tpu.memref_slice %arg4[%add3A_340, %dma_wait3A_348, %dma_wait3A_349] : memref<25600x8x128xf32, #tpu.memory_space<hbm>> -> memref<1x8x128xf32, #tpu.memory_space<hbm>>
    %dma_wait3A_351 = arith.constant 7 : i32
    %dma_wait3A_352 = arith.constant 0 : i32
    %dma_wait3A_353 = arith.constant 0 : i32
    %dma_wait3A_354 = tpu.memref_slice %arg9[%dma_wait3A_351, %dma_wait3A_352, %dma_wait3A_353] : memref<8x8x128xf32, #tpu.memory_space<vmem>> -> memref<1x8x128xf32, #tpu.memory_space<vmem>>
    tpu.wait_dma2 semaphore(%arg13 : memref<!tpu.dma_semaphore, #tpu.memory_space<semaphore_mem>>) src(%dma_wait3A_354 : memref<1x8x128xf32, #tpu.memory_space<vmem>>) dst(%dma_wait3A_350 : memref<1x8x128xf32, #tpu.memory_space<hbm>>)
    return
  }
}

</mosaic_0001>

<sc_bundles>
// kernel: kernel.3.cloned.1.call-start
scs
__scs_entry_jumppad:
0x0: {  	(pc) =	sbr.rel $0x88, $3  }
0x1: {  	(tag) =	ssettag $0x0;
	lr =	simm.s32 $0x1  }
0x2: {  	[smem:$0x3F9F] =	sst lr;
	_ =	strace $0xD0000000  }
0x3: {  	_ = 	snop  }
0x4: {  	_ = 	snop  }
0x5: {  	_ = 	snop  }
0x6: {  	_ = 	snop  }
0x7: {  	_ = 	snop  }
__scs_overlays_trampoline_lowered:
0x8: {  	[smem:$0x3FAE] =	sst s0  }
0x9: {  	[smem:$0x3FAF] =	sst s1  }
0xa: {  	[smem:$0x3FB0] =	sst s2  }
0xb: {  	[smem:$0x3FB1] =	sst s3  }
0xc: {  	[smem:$0x3FB2] =	sst s4  }
0xd: {  	[smem:$0x3FB3] =	sst s5  }
0xe: {  	[smem:$0x3FB4] =	sst s6  }
0xf: {  	[smem:$0x3FB5] =	sst s7  }
0x10: {  	[smem:$0x3FB6] =	sst s8  }
0x11: {  	[smem:$0x3FB7] =	sst s9;
	s0 =	simm.s32 @!p0 $0x0  }
0x12: {  	s1 =	sld [smem:$0x3F9D];
	s0 =	simm.s32 @p0 $0x1  }
0x13: {  	[smem:$0x3FB8] =	sst s0;
	s0 =	simm.s32 @!p1 $0x0  }
0x14: {  	s2 =	sld [smem:$0x3F9C];
	s0 =	simm.s32 @p1 $0x1  }
0x15: {  	[smem:$0x3FB9] =	sst s0;
	s0 =	simm.s32 @!p2 $0x0  }
0x16: {  	s3 =	sld [smem:$0x3FDB];
	s0 =	simm.s32 @p2 $0x1  }
0x17: {  	s4 =	simm.s32 $0x1BF5;
	[smem:$0x3FBB] =	sst s0  }
0x18: {  	s0 =	sld [smem:$0x3F9E];
	_ =	swait.ge [sflag:s4], $0x0  }
0x19: {  	s7 =	sld [smem:$0x3F9F]  }
0x1a: {  	s8 =	sadd.s32 $0xFFFFE003, lr  }
0x1b: {  	s9 =	sadd.s32 $0xFFFFFEF7, lr;
	s5 =	simm.s32 $0xFFFFFFFF;
	p2 =	slt.u32 s8, $0xFFFFF086  }
0x1c: {  	p1 =	slt.u32 s9, $0xF7A;
	s5 =	simm.s32 @!p2 $0x0  }
0x1d: {  	s5 =	simm.s32 @p1 $0x1;
	p0 =	seq.s32 s7, s2  }
0x1e: {  	s7 =	smul.u32 @!p0 $0xF7A, s2;
	p2 =	seq.s32 @!p0 s5, $0x0  }
0x1f: {  	s9 =	smul.u32 $0xF7A, s1;
	s8 =	simm.s32 @!p0 $0x1BF5;
	p2 =	por !p2, p0  }
0x20: {  	[sflag:s8] =	ssyncset.s32 @!p0 $0xFFFFF086;
	s6 =	sadd.s32 @!p0 s3, s7;
	s7 =	simm.s32 @!p0 $0x108  }
0x21: {  	s3 =	sadd.s32 s3, s9;
	s6 =	sadd.s32 @!p0 $0x88, s6;
	s7 =	simm.s32 @p2 $0x1082  }
0x22: {  	[simem:s7], [sflag:s8] =	dma.local @!p0 [hbm:s6], $0xF7A  }
0x23: {  	s9 =	sor.u32 $0xD0000000, s2;
	s6 =	simm.s32 $0x108;
	_ =	swait.ge @!p0 [sflag:s8], $0x0  }
0x24: {  	s3 =	sadd.s32 $0x88, s3;
	s6 =	simm.s32 @!p1 $0x1082;
	[sflag:s4] =	ssyncset.s32 $0xFFFFF086  }
0x25: {  	[simem:s6], [sflag:s4] =	dma.local [hbm:s3], $0xF7A  }
0x26: {  	[smem:$0x3F9F] =	sst s1;
	(tag) =	ssettag s2;
	_ =	strace s9  }
0x27: {  	s1 =	sld [smem:$0x3FAF]  }
0x28: {  	s2 =	sld [smem:$0x3FB0]  }
0x29: {  	s4 =	sld [smem:$0x3FB2]  }
0x2a: {  	p0 =	seq.s32 s5, $0x0;
	s5 =	sld [smem:$0x3FB3]  }
0x2b: {  	s6 =	sld [smem:$0x3FB4]  }
0x2c: {  	s7 =	sld [smem:$0x3FB5]  }
0x2d: {  	s3 =	simm.s32 $0x108;
	s8 =	sld [smem:$0x3FB6]  }
0x2e: {  	s3 =	simm.s32 @!p0 $0x1082;
	s9 =	sld [smem:$0x3FB7]  }
0x2f: {  	lr =	sadd.s32 s0, s3;
	s0 =	sld [smem:$0x3FAE]  }
0x30: {  	s3 =	sld [smem:$0x3FB1]  }
0x31: {  	[smem:$0x3FBA] =	sst s10  }
0x32: {  	s10 =	sld [smem:$0x3FB8];
	_ =	sdelay $0x3  }
0x33: {  	p0 =	seq.s32 s10, $0x1;
	s10 =	sld [smem:$0x3FBA];
	_ =	sdelay $0x3  }
0x34: {  	[smem:$0x3FBA] =	sst s10  }
0x35: {  	s10 =	sld [smem:$0x3FB9];
	_ =	sdelay $0x3  }
0x36: {  	p1 =	seq.s32 s10, $0x1;
	s10 =	sld [smem:$0x3FBA];
	_ =	sdelay $0x3  }
0x37: {  	[smem:$0x3FBA] =	sst s10  }
0x38: {  	s10 =	sld [smem:$0x3FBB]  }
0x39: {  	_ = 	snop;
	(pc) =	sbr.ind lr, $3  }
0x3a: {  	_ = 	snop  }
0x3b: {  	_ = 	snop  }
0x3c: {  	p2 =	seq.s32 s10, $0x1;
	s10 =	sld [smem:$0x3FBA]  }
0x3d: {  	_ =	shalt  }
0x3e: {  	_ =	shalt  }
0x3f: {  	_ =	shalt  }
0x40: {  	_ =	shalt  }
0x41: {  	_ =	shalt  }
0x42: {  	_ =	shalt  }
0x43: {  	_ =	shalt  }
0x44: {  	_ =	shalt  }
0x45: {  	_ =	shalt  }
0x46: {  	_ =	shalt  }
0x47: {  	_ =	shalt  }
0x48: {  	_ =	shalt  }
0x49: {  	_ =	shalt  }
0x4a: {  	_ =	shalt  }
0x4b: {  	_ =	shalt  }
0x4c: {  	_ =	shalt  }
0x4d: {  	_ =	shalt  }
0x4e: {  	_ =	shalt  }
0x4f: {  	_ =	shalt  }
0x50: {  	_ =	shalt  }
0x51: {  	_ =	shalt  }
0x52: {  	_ =	shalt  }
0x53: {  	_ =	shalt  }
0x54: {  	_ =	shalt  }
0x55: {  	_ =	shalt  }
0x56: {  	_ =	shalt  }
0x57: {  	_ =	shalt  }
0x58: {  	_ =	shalt  }
0x59: {  	_ =	shalt  }
0x5a: {  	_ =	shalt  }
0x5b: {  	_ =	shalt  }
0x5c: {  	_ =	shalt  }
0x5d: {  	_ =	shalt  }
0x5e: {  	_ =	shalt  }
0x5f: {  	_ =	shalt  }
0x60: {  	_ =	shalt  }
0x61: {  	_ =	shalt  }
0x62: {  	_ =	shalt  }
0x63: {  	_ =	shalt  }
0x64: {  	_ =	shalt  }
0x65: {  	_ =	shalt  }
0x66: {  	_ =	shalt  }
0x67: {  	_ =	shalt  }
0x68: {  	_ =	shalt  }
0x69: {  	_ =	shalt  }
0x6a: {  	_ =	shalt  }
0x6b: {  	_ =	shalt  }
0x6c: {  	_ =	shalt  }
0x6d: {  	_ =	shalt  }
0x6e: {  	_ =	shalt  }
0x6f: {  	_ =	shalt  }
0x70: {  	_ =	shalt  }
0x71: {  	_ =	shalt  }
0x72: {  	_ =	shalt  }
0x73: {  	_ =	shalt  }
0x74: {  	_ =	shalt  }
0x75: {  	_ =	shalt  }
0x76: {  	_ =	shalt  }
0x77: {  	_ =	shalt  }
0x78: {  	_ =	shalt  }
0x79: {  	_ =	shalt  }
0x7a: {  	_ =	shalt  }
0x7b: {  	_ =	shalt  }
0x7c: {  	_ =	shalt  }
0x7d: {  	_ =	shalt  }
0x7e: {  	_ =	shalt  }
0x7f: {  	_ =	shalt  }
0x80: {  	_ =	shalt  }
0x81: {  	_ =	shalt  }
0x82: {  	_ =	shalt  }
0x83: {  	_ =	shalt  }
0x84: {  	_ =	shalt  }
0x85: {  	_ =	shalt  }
0x86: {  	_ =	shalt  }
0x87: {  	_ =	shalt  }
.Lfunc_end0:
.L_simem_size_0:
called_computation_lowered:
.L_overlay_start_0:
0x88: {  	s2 =	sld [smem:$0x3FD9]  }
0x89: {  	s3 =	sld [smem:$0x3FFE];
	_ =	sdelay $0x1  }
0x8a: {  	s1 =	srdreg.scid  }
0x8b: {  	s0 =	sand.u32 $0x1, s1  }
0x8c: {  	s17 =	sshll.u32 s0, $0xA;
	s2 =	sadd.s32 s3, s2  }
0x8d: {  	s2 =	sadd.s32 s2, s17  }
0x8e: {  	[smem:$0x3FC6] =	sst s2  }
0x8f: {  	_ = 	snop  }
0x90: {  	s2 =	sld [smem:$0x3FC9]  }
0x91: {  	s18 =	sld [smem:$0x3FD0];
	(tm) =	ssettm $0x1  }
0x92: {  	s4 =	sld [smem:$0x3FFB];
	_ =	sdelay $0x3  }
0x93: {  	_ =	strace s4  }
0x94: {  	s4 =	sld [smem:$0x3FFC];
	_ =	sdelay $0x3  }
0x95: {  	_ =	strace s4  }
0x96: {  	s4 =	sld [smem:$0x3FFD];
	_ =	sdelay $0x3  }
0x97: {  	_ =	strace s4  }
0x98: {  	_ =	strace $0x8FFFFFFF  }
0x99: {  	s19 =	sld [smem:$0x3FDB];
	_ =	sdelay $0x1  }
0x9a: {  	s5 =	simm.s32 $_scs_section_size  }
0x9b: {  	s6 =	simm.s32 $_size__tile_overlayer_lowered;
	s7 =	simm.s32 $_tile_overlayer_lowered  }
0x9c: {  	s22 =	simm.s32 $0x1BFF;
	s21 =	sshll.u32 s7, $0x1;
	s4 =	sadd.s32 s5, s19  }
0x9d: {  	s8 =	simm.s32 $0x0;
	s20 =	sshll.u32 s6, $0x1;
	s6 =	sadd.s32 s21, s4  }
0x9e: {  	[timem:s8], [sflag:s22] =	dma.local [hbm:s6], s20  }
0x9f: {  	_ =	swait.ge [sflag:s22], s20  }
0xa0: {  	s5 =	ssub.s32 $0x0, s20;
	[sflag:s22] =	ssyncset.done $0x0  }
0xa1: {  	[sflag:s22] =	ssyncadd.s32 s5;
	_ =	sdelay $0x1  }
0xa2: {  	s23 =	simm.s32 $0x1B8B  }
0xa3: {  	_ =	swait.ge [sflag:s23], $0x1  }
0xa4: {  	[sflag:s23] =	ssyncset.done $0x0  }
0xa5: {  	s25 =	simm.s32 $0x1B8E;
	s24 =	sld [smem:$0x3FFE];
	[sflag:s23] =	ssyncadd.s32 $0xFFFFFFFF  }
0xa6: {  	s26 =	simm.s32 $execute0_lowered;
	[smem:$0x3FD2] =	sst s25  }
0xa7: {  	s6 =	sshll.u32 s26, $0x1;
	_ =	strace $0x80000046;
	[dreg:$0x1] =	wrdreg $0xFFFFFFFF  }
0xa8: {  	s28 =	simm.s32 $_size_execute0_lowered;
	s4 =	sadd.s32 s4, s6;
	[dreg:$0x0] =	wrdreg $0x0  }
0xa9: {  	s6 =	sshll.u32 s28, $0x1;
	[dreg:$0x2] =	wrdreg s4  }
0xaa: {  	[dreg:$0x3] =	wrdreg s6  }
0xab: {  	[dreg:$0x4] =	wrdreg $0xC0  }
0xac: {  	_ =	task [dreg:s8], $0x5FFFF  }
0xad: {  	[dreg:$0x1] =	wrdreg $0xFFFFFFFF  }
0xae: {  	[dreg:$0x0] =	wrdreg $0x60  }
0xaf: {  	[dreg:$0x2] =	wrdreg s24  }
0xb0: {  	[dreg:$0x3] =	wrdreg s2  }
0xb1: {  	[dreg:$0x4] =	wrdreg s18  }
0xb2: {  	[dreg:$0x5] =	wrdreg $0x9  }
0xb3: {  	_ =	task.clear_ibuf [dreg:s8], $0x6FFFF;
	_ =	strace $0x90000046  }
0xb4: {  	s29 =	simm.s32 $0x9;
	_ =	strace $0x80000048  }
0xb5: {  	_ =	swait.ge [sflag:s29], $0x1  }
0xb6: {  	[sflag:s29] =	ssyncadd.s32 $0xFFFFFFFF  }
0xb7: {  	_ =	strace $0x90000048  }
0xb8: {  	_ =	sfence  }
0xb9: {  	s30 =	sld [smem:$0x0];
	_ =	sdelay $0x2  }
0xba: {  	s31 =	sshll.u32 s1, $0xD;
	s1 =	sshrl.u32 s1, $0x2  }
0xbb: {  	s3 =	sand.u32 $0x4000, s31;
	s1 =	sadd.s32 s1, s30  }
0xbc: {  	s0 =	sor.u32 s3, s0;
	s1 =	sshll.u32 s1, $0x11  }
0xbd: {  	s0 =	sor.u32 s1, s0  }
0xbe: {  	s0 =	sadd.s32 $0x8F2B, s0  }
0xbf: {  	[sflag:s0] =	ssyncadd.remote.s32 $0x1  }
0xc0: {  	_ =	sfence.sel $0xFFFF  }
0xc1: {  	[dreg:$0x0] =	wrdreg $0xFFFFFFFF;
	(pc) =	sbr.abs _section_cstart, $3  }
0xc2: {  	[dreg:$0x1] =	wrdreg $0xFFFFFFFF  }
0xc3: {  	_ =	task.clear_ibuf [dreg:s8], $0x2FFFF;
	_ =	strace $0x9FFFFFFF  }
0xc4: {  	(tm) =	ssettm $0x7FFFFFFF  }
0xc5: {  	_ =	shalt  }
tec
execute0_lowered:
.L_overlay_start_1:
0x0: {  	(tag) =	ssettag $0x1  }
0x1: {  	s0 =	rddreg [dreg:$0x0]  }
0x2: {  	s2 =	rddreg [dreg:$0x1]  }
0x3: {  	s3 =	rddreg [dreg:$0x2]  }
0x4: {  	s1 =	srdreg.scid;
	s5 =	stileid.u32;
	s4 =	simm.s32 $0x0  }
0x5: {  	s20 =	simm.s32 $0x1;
	s21 =	simm.s32 $0x80;
	s22 =	simm.s32 $0x100  }
0x6: {  	s23 =	simm.s32 $0x180;
	s16 =	simm.s32 $0x4;
	s19 =	simm.s32 $0x3800  }
0x7: {  	s28 =	simm.s32 $0x4000;
	s29 =	simm.s32 $0x4400;
	s30 =	simm.s32 $0x4800  }
0x8: {  	s1 =	sand.u32 $0x1, s1;
	s5 =	sshll.u32 s5, $0x1;
	[smem:$0x7FF] =	sst s4  }
0x9: {  	s0 =	sadd.s32 $0x400, s0;
	s8 =	sadd.s32 $0x4000, s3;
	s9 =	sadd.s32 $0x8000, s3  }
0xa: {  	s10 =	sadd.s32 $0xC000, s3;
	s11 =	sadd.s32 $0x10000, s3;
	s12 =	sadd.s32 $0x14000, s3  }
0xb: {  	s13 =	sadd.s32 $0x18000, s3;
	s6 =	ssub.s32 $0x2, s1;
	s1 =	sor.u32 s1, s5  }
0xc: {  	s14 =	sadd.s32 $0x1C000, s3;
	s24 =	sshrl.u32 s6, $0x1;
	s7 =	smul.u32 $0x3200, s1  }
0xd: {  	_ =	strace $0x80000047;
	[dreg:$0x4] =	wrdreg s0;
	s25 =	ssub.s32 s6, s24  }
0xe: {  	s6 =	smul.u32 $0x64, s1;
	s24 =	simm.s32 $0x200;
	s26 =	sadd.s32 s2, s7  }
0xf: {  	s1 =	simm.s32 $0x0;
	s0 =	smax.u32 s25, $0x1;
	[dreg:$0x5] =	wrdreg s26  }
0x10: {  	s25 =	simm.s32 $0x280;
	s31 =	sor.u32 $0x2, s6;
	[dreg:$0x7] =	wrdreg s0  }
0x11: {  	s7 =	simm.s32 $0x2;
	s26 =	simm.s32 $0x3C00;
	[dreg:$0x6] =	wrdreg s31  }
.LBB2_1:
0x12: {  	[dreg:$0x8] =	wrdreg s1  }
0x13: {  	s0 =	rddreg [dreg:$0x4];
	s15 =	simm.s32 $0x5  }
0x14: {  	[tilespmem:s4], [sflag:$0x5] =	stream.linear.gather [hbm4b:s0+s4], $0x400, $0x38;
	[tilespmem:$0x4C00] =	vst v63  }
0x15: {  	_ =	swait.ge [sflag:s15], $0x400  }
0x16: {  	s18 =	simm.s32 $0x400;
	[sflag:s15] =	ssyncset.done $0x0  }
0x17: {  	s31 =	simm.s32 $0x0;
	s17 =	rddreg [dreg:$0x5];
	[sflag:s15] =	ssyncadd.s32 $0xFFFFFC00  }
0x18: {  	[tilespmem:s18], [sflag:$0x1] =	stream.linear.gather [hbm4b:s17+s4], $0x400, $0x38;
	[tilespmem:$0x4C00] =	vst v63  }
.LBB2_2:
0x19: {  	s1 =	sshll.u32 s31, $0x1  }
0x1a: {  	s5 =	sadd.s32 s6, s1  }
0x1b: {  	s0 =	sadd.s32 $0x1, s5  }
0x1c: {  	s15 =	sshll.u32 s0, $0x7  }
0x1d: {  	s15 =	sand.u32 $0x1FFFFF80, s15  }
0x1e: {  	s17 =	simm.s32 $0x800;
	s15 =	sadd.s32 s2, s15  }
0x1f: {  	[tilespmem:s17], [sflag:$0x2] =	stream.linear.gather [hbm4b:s15+s4], $0x400, $0x38;
	[tilespmem:$0x4C00] =	vst v63  }
0x20: {  	_ =	swait.ge [sflag:s20], $0x400  }
0x21: {  	p0 =	seq.s32 s31, $0x0;
	[sflag:s20] =	ssyncset.done $0x0  }
0x22: {  	s15 =	simm.s32 @!p0 $0x3;
	[sflag:s20] =	ssyncadd.s32 $0xFFFFFC00  }
0x23: {  	_ =	swait.ge @!p0 [sflag:s15], $0x400  }
0x24: {  	[sflag:s15] =	ssyncset.done @!p0 $0x0  }
0x25: {  	[sflag:s15] =	ssyncadd.s32 @!p0 $0xFFFFFC00  }
0x26: {  	_ =	swait.ge @!p0 [sflag:s15], $0x400  }
0x27: {  	[sflag:s15] =	ssyncset.done @!p0 $0x0  }
0x28: {  	[sflag:s15] =	ssyncadd.s32 @!p0 $0xFFFFFC00  }
0x29: {  	_ =	swait.ge @!p0 [sflag:s15], $0x400  }
0x2a: {  	[sflag:s15] =	ssyncset.done @!p0 $0x0  }
0x2b: {  	[sflag:s15] =	ssyncadd.s32 @!p0 $0xFFFFFC00  }
0x2c: {  	_ =	swait.ge @!p0 [sflag:s15], $0x400  }
0x2d: {  	[sflag:s15] =	ssyncset.done @!p0 $0x0  }
0x2e: {  	[sflag:s15] =	ssyncadd.s32 @!p0 $0xFFFFFC00  }
0x2f: {  	_ =	swait.ge @!p0 [sflag:s15], $0x400  }
0x30: {  	[sflag:s15] =	ssyncset.done @!p0 $0x0  }
0x31: {  	[sflag:s15] =	ssyncadd.s32 @!p0 $0xFFFFFC00  }
0x32: {  	_ =	swait.ge @!p0 [sflag:s15], $0x400  }
0x33: {  	[sflag:s15] =	ssyncset.done @!p0 $0x0  }
0x34: {  	[sflag:s15] =	ssyncadd.s32 @!p0 $0xFFFFFC00  }
0x35: {  	_ =	swait.ge @!p0 [sflag:s15], $0x400  }
0x36: {  	[sflag:s15] =	ssyncset.done @!p0 $0x0  }
0x37: {  	[sflag:s15] =	ssyncadd.s32 @!p0 $0xFFFFFC00  }
0x38: {  	_ =	swait.ge @!p0 [sflag:s15], $0x400  }
0x39: {  	[sflag:s15] =	ssyncset.done @!p0 $0x0  }
0x3a: {  	s18 =	simm.s32 $0x440;
	[sflag:s15] =	ssyncadd.s32 @!p0 $0xFFFFFC00  }
0x3b: {  	v0 =	vld [tilespmem:s18+$0x30]  }
0x3c: {  	v1 =	vld [tilespmem:s18+$0xFFFFFFD0]  }
0x3d: {  	v2 =	vld [tilespmem:s18+$0xFFFFFFE0]  }
0x3e: {  	v3 =	vld [tilespmem:s18+$0xFFFFFFF0]  }
0x3f: {  	v6 =	vld [tilespmem:s18+$0x0]  }
0x40: {  	v7 =	vld [tilespmem:s18+$0x10]  }
0x41: {  	v8 =	vld [tilespmem:s18+$0x20]  }
0x42: {  	v5 =	vld [tilespmem:s18+$0xFFFFFFC0]  }
0x43: {  	v4 =	vld.idx.msk [tilespmem:v0+s4+$0x0], $0xffff  }
0x44: {  	v9 =	vld.idx.msk [tilespmem:v1+s4+$0x0], $0xffff  }
0x45: {  	v10 =	vld.idx.msk [tilespmem:v2+s4+$0x0], $0xffff  }
0x46: {  	v11 =	vld.idx.msk [tilespmem:v3+s4+$0x0], $0xffff  }
0x47: {  	v12 =	vld.idx.msk [tilespmem:v6+s4+$0x0], $0xffff  }
0x48: {  	s17 =	simm.s32 $0xD80;
	v13 =	vld.idx.msk [tilespmem:v7+s4+$0x0], $0xffff  }
0x49: {  	v14 =	vld.idx.msk [tilespmem:v8+s4+$0x0], $0xffff;
	[tilespmem:s17+$0xFFFFFEF0] =	vst v4  }
0x4a: {  	v42 =	vld.idx.msk [tilespmem:v5+s4+$0x0], $0xffff;
	[tilespmem:s17+$0xFFFFFE90] =	vst v9  }
0x4b: {  	[tilespmem:s17+$0xFFFFFEA0] =	vst v10;
	v4 =	vld.idx.msk [tilespmem:v0+s21+$0x0], $0xffff  }
0x4c: {  	[tilespmem:s17+$0xFFFFFEB0] =	vst v11;
	v43 =	vld.idx.msk [tilespmem:v1+s21+$0x0], $0xffff  }
0x4d: {  	[tilespmem:s17+$0xFFFFFEC0] =	vst v12;
	v44 =	vld.idx.msk [tilespmem:v2+s21+$0x0], $0xffff  }
0x4e: {  	[tilespmem:s17+$0xFFFFFED0] =	vst v13;
	v45 =	vld.idx.msk [tilespmem:v3+s21+$0x0], $0xffff  }
0x4f: {  	[tilespmem:s17+$0xFFFFFEE0] =	vst v14;
	v46 =	vld.idx.msk [tilespmem:v6+s21+$0x0], $0xffff  }
0x50: {  	[tilespmem:s17+$0xFFFFFE80] =	vst v42;
	v47 =	vld.idx.msk [tilespmem:v7+s21+$0x0], $0xffff  }
0x51: {  	v9 =	vld.idx.msk [tilespmem:v5+s21+$0x0], $0xffff;
	[tilespmem:s17+$0xFFFFFF70] =	vst v4  }
0x52: {  	v48 =	vld.idx.msk [tilespmem:v8+s21+$0x0], $0xffff;
	[tilespmem:s17+$0xFFFFFF10] =	vst v43  }
0x53: {  	[tilespmem:s17+$0xFFFFFF20] =	vst v44;
	v4 =	vld.idx.msk [tilespmem:v0+s22+$0x0], $0xffff  }
0x54: {  	[tilespmem:s17+$0xFFFFFF30] =	vst v45;
	v49 =	vld.idx.msk [tilespmem:v1+s22+$0x0], $0xffff  }
0x55: {  	[tilespmem:s17+$0xFFFFFF40] =	vst v46;
	v50 =	vld.idx.msk [tilespmem:v2+s22+$0x0], $0xffff  }
0x56: {  	[tilespmem:s17+$0xFFFFFF50] =	vst v47;
	v51 =	vld.idx.msk [tilespmem:v3+s22+$0x0], $0xffff  }
0x57: {  	[tilespmem:s17+$0xFFFFFF00] =	vst v9;
	v52 =	vld.idx.msk [tilespmem:v6+s22+$0x0], $0xffff  }
0x58: {  	[tilespmem:s17+$0xFFFFFF60] =	vst v48;
	v9 =	vld.idx.msk [tilespmem:v5+s22+$0x0], $0xffff  }
0x59: {  	v53 =	vld.idx.msk [tilespmem:v7+s22+$0x0], $0xffff;
	[tilespmem:s17+$0xFFFFFFF0] =	vst v4  }
0x5a: {  	v54 =	vld.idx.msk [tilespmem:v8+s22+$0x0], $0xffff;
	[tilespmem:s17+$0xFFFFFF90] =	vst v49  }
0x5b: {  	[tilespmem:s17+$0xFFFFFFA0] =	vst v50;
	v4 =	vld.idx.msk [tilespmem:v0+s23+$0x0], $0xffff  }
0x5c: {  	[tilespmem:s17+$0xFFFFFFB0] =	vst v51;
	v55 =	vld.idx.msk [tilespmem:v1+s23+$0x0], $0xffff  }
0x5d: {  	[tilespmem:s17+$0xFFFFFFC0] =	vst v52;
	v56 =	vld.idx.msk [tilespmem:v2+s23+$0x0], $0xffff  }
0x5e: {  	[tilespmem:s17+$0xFFFFFF80] =	vst v9;
	v57 =	vld.idx.msk [tilespmem:v3+s23+$0x0], $0xffff  }
0x5f: {  	[tilespmem:s17+$0xFFFFFFD0] =	vst v53;
	v9 =	vld.idx.msk [tilespmem:v5+s23+$0x0], $0xffff  }
0x60: {  	[tilespmem:s17+$0xFFFFFFE0] =	vst v54;
	v58 =	vld.idx.msk [tilespmem:v6+s23+$0x0], $0xffff  }
0x61: {  	v59 =	vld.idx.msk [tilespmem:v7+s23+$0x0], $0xffff;
	[tilespmem:s17+$0x70] =	vst v4  }
0x62: {  	v60 =	vld.idx.msk [tilespmem:v8+s23+$0x0], $0xffff;
	[tilespmem:s17+$0x10] =	vst v55  }
0x63: {  	[tilespmem:s17+$0x20] =	vst v56;
	v4 =	vld.idx.msk [tilespmem:v0+s24+$0x0], $0xffff  }
0x64: {  	[tilespmem:s17+$0x30] =	vst v57;
	v61 =	vld.idx.msk [tilespmem:v1+s24+$0x0], $0xffff  }
0x65: {  	[tilespmem:s17+$0x0] =	vst v9;
	v62 =	vld.idx.msk [tilespmem:v2+s24+$0x0], $0xffff  }
0x66: {  	[tilespmem:s17+$0x40] =	vst v58;
	v63 =	vld.idx.msk [tilespmem:v3+s24+$0x0], $0xffff  }
0x67: {  	[tilespmem:s17+$0x50] =	vst v59;
	v10 =	vld.idx.msk [tilespmem:v6+s24+$0x0], $0xffff  }
0x68: {  	[tilespmem:s17+$0x60] =	vst v60;
	v11 =	vld.idx.msk [tilespmem:v7+s24+$0x0], $0xffff  }
0x69: {  	[tilespmem:s17+$0xF0] =	vst v4;
	v4 =	vld.idx.msk [tilespmem:v5+s24+$0x0], $0xffff  }
0x6a: {  	v12 =	vld.idx.msk [tilespmem:v8+s24+$0x0], $0xffff;
	[tilespmem:s17+$0x90] =	vst v61  }
0x6b: {  	[tilespmem:s17+$0xA0] =	vst v62;
	v0 =	vld.idx.msk [tilespmem:v0+s25+$0x0], $0xffff  }
0x6c: {  	[tilespmem:s17+$0xB0] =	vst v63;
	v13 =	vld.idx.msk [tilespmem:v1+s25+$0x0], $0xffff  }
0x6d: {  	[tilespmem:s17+$0xC0] =	vst v10;
	v1 =	vld.idx.msk [tilespmem:v3+s25+$0x0], $0xffff  }
0x6e: {  	[tilespmem:s17+$0x80] =	vst v4;
	v4 =	vld.idx.msk [tilespmem:v2+s25+$0x0], $0xffff  }
0x6f: {  	[tilespmem:s17+$0xD0] =	vst v11;
	v5 =	vld.idx.msk [tilespmem:v5+s25+$0x0], $0xffff  }
0x70: {  	[tilespmem:s17+$0xE0] =	vst v12;
	v3 =	vld.idx.msk [tilespmem:v7+s25+$0x0], $0xffff  }
0x71: {  	v2 =	vld.idx.msk [tilespmem:v6+s25+$0x0], $0xffff;
	[tilespmem:s17+$0x170] =	vst v0  }
0x72: {  	s15 =	simm.s32 $0x4C0;
	s18 =	simm.s32 $0x0;
	[tilespmem:s17+$0x110] =	vst v13;
	v0 =	vld.idx.msk [tilespmem:v8+s25+$0x0], $0xffff  }
.LBB2_3:
0x73: {  	v6 =	vld [tilespmem:s15+$0x30];
	s18 =	sadd.s32 $0x8, s18;
	[tilespmem:s17+$0x120] =	vst v4  }
0x74: {  	v4 =	vld [tilespmem:s15+$0xFFFFFFD0];
	p1 =	slt.u32 s18, $0x38;
	[tilespmem:s17+$0x100] =	vst v5  }
0x75: {  	v5 =	vld [tilespmem:s15+$0xFFFFFFE0];
	[tilespmem:s17+$0x130] =	vst v1  }
0x76: {  	v1 =	vld [tilespmem:s15+$0xFFFFFFF0];
	[tilespmem:s17+$0x140] =	vst v2  }
0x77: {  	v2 =	vld [tilespmem:s15+$0x0];
	[tilespmem:s17+$0x150] =	vst v3  }
0x78: {  	v3 =	vld [tilespmem:s15+$0x10];
	[tilespmem:s17+$0x160] =	vst v0  }
0x79: {  	v0 =	vld [tilespmem:s15+$0x20]  }
0x7a: {  	v7 =	vld [tilespmem:s15+$0xFFFFFFC0]  }
0x7b: {  	v8 =	vld.idx.msk [tilespmem:v6+s4+$0x0], $0xffff  }
0x7c: {  	v9 =	vld.idx.msk [tilespmem:v4+s4+$0x0], $0xffff  }
0x7d: {  	v10 =	vld.idx.msk [tilespmem:v5+s4+$0x0], $0xffff  }
0x7e: {  	v11 =	vld.idx.msk [tilespmem:v1+s4+$0x0], $0xffff  }
0x7f: {  	v12 =	vld.idx.msk [tilespmem:v2+s4+$0x0], $0xffff  }
0x80: {  	s17 =	sadd.s32 $0x400, s17;
	v13 =	vld.idx.msk [tilespmem:v3+s4+$0x0], $0xffff  }
0x81: {  	v14 =	vld.idx.msk [tilespmem:v0+s4+$0x0], $0xffff;
	[tilespmem:s17+$0xFFFFFEF0] =	vst v8  }
0x82: {  	[tilespmem:s17+$0xFFFFFE90] =	vst v9;
	v8 =	vld.idx.msk [tilespmem:v6+s21+$0x0], $0xffff  }
0x83: {  	v9 =	vld.idx.msk [tilespmem:v7+s4+$0x0], $0xffff;
	[tilespmem:s17+$0xFFFFFEA0] =	vst v10  }
0x84: {  	v10 =	vld.idx.msk [tilespmem:v4+s21+$0x0], $0xffff;
	[tilespmem:s17+$0xFFFFFEB0] =	vst v11  }
0x85: {  	v11 =	vld.idx.msk [tilespmem:v5+s21+$0x0], $0xffff;
	[tilespmem:s17+$0xFFFFFEC0] =	vst v12  }
0x86: {  	v12 =	vld.idx.msk [tilespmem:v1+s21+$0x0], $0xffff;
	[tilespmem:s17+$0xFFFFFED0] =	vst v13  }
0x87: {  	v13 =	vld.idx.msk [tilespmem:v2+s21+$0x0], $0xffff;
	[tilespmem:s17+$0xFFFFFEE0] =	vst v14  }
0x88: {  	v14 =	vld.idx.msk [tilespmem:v3+s21+$0x0], $0xffff;
	[tilespmem:s17+$0xFFFFFF70] =	vst v8  }
0x89: {  	[tilespmem:s17+$0xFFFFFE80] =	vst v9;
	v8 =	vld.idx.msk [tilespmem:v6+s22+$0x0], $0xffff  }
0x8a: {  	v9 =	vld.idx.msk [tilespmem:v7+s21+$0x0], $0xffff;
	[tilespmem:s17+$0xFFFFFF10] =	vst v10  }
0x8b: {  	[tilespmem:s17+$0xFFFFFF20] =	vst v11;
	v10 =	vld.idx.msk [tilespmem:v0+s21+$0x0], $0xffff  }
0x8c: {  	v11 =	vld.idx.msk [tilespmem:v4+s22+$0x0], $0xffff;
	[tilespmem:s17+$0xFFFFFF30] =	vst v12  }
0x8d: {  	v12 =	vld.idx.msk [tilespmem:v5+s22+$0x0], $0xffff;
	[tilespmem:s17+$0xFFFFFF40] =	vst v13  }
0x8e: {  	v13 =	vld.idx.msk [tilespmem:v1+s22+$0x0], $0xffff;
	[tilespmem:s17+$0xFFFFFF50] =	vst v14  }
0x8f: {  	v14 =	vld.idx.msk [tilespmem:v2+s22+$0x0], $0xffff;
	[tilespmem:s17+$0xFFFFFFF0] =	vst v8  }
0x90: {  	[tilespmem:s17+$0xFFFFFF00] =	vst v9;
	v8 =	vld.idx.msk [tilespmem:v6+s23+$0x0], $0xffff  }
0x91: {  	v9 =	vld.idx.msk [tilespmem:v7+s22+$0x0], $0xffff;
	[tilespmem:s17+$0xFFFFFF60] =	vst v10  }
0x92: {  	[tilespmem:s17+$0xFFFFFF90] =	vst v11;
	v10 =	vld.idx.msk [tilespmem:v3+s22+$0x0], $0xffff  }
0x93: {  	[tilespmem:s17+$0xFFFFFFA0] =	vst v12;
	v11 =	vld.idx.msk [tilespmem:v0+s22+$0x0], $0xffff  }
0x94: {  	v12 =	vld.idx.msk [tilespmem:v4+s23+$0x0], $0xffff;
	[tilespmem:s17+$0xFFFFFFB0] =	vst v13  }
0x95: {  	v13 =	vld.idx.msk [tilespmem:v5+s23+$0x0], $0xffff;
	[tilespmem:s17+$0xFFFFFFC0] =	vst v14  }
0x96: {  	v14 =	vld.idx.msk [tilespmem:v1+s23+$0x0], $0xffff;
	[tilespmem:s17+$0x70] =	vst v8  }
0x97: {  	[tilespmem:s17+$0xFFFFFF80] =	vst v9;
	v8 =	vld.idx.msk [tilespmem:v6+s24+$0x0], $0xffff  }
0x98: {  	v9 =	vld.idx.msk [tilespmem:v7+s23+$0x0], $0xffff;
	[tilespmem:s17+$0xFFFFFFD0] =	vst v10  }
0x99: {  	v10 =	vld.idx.msk [tilespmem:v2+s23+$0x0], $0xffff;
	[tilespmem:s17+$0xFFFFFFE0] =	vst v11  }
0x9a: {  	[tilespmem:s17+$0x10] =	vst v12;
	v11 =	vld.idx.msk [tilespmem:v3+s23+$0x0], $0xffff  }
0x9b: {  	[tilespmem:s17+$0x20] =	vst v13;
	v12 =	vld.idx.msk [tilespmem:v0+s23+$0x0], $0xffff  }
0x9c: {  	v13 =	vld.idx.msk [tilespmem:v4+s24+$0x0], $0xffff;
	[tilespmem:s17+$0x30] =	vst v14  }
0x9d: {  	v14 =	vld.idx.msk [tilespmem:v5+s24+$0x0], $0xffff;
	[tilespmem:s17+$0xF0] =	vst v8  }
0x9e: {  	[tilespmem:s17+$0x0] =	vst v9;
	v6 =	vld.idx.msk [tilespmem:v6+s25+$0x0], $0xffff  }
0x9f: {  	v8 =	vld.idx.msk [tilespmem:v7+s24+$0x0], $0xffff;
	[tilespmem:s17+$0x40] =	vst v10  }
0xa0: {  	v9 =	vld.idx.msk [tilespmem:v1+s24+$0x0], $0xffff;
	[tilespmem:s17+$0x50] =	vst v11  }
0xa1: {  	v10 =	vld.idx.msk [tilespmem:v2+s24+$0x0], $0xffff;
	[tilespmem:s17+$0x60] =	vst v12  }
0xa2: {  	[tilespmem:s17+$0x90] =	vst v13;
	v11 =	vld.idx.msk [tilespmem:v3+s24+$0x0], $0xffff  }
0xa3: {  	[tilespmem:s17+$0xA0] =	vst v14;
	v12 =	vld.idx.msk [tilespmem:v0+s24+$0x0], $0xffff  }
0xa4: {  	v13 =	vld.idx.msk [tilespmem:v4+s25+$0x0], $0xffff;
	[tilespmem:s17+$0x170] =	vst v6  }
0xa5: {  	[tilespmem:s17+$0x80] =	vst v8;
	v4 =	vld.idx.msk [tilespmem:v5+s25+$0x0], $0xffff  }
.Ltmp0:
0xa6: {  	v5 =	vld.idx.msk [tilespmem:v7+s25+$0x0], $0xffff;
	[tilespmem:s17+$0xB0] =	vst v9;
	(pc) =	sbr.rel @p1 .LBB2_3-.Ltmp0, $4  }
0xa7: {  	v1 =	vld.idx.msk [tilespmem:v1+s25+$0x0], $0xffff;
	[tilespmem:s17+$0xC0] =	vst v10  }
0xa8: {  	v2 =	vld.idx.msk [tilespmem:v2+s25+$0x0], $0xffff;
	[tilespmem:s17+$0xD0] =	vst v11  }
0xa9: {  	v3 =	vld.idx.msk [tilespmem:v3+s25+$0x0], $0xffff;
	[tilespmem:s17+$0xE0] =	vst v12  }
0xaa: {  	s15 =	sadd.s32 $0x80, s15;
	[tilespmem:s17+$0x110] =	vst v13;
	v0 =	vld.idx.msk [tilespmem:v0+s25+$0x0], $0xffff  }
0xab: {  	[tilespmem:s17+$0x120] =	vst v4  }
0xac: {  	[tilespmem:s17+$0x100] =	vst v5;
	s15 =	sshll.u32 s5, $0x3  }
0xad: {  	s18 =	sand.u32 $0x7E, s5;
	[tilespmem:s17+$0x130] =	vst v1;
	s15 =	sand.u32 $0x3FFC00, s15  }
0xae: {  	s5 =	sor.u32 s18, s15;
	[tilespmem:s17+$0x140] =	vst v2  }
0xaf: {  	[tilespmem:s17+$0x150] =	vst v3;
	s5 =	sshll.u32 s5, $0x7  }
0xb0: {  	s18 =	simm.s32 $0xC00;
	[tilespmem:s17+$0x160] =	vst v0;
	s17 =	sadd.s32 s3, s5  }
0xb1: {  	[hbm4b:s17+s4] =	stream.linear.scatter [tilespmem:s18], [sflag:$0x3], $0x400, $0x38;
	[tilespmem:$0x4C00] =	vst v63  }
0xb2: {  	s17 =	sadd.s32 s5, s8;
	s18 =	simm.s32 $0x1000  }
0xb3: {  	[hbm4b:s17+s4] =	stream.linear.scatter [tilespmem:s18], [sflag:$0x3], $0x400, $0x38;
	[tilespmem:$0x4C00] =	vst v63  }
0xb4: {  	s17 =	sadd.s32 s5, s9;
	s18 =	simm.s32 $0x1400  }
0xb5: {  	[hbm4b:s17+s4] =	stream.linear.scatter [tilespmem:s18], [sflag:$0x3], $0x400, $0x38;
	[tilespmem:$0x4C00] =	vst v63  }
0xb6: {  	s17 =	sadd.s32 s5, s10;
	s18 =	simm.s32 $0x1800  }
0xb7: {  	[hbm4b:s17+s4] =	stream.linear.scatter [tilespmem:s18], [sflag:$0x3], $0x400, $0x38;
	[tilespmem:$0x4C00] =	vst v63  }
0xb8: {  	s17 =	sadd.s32 s5, s11;
	s18 =	simm.s32 $0x1C00  }
0xb9: {  	[hbm4b:s17+s4] =	stream.linear.scatter [tilespmem:s18], [sflag:$0x3], $0x400, $0x38;
	[tilespmem:$0x4C00] =	vst v63  }
0xba: {  	p1 =	sne.s32 s31, $0x31;
	s17 =	sadd.s32 s5, s12;
	s18 =	simm.s32 $0x2000  }
0xbb: {  	[hbm4b:s17+s4] =	stream.linear.scatter [tilespmem:s18], [sflag:$0x3], $0x400, $0x38;
	[tilespmem:$0x4C00] =	vst v63  }
.Ltmp1:
0xbc: {  	_ = 	snop;
	(pc) =	sbr.rel @p1 .LBB2_6-.Ltmp1, $4  }
0xbd: {  	s17 =	sadd.s32 s5, s13;
	s18 =	simm.s32 $0x2400  }
0xbe: {  	[hbm4b:s17+s4] =	stream.linear.scatter [tilespmem:s18], [sflag:$0x3], $0x400, $0x38;
	[tilespmem:$0x4C00] =	vst v63  }
0xbf: {  	s5 =	sadd.s32 s5, s14;
	s18 =	simm.s32 $0x2800  }
0xc0: {  	[hbm4b:s5+s4] =	stream.linear.scatter [tilespmem:s18], [sflag:$0x3], $0x400, $0x38;
	[tilespmem:$0x4C00] =	vst v63  }
.Ltmp2:
0xc1: {  	(pc) =	sbr.rel .LBB2_7-.Ltmp2, $4  }
0xc2: {  	_ = 	snop  }
0xc3: {  	_ =	swait.ge [sflag:s7], $0x400  }
0xc4: {  	[sflag:s7] =	ssyncset.done $0x0  }
0xc5: {  	[sflag:s7] =	ssyncadd.s32 $0xFFFFFC00  }
.LBB2_6:
0xc6: {  	s5 =	rddreg [dreg:$0x6]  }
0xc7: {  	s1 =	sadd.s32 s1, s5  }
0xc8: {  	s1 =	sshll.u32 s1, $0x7  }
0xc9: {  	s1 =	sand.u32 $0x1FFFFF00, s1  }
.Ltmp3:
0xca: {  	s18 =	simm.s32 $0x400;
	s1 =	sadd.s32 s2, s1;
	(pc) =	sbr.rel @p0 .LBB2_8-.Ltmp3, $4  }
0xcb: {  	[tilespmem:s18], [sflag:$0x1] =	stream.linear.gather [hbm4b:s1+s4], $0x400, $0x38;
	[tilespmem:$0x4C00] =	vst v63  }
0xcc: {  	_ =	swait.ge [sflag:s7], $0x400  }
0xcd: {  	[sflag:s7] =	ssyncset.done $0x0  }
0xce: {  	[sflag:s7] =	ssyncadd.s32 $0xFFFFFC00  }
.LBB2_7:
0xcf: {  	_ =	swait.ge [sflag:s16], $0x400  }
0xd0: {  	[sflag:s16] =	ssyncset.done $0x0  }
0xd1: {  	[sflag:s16] =	ssyncadd.s32 $0xFFFFFC00  }
0xd2: {  	_ =	swait.ge [sflag:s16], $0x400  }
0xd3: {  	[sflag:s16] =	ssyncset.done $0x0  }
0xd4: {  	[sflag:s16] =	ssyncadd.s32 $0xFFFFFC00  }
0xd5: {  	_ =	swait.ge [sflag:s16], $0x400  }
0xd6: {  	[sflag:s16] =	ssyncset.done $0x0  }
0xd7: {  	[sflag:s16] =	ssyncadd.s32 $0xFFFFFC00  }
0xd8: {  	_ =	swait.ge [sflag:s16], $0x400  }
0xd9: {  	[sflag:s16] =	ssyncset.done $0x0  }
0xda: {  	[sflag:s16] =	ssyncadd.s32 $0xFFFFFC00  }
0xdb: {  	_ =	swait.ge [sflag:s16], $0x400  }
0xdc: {  	[sflag:s16] =	ssyncset.done $0x0  }
0xdd: {  	[sflag:s16] =	ssyncadd.s32 $0xFFFFFC00  }
0xde: {  	_ =	swait.ge [sflag:s16], $0x400  }
0xdf: {  	[sflag:s16] =	ssyncset.done $0x0  }
0xe0: {  	[sflag:s16] =	ssyncadd.s32 $0xFFFFFC00  }
0xe1: {  	_ =	swait.ge [sflag:s16], $0x400  }
0xe2: {  	[sflag:s16] =	ssyncset.done $0x0  }
0xe3: {  	[sflag:s16] =	ssyncadd.s32 $0xFFFFFC00  }
0xe4: {  	_ =	swait.ge [sflag:s16], $0x400  }
0xe5: {  	[sflag:s16] =	ssyncset.done $0x0  }
0xe6: {  	[sflag:s16] =	ssyncadd.s32 $0xFFFFFC00  }
.LBB2_8:
0xe7: {  	s1 =	simm.s32 $0x840  }
0xe8: {  	v0 =	vld [tilespmem:s1+$0x30]  }
0xe9: {  	v1 =	vld [tilespmem:s1+$0xFFFFFFD0]  }
0xea: {  	v2 =	vld [tilespmem:s1+$0xFFFFFFE0]  }
0xeb: {  	v3 =	vld [tilespmem:s1+$0xFFFFFFF0]  }
0xec: {  	v6 =	vld [tilespmem:s1+$0x0]  }
0xed: {  	v7 =	vld [tilespmem:s1+$0x10]  }
0xee: {  	v8 =	vld [tilespmem:s1+$0x20]  }
0xef: {  	v5 =	vld [tilespmem:s1+$0xFFFFFFC0]  }
0xf0: {  	v4 =	vld.idx.msk [tilespmem:v0+s4+$0x0], $0xffff  }
0xf1: {  	v9 =	vld.idx.msk [tilespmem:v1+s4+$0x0], $0xffff  }
0xf2: {  	v10 =	vld.idx.msk [tilespmem:v2+s4+$0x0], $0xffff  }
0xf3: {  	v11 =	vld.idx.msk [tilespmem:v3+s4+$0x0], $0xffff  }
0xf4: {  	v12 =	vld.idx.msk [tilespmem:v6+s4+$0x0], $0xffff  }
0xf5: {  	s1 =	simm.s32 $0x2D80;
	v13 =	vld.idx.msk [tilespmem:v7+s4+$0x0], $0xffff  }
0xf6: {  	v14 =	vld.idx.msk [tilespmem:v8+s4+$0x0], $0xffff;
	[tilespmem:s1+$0xFFFFFEF0] =	vst v4  }
0xf7: {  	v42 =	vld.idx.msk [tilespmem:v5+s4+$0x0], $0xffff;
	[tilespmem:s1+$0xFFFFFE90] =	vst v9  }
0xf8: {  	[tilespmem:s1+$0xFFFFFEA0] =	vst v10;
	v4 =	vld.idx.msk [tilespmem:v0+s21+$0x0], $0xffff  }
0xf9: {  	[tilespmem:s1+$0xFFFFFEB0] =	vst v11;
	v43 =	vld.idx.msk [tilespmem:v1+s21+$0x0], $0xffff  }
0xfa: {  	[tilespmem:s1+$0xFFFFFEC0] =	vst v12;
	v44 =	vld.idx.msk [tilespmem:v2+s21+$0x0], $0xffff  }
0xfb: {  	[tilespmem:s1+$0xFFFFFED0] =	vst v13;
	v45 =	vld.idx.msk [tilespmem:v3+s21+$0x0], $0xffff  }
0xfc: {  	[tilespmem:s1+$0xFFFFFEE0] =	vst v14;
	v46 =	vld.idx.msk [tilespmem:v6+s21+$0x0], $0xffff  }
0xfd: {  	[tilespmem:s1+$0xFFFFFE80] =	vst v42;
	v47 =	vld.idx.msk [tilespmem:v7+s21+$0x0], $0xffff  }
0xfe: {  	v9 =	vld.idx.msk [tilespmem:v5+s21+$0x0], $0xffff;
	[tilespmem:s1+$0xFFFFFF70] =	vst v4  }
0xff: {  	v48 =	vld.idx.msk [tilespmem:v8+s21+$0x0], $0xffff;
	[tilespmem:s1+$0xFFFFFF10] =	vst v43  }
0x100: {  	[tilespmem:s1+$0xFFFFFF20] =	vst v44;
	v4 =	vld.idx.msk [tilespmem:v0+s22+$0x0], $0xffff  }
0x101: {  	[tilespmem:s1+$0xFFFFFF30] =	vst v45;
	v49 =	vld.idx.msk [tilespmem:v1+s22+$0x0], $0xffff  }
0x102: {  	[tilespmem:s1+$0xFFFFFF40] =	vst v46;
	v50 =	vld.idx.msk [tilespmem:v2+s22+$0x0], $0xffff  }
0x103: {  	[tilespmem:s1+$0xFFFFFF50] =	vst v47;
	v51 =	vld.idx.msk [tilespmem:v3+s22+$0x0], $0xffff  }
0x104: {  	[tilespmem:s1+$0xFFFFFF00] =	vst v9;
	v52 =	vld.idx.msk [tilespmem:v6+s22+$0x0], $0xffff  }
0x105: {  	[tilespmem:s1+$0xFFFFFF60] =	vst v48;
	v9 =	vld.idx.msk [tilespmem:v5+s22+$0x0], $0xffff  }
0x106: {  	v53 =	vld.idx.msk [tilespmem:v7+s22+$0x0], $0xffff;
	[tilespmem:s1+$0xFFFFFFF0] =	vst v4  }
0x107: {  	v54 =	vld.idx.msk [tilespmem:v8+s22+$0x0], $0xffff;
	[tilespmem:s1+$0xFFFFFF90] =	vst v49  }
0x108: {  	[tilespmem:s1+$0xFFFFFFA0] =	vst v50;
	v4 =	vld.idx.msk [tilespmem:v0+s23+$0x0], $0xffff  }
0x109: {  	[tilespmem:s1+$0xFFFFFFB0] =	vst v51;
	v55 =	vld.idx.msk [tilespmem:v1+s23+$0x0], $0xffff  }
0x10a: {  	[tilespmem:s1+$0xFFFFFFC0] =	vst v52;
	v56 =	vld.idx.msk [tilespmem:v2+s23+$0x0], $0xffff  }
0x10b: {  	[tilespmem:s1+$0xFFFFFF80] =	vst v9;
	v57 =	vld.idx.msk [tilespmem:v3+s23+$0x0], $0xffff  }
0x10c: {  	[tilespmem:s1+$0xFFFFFFD0] =	vst v53;
	v9 =	vld.idx.msk [tilespmem:v5+s23+$0x0], $0xffff  }
0x10d: {  	[tilespmem:s1+$0xFFFFFFE0] =	vst v54;
	v58 =	vld.idx.msk [tilespmem:v6+s23+$0x0], $0xffff  }
0x10e: {  	v59 =	vld.idx.msk [tilespmem:v7+s23+$0x0], $0xffff;
	[tilespmem:s1+$0x70] =	vst v4  }
0x10f: {  	v60 =	vld.idx.msk [tilespmem:v8+s23+$0x0], $0xffff;
	[tilespmem:s1+$0x10] =	vst v55  }
0x110: {  	[tilespmem:s1+$0x20] =	vst v56;
	v4 =	vld.idx.msk [tilespmem:v0+s24+$0x0], $0xffff  }
0x111: {  	[tilespmem:s1+$0x30] =	vst v57;
	v61 =	vld.idx.msk [tilespmem:v1+s24+$0x0], $0xffff  }
0x112: {  	[tilespmem:s1+$0x0] =	vst v9;
	v62 =	vld.idx.msk [tilespmem:v2+s24+$0x0], $0xffff  }
0x113: {  	[tilespmem:s1+$0x40] =	vst v58;
	v63 =	vld.idx.msk [tilespmem:v3+s24+$0x0], $0xffff  }
0x114: {  	[tilespmem:s1+$0x50] =	vst v59;
	v10 =	vld.idx.msk [tilespmem:v6+s24+$0x0], $0xffff  }
0x115: {  	[tilespmem:s1+$0x60] =	vst v60;
	v11 =	vld.idx.msk [tilespmem:v7+s24+$0x0], $0xffff  }
0x116: {  	[tilespmem:s1+$0xF0] =	vst v4;
	v4 =	vld.idx.msk [tilespmem:v5+s24+$0x0], $0xffff  }
0x117: {  	v12 =	vld.idx.msk [tilespmem:v8+s24+$0x0], $0xffff;
	[tilespmem:s1+$0x90] =	vst v61  }
0x118: {  	[tilespmem:s1+$0xA0] =	vst v62;
	v0 =	vld.idx.msk [tilespmem:v0+s25+$0x0], $0xffff  }
0x119: {  	[tilespmem:s1+$0xB0] =	vst v63;
	v13 =	vld.idx.msk [tilespmem:v1+s25+$0x0], $0xffff  }
0x11a: {  	[tilespmem:s1+$0xC0] =	vst v10;
	v1 =	vld.idx.msk [tilespmem:v3+s25+$0x0], $0xffff  }
0x11b: {  	[tilespmem:s1+$0x80] =	vst v4;
	v4 =	vld.idx.msk [tilespmem:v2+s25+$0x0], $0xffff  }
0x11c: {  	[tilespmem:s1+$0xD0] =	vst v11;
	v5 =	vld.idx.msk [tilespmem:v5+s25+$0x0], $0xffff  }
0x11d: {  	[tilespmem:s1+$0xE0] =	vst v12;
	v3 =	vld.idx.msk [tilespmem:v7+s25+$0x0], $0xffff  }
0x11e: {  	v2 =	vld.idx.msk [tilespmem:v6+s25+$0x0], $0xffff;
	[tilespmem:s1+$0x170] =	vst v0  }
0x11f: {  	s5 =	simm.s32 $0x0;
	s15 =	simm.s32 $0x8C0;
	[tilespmem:s1+$0x110] =	vst v13;
	v0 =	vld.idx.msk [tilespmem:v8+s25+$0x0], $0xffff  }
.LBB2_9:
0x120: {  	v6 =	vld [tilespmem:s15+$0x30];
	s5 =	sadd.s32 $0x8, s5;
	[tilespmem:s1+$0x120] =	vst v4  }
0x121: {  	v4 =	vld [tilespmem:s15+$0xFFFFFFD0];
	p0 =	slt.u32 s5, $0x38;
	[tilespmem:s1+$0x100] =	vst v5  }
0x122: {  	v5 =	vld [tilespmem:s15+$0xFFFFFFE0];
	[tilespmem:s1+$0x130] =	vst v1  }
0x123: {  	v1 =	vld [tilespmem:s15+$0xFFFFFFF0];
	[tilespmem:s1+$0x140] =	vst v2  }
0x124: {  	v2 =	vld [tilespmem:s15+$0x0];
	[tilespmem:s1+$0x150] =	vst v3  }
0x125: {  	v3 =	vld [tilespmem:s15+$0x10];
	[tilespmem:s1+$0x160] =	vst v0  }
0x126: {  	v0 =	vld [tilespmem:s15+$0x20]  }
0x127: {  	v7 =	vld [tilespmem:s15+$0xFFFFFFC0]  }
0x128: {  	v8 =	vld.idx.msk [tilespmem:v6+s4+$0x0], $0xffff  }
0x129: {  	v9 =	vld.idx.msk [tilespmem:v4+s4+$0x0], $0xffff  }
0x12a: {  	v10 =	vld.idx.msk [tilespmem:v5+s4+$0x0], $0xffff  }
0x12b: {  	v11 =	vld.idx.msk [tilespmem:v1+s4+$0x0], $0xffff  }
0x12c: {  	v12 =	vld.idx.msk [tilespmem:v2+s4+$0x0], $0xffff  }
0x12d: {  	s1 =	sadd.s32 $0x400, s1;
	v13 =	vld.idx.msk [tilespmem:v3+s4+$0x0], $0xffff  }
0x12e: {  	v14 =	vld.idx.msk [tilespmem:v0+s4+$0x0], $0xffff;
	[tilespmem:s1+$0xFFFFFEF0] =	vst v8  }
0x12f: {  	[tilespmem:s1+$0xFFFFFE90] =	vst v9;
	v8 =	vld.idx.msk [tilespmem:v6+s21+$0x0], $0xffff  }
0x130: {  	v9 =	vld.idx.msk [tilespmem:v7+s4+$0x0], $0xffff;
	[tilespmem:s1+$0xFFFFFEA0] =	vst v10  }
0x131: {  	v10 =	vld.idx.msk [tilespmem:v4+s21+$0x0], $0xffff;
	[tilespmem:s1+$0xFFFFFEB0] =	vst v11  }
0x132: {  	v11 =	vld.idx.msk [tilespmem:v5+s21+$0x0], $0xffff;
	[tilespmem:s1+$0xFFFFFEC0] =	vst v12  }
0x133: {  	v12 =	vld.idx.msk [tilespmem:v1+s21+$0x0], $0xffff;
	[tilespmem:s1+$0xFFFFFED0] =	vst v13  }
0x134: {  	v13 =	vld.idx.msk [tilespmem:v2+s21+$0x0], $0xffff;
	[tilespmem:s1+$0xFFFFFEE0] =	vst v14  }
0x135: {  	v14 =	vld.idx.msk [tilespmem:v3+s21+$0x0], $0xffff;
	[tilespmem:s1+$0xFFFFFF70] =	vst v8  }
0x136: {  	[tilespmem:s1+$0xFFFFFE80] =	vst v9;
	v8 =	vld.idx.msk [tilespmem:v6+s22+$0x0], $0xffff  }
0x137: {  	v9 =	vld.idx.msk [tilespmem:v7+s21+$0x0], $0xffff;
	[tilespmem:s1+$0xFFFFFF10] =	vst v10  }
0x138: {  	[tilespmem:s1+$0xFFFFFF20] =	vst v11;
	v10 =	vld.idx.msk [tilespmem:v0+s21+$0x0], $0xffff  }
0x139: {  	v11 =	vld.idx.msk [tilespmem:v4+s22+$0x0], $0xffff;
	[tilespmem:s1+$0xFFFFFF30] =	vst v12  }
0x13a: {  	v12 =	vld.idx.msk [tilespmem:v5+s22+$0x0], $0xffff;
	[tilespmem:s1+$0xFFFFFF40] =	vst v13  }
0x13b: {  	v13 =	vld.idx.msk [tilespmem:v1+s22+$0x0], $0xffff;
	[tilespmem:s1+$0xFFFFFF50] =	vst v14  }
0x13c: {  	v14 =	vld.idx.msk [tilespmem:v2+s22+$0x0], $0xffff;
	[tilespmem:s1+$0xFFFFFFF0] =	vst v8  }
0x13d: {  	[tilespmem:s1+$0xFFFFFF00] =	vst v9;
	v8 =	vld.idx.msk [tilespmem:v6+s23+$0x0], $0xffff  }
0x13e: {  	v9 =	vld.idx.msk [tilespmem:v7+s22+$0x0], $0xffff;
	[tilespmem:s1+$0xFFFFFF60] =	vst v10  }
0x13f: {  	[tilespmem:s1+$0xFFFFFF90] =	vst v11;
	v10 =	vld.idx.msk [tilespmem:v3+s22+$0x0], $0xffff  }
0x140: {  	[tilespmem:s1+$0xFFFFFFA0] =	vst v12;
	v11 =	vld.idx.msk [tilespmem:v0+s22+$0x0], $0xffff  }
0x141: {  	v12 =	vld.idx.msk [tilespmem:v4+s23+$0x0], $0xffff;
	[tilespmem:s1+$0xFFFFFFB0] =	vst v13  }
0x142: {  	v13 =	vld.idx.msk [tilespmem:v5+s23+$0x0], $0xffff;
	[tilespmem:s1+$0xFFFFFFC0] =	vst v14  }
0x143: {  	v14 =	vld.idx.msk [tilespmem:v1+s23+$0x0], $0xffff;
	[tilespmem:s1+$0x70] =	vst v8  }
0x144: {  	[tilespmem:s1+$0xFFFFFF80] =	vst v9;
	v8 =	vld.idx.msk [tilespmem:v6+s24+$0x0], $0xffff  }
0x145: {  	v9 =	vld.idx.msk [tilespmem:v7+s23+$0x0], $0xffff;
	[tilespmem:s1+$0xFFFFFFD0] =	vst v10  }
0x146: {  	v10 =	vld.idx.msk [tilespmem:v2+s23+$0x0], $0xffff;
	[tilespmem:s1+$0xFFFFFFE0] =	vst v11  }
0x147: {  	[tilespmem:s1+$0x10] =	vst v12;
	v11 =	vld.idx.msk [tilespmem:v3+s23+$0x0], $0xffff  }
0x148: {  	[tilespmem:s1+$0x20] =	vst v13;
	v12 =	vld.idx.msk [tilespmem:v0+s23+$0x0], $0xffff  }
0x149: {  	v13 =	vld.idx.msk [tilespmem:v4+s24+$0x0], $0xffff;
	[tilespmem:s1+$0x30] =	vst v14  }
0x14a: {  	v14 =	vld.idx.msk [tilespmem:v5+s24+$0x0], $0xffff;
	[tilespmem:s1+$0xF0] =	vst v8  }
0x14b: {  	[tilespmem:s1+$0x0] =	vst v9;
	v6 =	vld.idx.msk [tilespmem:v6+s25+$0x0], $0xffff  }
0x14c: {  	v8 =	vld.idx.msk [tilespmem:v7+s24+$0x0], $0xffff;
	[tilespmem:s1+$0x40] =	vst v10  }
0x14d: {  	v9 =	vld.idx.msk [tilespmem:v1+s24+$0x0], $0xffff;
	[tilespmem:s1+$0x50] =	vst v11  }
0x14e: {  	v10 =	vld.idx.msk [tilespmem:v2+s24+$0x0], $0xffff;
	[tilespmem:s1+$0x60] =	vst v12  }
0x14f: {  	[tilespmem:s1+$0x90] =	vst v13;
	v11 =	vld.idx.msk [tilespmem:v3+s24+$0x0], $0xffff  }
0x150: {  	[tilespmem:s1+$0xA0] =	vst v14;
	v12 =	vld.idx.msk [tilespmem:v0+s24+$0x0], $0xffff  }
0x151: {  	v13 =	vld.idx.msk [tilespmem:v4+s25+$0x0], $0xffff;
	[tilespmem:s1+$0x170] =	vst v6  }
0x152: {  	[tilespmem:s1+$0x80] =	vst v8;
	v4 =	vld.idx.msk [tilespmem:v5+s25+$0x0], $0xffff  }
.Ltmp4:
0x153: {  	v5 =	vld.idx.msk [tilespmem:v7+s25+$0x0], $0xffff;
	[tilespmem:s1+$0xB0] =	vst v9;
	(pc) =	sbr.rel @p0 .LBB2_9-.Ltmp4, $4  }
0x154: {  	v1 =	vld.idx.msk [tilespmem:v1+s25+$0x0], $0xffff;
	[tilespmem:s1+$0xC0] =	vst v10  }
0x155: {  	v2 =	vld.idx.msk [tilespmem:v2+s25+$0x0], $0xffff;
	[tilespmem:s1+$0xD0] =	vst v11  }
0x156: {  	v3 =	vld.idx.msk [tilespmem:v3+s25+$0x0], $0xffff;
	[tilespmem:s1+$0xE0] =	vst v12  }
0x157: {  	s15 =	sadd.s32 $0x80, s15;
	[tilespmem:s1+$0x110] =	vst v13;
	v0 =	vld.idx.msk [tilespmem:v0+s25+$0x0], $0xffff  }
0x158: {  	[tilespmem:s1+$0x120] =	vst v4  }
0x159: {  	[tilespmem:s1+$0x100] =	vst v5;
	s5 =	sshll.u32 s0, $0x3  }
0x15a: {  	s15 =	sand.u32 $0x7F, s0;
	[tilespmem:s1+$0x130] =	vst v1;
	s5 =	sand.u32 $0x3FFC00, s5  }
0x15b: {  	s0 =	sor.u32 s15, s5;
	[tilespmem:s1+$0x140] =	vst v2  }
0x15c: {  	[tilespmem:s1+$0x150] =	vst v3;
	s0 =	sshll.u32 s0, $0x7  }
0x15d: {  	s18 =	simm.s32 $0x2C00;
	[tilespmem:s1+$0x160] =	vst v0;
	s17 =	sadd.s32 s3, s0  }
0x15e: {  	[hbm4b:s17+s4] =	stream.linear.scatter [tilespmem:s18], [sflag:$0x4], $0x400, $0x38;
	[tilespmem:$0x4C00] =	vst v63  }
0x15f: {  	s15 =	simm.s32 $0x3000;
	s5 =	sadd.s32 s0, s8  }
0x160: {  	[hbm4b:s5+s4] =	stream.linear.scatter [tilespmem:s15], [sflag:$0x4], $0x400, $0x38;
	[tilespmem:$0x4C00] =	vst v63  }
0x161: {  	s17 =	sadd.s32 s0, s9;
	s18 =	simm.s32 $0x3400  }
0x162: {  	[hbm4b:s17+s4] =	stream.linear.scatter [tilespmem:s18], [sflag:$0x4], $0x400, $0x38;
	[tilespmem:$0x4C00] =	vst v63  }
0x163: {  	s5 =	sadd.s32 s0, s10  }
0x164: {  	[hbm4b:s5+s4] =	stream.linear.scatter [tilespmem:s19], [sflag:$0x4], $0x400, $0x38;
	[tilespmem:$0x4C00] =	vst v63  }
0x165: {  	s31 =	sadd.s32 $0x1, s31;
	s15 =	sadd.s32 s0, s11  }
0x166: {  	[hbm4b:s15+s4] =	stream.linear.scatter [tilespmem:s26], [sflag:$0x4], $0x400, $0x38;
	[tilespmem:$0x4C00] =	vst v63  }
0x167: {  	p0 =	sne.s32 s31, $0x32;
	s17 =	sadd.s32 s0, s12  }
0x168: {  	[hbm4b:s17+s4] =	stream.linear.scatter [tilespmem:s28], [sflag:$0x4], $0x400, $0x38;
	[tilespmem:$0x4C00] =	vst v63  }
.Ltmp5:
0x169: {  	_ = 	snop;
	(pc) =	sbr.rel @p0 .LBB2_2-.Ltmp5, $4  }
0x16a: {  	s18 =	sadd.s32 s0, s13  }
0x16b: {  	[hbm4b:s18+s4] =	stream.linear.scatter [tilespmem:s29], [sflag:$0x4], $0x400, $0x38;
	[tilespmem:$0x4C00] =	vst v63  }
0x16c: {  	s0 =	sadd.s32 s0, s14  }
0x16d: {  	[hbm4b:s0+s4] =	stream.linear.scatter [tilespmem:s30], [sflag:$0x4], $0x400, $0x38;
	[tilespmem:$0x4C00] =	vst v63  }
0x16e: {  	s0 =	simm.s32 $0x3  }
0x16f: {  	_ =	swait.ge [sflag:s0], $0x400  }
0x170: {  	[sflag:s0] =	ssyncset.done $0x0  }
0x171: {  	[sflag:s0] =	ssyncadd.s32 $0xFFFFFC00  }
0x172: {  	_ =	swait.ge [sflag:s0], $0x400  }
0x173: {  	[sflag:s0] =	ssyncset.done $0x0  }
0x174: {  	[sflag:s0] =	ssyncadd.s32 $0xFFFFFC00  }
0x175: {  	_ =	swait.ge [sflag:s0], $0x400  }
0x176: {  	[sflag:s0] =	ssyncset.done $0x0  }
0x177: {  	[sflag:s0] =	ssyncadd.s32 $0xFFFFFC00  }
0x178: {  	_ =	swait.ge [sflag:s0], $0x400  }
0x179: {  	[sflag:s0] =	ssyncset.done $0x0  }
0x17a: {  	[sflag:s0] =	ssyncadd.s32 $0xFFFFFC00  }
0x17b: {  	_ =	swait.ge [sflag:s0], $0x400  }
0x17c: {  	[sflag:s0] =	ssyncset.done $0x0  }
0x17d: {  	[sflag:s0] =	ssyncadd.s32 $0xFFFFFC00  }
0x17e: {  	_ =	swait.ge [sflag:s0], $0x400  }
0x17f: {  	[sflag:s0] =	ssyncset.done $0x0  }
0x180: {  	[sflag:s0] =	ssyncadd.s32 $0xFFFFFC00  }
0x181: {  	_ =	swait.ge [sflag:s0], $0x400  }
0x182: {  	[sflag:s0] =	ssyncset.done $0x0  }
0x183: {  	[sflag:s0] =	ssyncadd.s32 $0xFFFFFC00  }
0x184: {  	_ =	swait.ge [sflag:s0], $0x400  }
0x185: {  	[sflag:s0] =	ssyncset.done $0x0  }
0x186: {  	[sflag:s0] =	ssyncadd.s32 $0xFFFFFC00  }
0x187: {  	_ =	swait.ge [sflag:s16], $0x400  }
0x188: {  	[sflag:s16] =	ssyncset.done $0x0  }
0x189: {  	[sflag:s16] =	ssyncadd.s32 $0xFFFFFC00  }
0x18a: {  	_ =	swait.ge [sflag:s16], $0x400  }
0x18b: {  	[sflag:s16] =	ssyncset.done $0x0  }
0x18c: {  	[sflag:s16] =	ssyncadd.s32 $0xFFFFFC00  }
0x18d: {  	_ =	swait.ge [sflag:s16], $0x400  }
0x18e: {  	[sflag:s16] =	ssyncset.done $0x0  }
0x18f: {  	[sflag:s16] =	ssyncadd.s32 $0xFFFFFC00  }
0x190: {  	_ =	swait.ge [sflag:s16], $0x400  }
0x191: {  	[sflag:s16] =	ssyncset.done $0x0  }
0x192: {  	[sflag:s16] =	ssyncadd.s32 $0xFFFFFC00  }
0x193: {  	_ =	swait.ge [sflag:s16], $0x400  }
0x194: {  	[sflag:s16] =	ssyncset.done $0x0  }
0x195: {  	[sflag:s16] =	ssyncadd.s32 $0xFFFFFC00  }
0x196: {  	_ =	swait.ge [sflag:s16], $0x400  }
0x197: {  	[sflag:s16] =	ssyncset.done $0x0  }
0x198: {  	[sflag:s16] =	ssyncadd.s32 $0xFFFFFC00  }
0x199: {  	_ =	swait.ge [sflag:s16], $0x400  }
0x19a: {  	[sflag:s16] =	ssyncset.done $0x0  }
0x19b: {  	[sflag:s16] =	ssyncadd.s32 $0xFFFFFC00  }
0x19c: {  	_ =	swait.ge [sflag:s16], $0x400  }
0x19d: {  	s1 =	rddreg [dreg:$0x8]  }
0x19e: {  	s31 =	rddreg [dreg:$0x7];
	s1 =	sadd.s32 $0x1, s1  }
0x19f: {  	p0 =	sne.s32 s1, s31  }
.Ltmp6:
0x1a0: {  	_ = 	snop;
	(pc) =	sbr.rel @p0 .LBB2_1-.Ltmp6, $3  }
0x1a1: {  	_ =	sdelay $0x1  }
0x1a2: {  	[sflag:s16] =	ssyncset.done $0x0  }
0x1a3: {  	[sflag:s16] =	ssyncadd.s32 $0xFFFFFC00  }
0x1a4: {  	_ =	sfence.sel $0x180000  }
0x1a5: {  	[bflag:$0x0] =	sbarrier.arrive $0xFFFF  }
0x1a6: {  	_ =	strace $0x90000047  }
0x1a7: {  	s0 =	stileid.u32;
	[bflag:$0x2] =	sbarrier.arrive $0xFFFF  }
0x1a8: {  	p0 =	sne.s32 s0, $0x0;
	s0 =	rddreg [dreg:$0x3]  }
0x1a9: {  	s0 =	sadd.s32 @!p0 $0x100000, s0  }
0x1aa: {  	[sflag:s0] =	ssyncadd.tile.s32 @!p0 $0x1;
	_ =	shalt  }
.Lfunc_end2:
_tile_overlayer_lowered:
.L_overlay_start_2:
0x1ab: {  	(tag) =	ssettag $0x2  }
0x1ac: {  	s0 =	rddreg [dreg:$0x0];
	s2 =	stileid.u32  }
0x1ad: {  	s1 =	rddreg [dreg:$0x1];
	p0 =	sne.s32 s2, $0x0  }
0x1ae: {  	s3 =	rddreg [dreg:$0x2];
	[bflag:$0x3] =	sbarrier.arrive $0xFFFF;
	s2 =	simm.s32 @!p0 $0x1C05  }
0x1af: {  	[timem:s3], [sflag:s2] =	dma.local @!p0 [hbm:s0], s1  }
0x1b0: {  	s0 =	simm.s32 @!p0 $0x5  }
0x1b1: {  	_ =	swait.ge @!p0 [sflag:s0], s1  }
0x1b2: {  	s1 =	ssub.s32 @!p0 $0x0, s1;
	[sflag:s0] =	ssyncset.done @!p0 $0x0  }
0x1b3: {  	[sflag:s0] =	ssyncadd.s32 @!p0 s1  }
0x1b4: {  	[bflag:$0x3] =	sbarrier.arrive $0xFFFF  }
0x1b5: {  	_ =	shalt  }

</sc_bundles>
